<compile_context>
chip_gen: v7x
topology: tpu7x:2x2x1
jax: 0.10.2.dev20260603
libtpu: 0.0.44.dev20260713+nightly
codegen_flags: <defaults>
</compile_context>

<pallas_src>
import jax
import jax.numpy as jnp
from jax import lax
from jax.experimental import pallas as pl
from jax.experimental.pallas import tpu as pltpu
from jax.experimental.pallas import tpu_sc as plsc

D = 128
DC = D // 16
BATCH = 4096
K = 10
NS = 5
NCH = K + NS
NPAIR = NCH - 1
NW = 32
BPW = BATCH // NW
SUB = 8
GIDX = NCH * SUB
NG = BPW // SUB
NROW = BATCH * NCH // 128


def _tree_sum(vs):
    vs = list(vs)
    while len(vs) > 1:
        nxt = [vs[i] + vs[i + 1] for i in range(0, len(vs) - 1, 2)]
        if len(vs) % 2:
            nxt.append(vs[-1])
        vs = nxt
    return vs[0]


def _sc_body(idx_hbm, emb_hbm, out_hbm,
             raw_v, idx_v, xbuf, accflat, dots_v, sem0, sem1):
    c = lax.axis_index("c")
    s = lax.axis_index("s")
    wid = s * 2 + c
    base = wid * BPW
    pltpu.sync_copy(idx_hbm.at[pl.ds(base * NCH, BPW * NCH)], raw_v)

    lane = lax.iota(jnp.int32, 16)
    straddle = jnp.where(lane >= SUB, GIDX - SUB, 0) + lane

    def build_body(gp, carry):
        rows16 = lane + gp * 16

        def k_body(k, carry2):
            p = rows16 * NCH + k
            vec = plsc.load_gather(raw_v, [p])
            plsc.store_scatter(
                idx_v, [(gp * 2) * GIDX + k * SUB + straddle], vec)
            return carry2

        return lax.fori_loop(0, NCH, k_body, carry, unroll=False)

    lax.fori_loop(0, NG // 2, build_body, 0, unroll=False)

    def fire(g, buf):
        return pltpu.async_copy(
            emb_hbm.at[idx_v.at[pl.ds(g * GIDX, GIDX)]],
            xbuf.at[buf], sems[buf])

    sems = (sem0, sem1)

    def wait(buf):
        pltpu.make_async_copy(
            emb_hbm.at[idx_v.at[pl.ds(0, GIDX)]], xbuf.at[buf],
            sems[buf]).wait()

    def compute(buf, half):
        def row_body(r, carry):
            x0c = [xbuf[buf, r, pl.ds(cc * 16, 16)] for cc in range(DC)]
            for k in range(1, NCH):
                acc = _tree_sum(
                    [x0c[cc] * xbuf[buf, k * SUB + r, pl.ds(cc * 16, 16)]
                     for cc in range(DC)])
                plsc.store_scatter(
                    accflat,
                    [lane * 16 + ((k - 1) * 256 + half * SUB + r)], acc)
            return carry

        lax.fori_loop(0, SUB, row_body, 0, unroll=False)

    fire(0, 0)
    fire(1, 1)

    def pair_body(gp, carry):
        wait(0)
        compute(0, 0)

        @pl.when(gp < NG // 2 - 1)
        def _():
            fire_dyn(2 * gp + 2, 0)

        wait(1)
        compute(1, 1)

        @pl.when(gp < NG // 2 - 1)
        def _():
            fire_dyn(2 * gp + 3, 1)

        def red_body(k, carry2):
            dot = _tree_sum(
                [accflat[pl.ds(k * 256 + l * 16, 16)] for l in range(16)])
            dots_v[k, pl.ds(gp * 16, 16)] = dot
            return carry2

        lax.fori_loop(0, NPAIR, red_body, 0, unroll=False)
        return carry

    def fire_dyn(g, buf):
        pltpu.async_copy(
            emb_hbm.at[idx_v.at[pl.ds(g * GIDX, GIDX)]],
            xbuf.at[buf], sems[buf])

    lax.fori_loop(0, NG // 2, pair_body, 0, unroll=False)

    pltpu.sync_copy(dots_v, out_hbm.at[:, pl.ds(base, BPW)])


@jax.jit
def _sc_dots(idx_cat, embedding):
    mesh = plsc.VectorSubcoreMesh(core_axis_name="c", subcore_axis_name="s")
    return pl.kernel(
        _sc_body,
        out_type=jax.ShapeDtypeStruct((NPAIR, BATCH), jnp.float32),
        mesh=mesh,
        compiler_params=pltpu.CompilerParams(needs_layout_passes=False),
        scratch_types=[
            pltpu.VMEM((BPW * NCH,), jnp.int32),
            pltpu.VMEM((NG * GIDX,), jnp.int32),
            pltpu.VMEM((2, GIDX, D), jnp.float32),
            pltpu.VMEM((NPAIR * 256,), jnp.float32),
            pltpu.VMEM((NPAIR, BPW), jnp.float32),
            pltpu.SemaphoreType.DMA,
            pltpu.SemaphoreType.DMA,
        ],
    )(idx_cat, embedding)


def _tc_loss_body(d_ref, out_ref):
    dots = d_ref[...]
    pos = dots[: K - 1]
    neg = dots[K - 1:]
    pos_loss = -jnp.log(jax.nn.sigmoid(pos) + 1e-08)
    neg_loss = -jnp.log(1.0 - jax.nn.sigmoid(neg) + 1e-08)
    out_ref[0, 0] = (jnp.sum(pos_loss) / (BATCH * (K - 1))
                     + jnp.sum(neg_loss) / (BATCH * NS))


@jax.jit
def _tc_loss(dots):
    out = pl.pallas_call(
        _tc_loss_body,
        out_specs=pl.BlockSpec(memory_space=pltpu.SMEM),
        out_shape=jax.ShapeDtypeStruct((1, 1), jnp.float32),
    )(dots)
    return out[0, 0]


def kernel(walks, neg_samples, embedding):
    idx_cat = jnp.concatenate(
        [walks.astype(jnp.int32), neg_samples.astype(jnp.int32)],
        axis=1).reshape(-1)
    dots = _sc_dots(idx_cat, embedding)
    return _tc_loss(dots)

# --- scband reference (transcript-rebuilt; emitter-appended) ---
"""Pipeline reference for scband-node2-vec-65859028517221 (READ-ONLY COPY).

The authoritative reference and input builder live on the scoring server;
editing this copy changes nothing except your own understanding.
"""

import jax, jax.numpy as jnp
import numpy as np

NUM_NODES = 100000
D = 128
BATCH = 4096
K = 10
NS = 5

def setup_inputs(seed: int = 0) -> dict:
    key = jax.random.key(seed)
    k1, k2, k3 = jax.random.split(key, 3)
    walks = jax.random.randint(k1, (BATCH, K), 0, NUM_NODES)
    neg_samples = jax.random.randint(k2, (BATCH, NS), 0, NUM_NODES)
    # learned embedding table (nn.Embedding default init: N(0,1))
    embedding = jax.random.normal(k3, (NUM_NODES, D), dtype=jnp.float32)
    return {"walks": walks, "neg_samples": neg_samples, "embedding": embedding}


def reference(walks, neg_samples, embedding):
    batch_size = walks.shape[0]
    d = embedding.shape[1]
    start = walks[:, 0]
    rest = walks[:, 1:]
    # embedding lookups (gather)
    x_start = jnp.take(embedding, start, axis=0).reshape(batch_size, 1, d)
    x_rest = jnp.take(embedding, rest.reshape(-1), axis=0).reshape(batch_size, -1, d)
    # positive loss
    x_pos = jnp.sum(x_start * x_rest, axis=-1).reshape(-1)
    pos_loss = -jnp.log(jax.nn.sigmoid(x_pos) + 1e-08)
    # negative loss
    x_neg_rest = jnp.take(embedding, neg_samples.reshape(-1), axis=0).reshape(batch_size, -1, d)
    x_neg = jnp.sum(x_start * x_neg_rest, axis=-1).reshape(-1)
    neg_loss = -jnp.log(1.0 - jax.nn.sigmoid(x_neg) + 1e-08)
    return pos_loss.mean() + neg_loss.mean()

if __name__ == "__main__":
    import jax
    _d = setup_inputs()
    print(jax.jit(kernel)(*tuple(_d.values())))

</pallas_src>

<mosaic_0001>
#map = affine_map<(d0, d1) -> (0)>
#map1 = affine_map<(d0, d1) -> (0, 0)>
module attributes {stable_mosaic.version = 14 : i64} {
  func.func @_sc_body(%arg0: i32, %arg1: i32, %arg2: memref<61440xi32, #tpu.memory_space<hbm>>, %arg3: memref<100000x128xf32, #tpu.memory_space<hbm>>, %arg4: memref<14x4096xf32, #tpu.memory_space<hbm>>, %arg5: memref<1920xi32, #tpu.memory_space<vmem>>, %arg6: memref<1920xi32, #tpu.memory_space<vmem>>, %arg7: memref<2x120x128xf32, #tpu.memory_space<vmem>>, %arg8: memref<3584xf32, #tpu.memory_space<vmem>>, %arg9: memref<14x128xf32, #tpu.memory_space<vmem>>, %arg10: memref<!tpu.dma_semaphore, #tpu.memory_space<semaphore_mem>>, %arg11: memref<!tpu.dma_semaphore, #tpu.memory_space<semaphore_mem>>) attributes {dimension_semantics = [#tpu.dimension_semantics<core_parallel>, #tpu.dimension_semantics<subcore_parallel>], iteration_bounds = array<i64: 2, 16>, scalar_prefetch = 0 : i64, scratch_operands = 7 : i64, tpu.core_type = #tpu.core_type<sc_vector_subcore>, window_params = [{transform_indices = #map}, {transform_indices = #map1}, {transform_indices = #map1}]} {
    %mul3A = arith.constant 2 : i32
    %mul3A_0 = arith.muli %arg1, %mul3A : i32
    %add3A = arith.addi %mul3A_0, %arg0 : i32
    %mul3A_1 = arith.constant 128 : i32
    %mul3A_2 = arith.muli %add3A, %mul3A_1 : i32
    %mul3A_3 = arith.constant 15 : i32
    %mul3A_4 = arith.muli %mul3A_2, %mul3A_3 : i32
    "tpu.region"() ({
      %run_scoped3A = tpu.sem_alloc : memref<!tpu.dma_semaphore, #tpu.memory_space<semaphore_mem>>
      %dma_start3A_40 = tpu.memref_slice %arg2[%mul3A_4] : memref<61440xi32, #tpu.memory_space<hbm>> -> memref<1920xi32, #tpu.memory_space<hbm>>
      %dma_start3A_41 = tpu.memref_slice %arg2[%mul3A_4] : memref<61440xi32, #tpu.memory_space<hbm>> -> memref<1920xi32, #tpu.memory_space<hbm>>
      tpu.enqueue_dma source(%dma_start3A_41 : memref<1920xi32, #tpu.memory_space<hbm>>) target(%arg5 : memref<1920xi32, #tpu.memory_space<vmem>>) target_semaphore(%run_scoped3A : memref<!tpu.dma_semaphore, #tpu.memory_space<semaphore_mem>>)
      %dma_wait3A = tpu.memref_slice %arg2[%mul3A_4] : memref<61440xi32, #tpu.memory_space<hbm>> -> memref<1920xi32, #tpu.memory_space<hbm>>
      %dma_wait3A_42 = tpu.memref_slice %arg2[%mul3A_4] : memref<61440xi32, #tpu.memory_space<hbm>> -> memref<1920xi32, #tpu.memory_space<hbm>>
      tpu.wait_dma2 semaphore(%run_scoped3A : memref<!tpu.dma_semaphore, #tpu.memory_space<semaphore_mem>>) src(%dma_wait3A_42 : memref<1920xi32, #tpu.memory_space<hbm>>) dst(%arg5 : memref<1920xi32, #tpu.memory_space<vmem>>)
      tpu.yield
    }) : () -> ()
    %iota3A = tpu.iota {dimensions = array<i32: 0>} : vector<16xi32>
    %ge3A = arith.constant 8 : i32
    %ge3A_5 = vector.broadcast %ge3A : i32 to vector<16xi32>
    %ge3A_6 = arith.cmpi sge, %iota3A, %ge3A_5 : vector<16xi32>
    %jit3A = arith.constant 112 : i32
    %jit3A_7 = arith.constant 0 : i32
    %broadcast_in_dim3A = vector.broadcast %jit3A : i32 to vector<16xi32>
    %broadcast_in_dim3A_8 = vector.broadcast %jit3A_7 : i32 to vector<16xi32>
    %select_n3A = arith.select %ge3A_6, %broadcast_in_dim3A, %broadcast_in_dim3A_8 : vector<16xi1>, vector<16xi32>
    %add3A_9 = arith.addi %select_n3A, %iota3A : vector<16xi32>
    %scan3A = arith.constant 0 : i32
    %scan3A_10 = arith.constant 0 : i32
    %scan3A_11 = arith.constant 8 : i32
    %scan3A_12 = arith.addi %scan3A_10, %scan3A_11 : i32
    %scan3A_13 = arith.constant 1 : i32
    scf.for %scan3A_40 = %scan3A_10 to %scan3A_12 step %scan3A_13  : i32 {
      %mul3A_41 = arith.constant 16 : i32
      %mul3A_42 = arith.muli %scan3A_40, %mul3A_41 : i32
      %add3A_43 = vector.broadcast %mul3A_42 : i32 to vector<16xi32>
      %add3A_44 = arith.addi %iota3A, %add3A_43 : vector<16xi32>
      %scan3A_45 = arith.constant 0 : i32
      %scan3A_46 = arith.constant 15 : i32
      %scan3A_47 = arith.addi %scan3A_45, %scan3A_46 : i32
      %scan3A_48 = arith.constant 1 : i32
      scf.for %scan3A_50 = %scan3A_45 to %scan3A_47 step %scan3A_48  : i32 {
        %mul3A_51 = arith.constant 15 : i32
        %mul3A_52 = vector.broadcast %mul3A_51 : i32 to vector<16xi32>
        %mul3A_53 = arith.muli %add3A_44, %mul3A_52 : vector<16xi32>
        %add3A_54 = vector.broadcast %scan3A_50 : i32 to vector<16xi32>
        %add3A_55 = arith.addi %mul3A_53, %add3A_54 : vector<16xi32>
        %gather3A = tpu.vector_load_idx %arg5[%add3A_55] : memref<1920xi32, #tpu.memory_space<vmem>>[vector<16xi32>], vector<16xi32>,
        %mul3A_56 = arith.constant 2 : i32
        %mul3A_57 = arith.muli %scan3A_40, %mul3A_56 : i32
        %mul3A_58 = arith.constant 120 : i32
        %mul3A_59 = arith.muli %mul3A_57, %mul3A_58 : i32
        %mul3A_60 = arith.constant 8 : i32
        %mul3A_61 = arith.muli %scan3A_50, %mul3A_60 : i32
        %add3A_62 = arith.addi %mul3A_59, %mul3A_61 : i32
        %add3A_63 = vector.broadcast %add3A_62 : i32 to vector<16xi32>
        %add3A_64 = arith.addi %add3A_63, %add3A_9 : vector<16xi32>
        tpu.vector_store_idx %arg6[%add3A_64], %gather3A : memref<1920xi32, #tpu.memory_space<vmem>>[vector<16xi32>], vector<16xi32>,
      }
      %scan3A_49 = arith.constant 15 : i32
    }
    %scan3A_14 = arith.constant 8 : i32
    %dma_start3A = arith.constant 0 : i32
    %dma_start3A_15 = arith.constant 0 : i32
    %dma_start3A_16 = arith.constant 0 : i32
    %dma_start3A_17 = tpu.memref_slice %arg7[%dma_start3A, %dma_start3A_15, %dma_start3A_16] : memref<2x120x128xf32, #tpu.memory_space<vmem>> -> memref<1x120x128xf32, #tpu.memory_space<vmem>>
    %dma_start3A_18 = tpu.memref_squeeze %dma_start3A_17 : memref<1x120x128xf32, #tpu.memory_space<vmem>> -> memref<120x128xf32, #tpu.memory_space<vmem>>
    %dma_start3A_19 = arith.constant 0 : i32
    %dma_start3A_20 = tpu.memref_slice %arg6[%dma_start3A_19] : memref<1920xi32, #tpu.memory_space<vmem>> -> memref<120xi32, #tpu.memory_space<vmem>>
    %dma_start3A_21 = arith.constant 0 : i32
    %dma_start3A_22 = arith.constant 0 : i32
    %dma_start3A_23 = tpu.memref_slice %arg3[%dma_start3A_21, %dma_start3A_22] : memref<100000x128xf32, #tpu.memory_space<hbm>> -> memref<100000x128xf32, #tpu.memory_space<hbm>>
    tpu.enqueue_indirect_dma source(%dma_start3A_23 : memref<100000x128xf32, #tpu.memory_space<hbm>>) target(%dma_start3A_18 : memref<120x128xf32, #tpu.memory_space<vmem>>) offsets(%dma_start3A_20 : memref<120xi32, #tpu.memory_space<vmem>>) semaphore(%arg10 : memref<!tpu.dma_semaphore, #tpu.memory_space<semaphore_mem>>)
    %dma_start3A_24 = arith.constant 1 : i32
    %dma_start3A_25 = arith.constant 0 : i32
    %dma_start3A_26 = arith.constant 0 : i32
    %dma_start3A_27 = tpu.memref_slice %arg7[%dma_start3A_24, %dma_start3A_25, %dma_start3A_26] : memref<2x120x128xf32, #tpu.memory_space<vmem>> -> memref<1x120x128xf32, #tpu.memory_space<vmem>>
    %dma_start3A_28 = tpu.memref_squeeze %dma_start3A_27 : memref<1x120x128xf32, #tpu.memory_space<vmem>> -> memref<120x128xf32, #tpu.memory_space<vmem>>
    %dma_start3A_29 = arith.constant 120 : i32
    %dma_start3A_30 = tpu.memref_slice %arg6[%dma_start3A_29] : memref<1920xi32, #tpu.memory_space<vmem>> -> memref<120xi32, #tpu.memory_space<vmem>>
    %dma_start3A_31 = arith.constant 0 : i32
    %dma_start3A_32 = arith.constant 0 : i32
    %dma_start3A_33 = tpu.memref_slice %arg3[%dma_start3A_31, %dma_start3A_32] : memref<100000x128xf32, #tpu.memory_space<hbm>> -> memref<100000x128xf32, #tpu.memory_space<hbm>>
    tpu.enqueue_indirect_dma source(%dma_start3A_33 : memref<100000x128xf32, #tpu.memory_space<hbm>>) target(%dma_start3A_28 : memref<120x128xf32, #tpu.memory_space<vmem>>) offsets(%dma_start3A_30 : memref<120xi32, #tpu.memory_space<vmem>>) semaphore(%arg11 : memref<!tpu.dma_semaphore, #tpu.memory_space<semaphore_mem>>)
    %scan3A_34 = arith.constant 0 : i32
    %scan3A_35 = arith.constant 0 : i32
    %scan3A_36 = arith.constant 8 : i32
    %scan3A_37 = arith.addi %scan3A_35, %scan3A_36 : i32
    %scan3A_38 = arith.constant 1 : i32
    scf.for %scan3A_40 = %scan3A_35 to %scan3A_37 step %scan3A_38  : i32 {
      %dma_wait3A = arith.constant 0 : i32
      %dma_wait3A_41 = arith.constant 0 : i32
      %dma_wait3A_42 = arith.constant 0 : i32
      %dma_wait3A_43 = tpu.memref_slice %arg7[%dma_wait3A, %dma_wait3A_41, %dma_wait3A_42] : memref<2x120x128xf32, #tpu.memory_space<vmem>> -> memref<1x120x128xf32, #tpu.memory_space<vmem>>
      %dma_wait3A_44 = tpu.memref_squeeze %dma_wait3A_43 : memref<1x120x128xf32, #tpu.memory_space<vmem>> -> memref<120x128xf32, #tpu.memory_space<vmem>>
      %dma_wait3A_45 = arith.constant 0 : i32
      %dma_wait3A_46 = tpu.memref_slice %arg6[%dma_wait3A_45] : memref<1920xi32, #tpu.memory_space<vmem>> -> memref<120xi32, #tpu.memory_space<vmem>>
      %dma_wait3A_47 = arith.constant 0 : i32
      %dma_wait3A_48 = arith.constant 0 : i32
      %dma_wait3A_49 = tpu.memref_slice %arg3[%dma_wait3A_47, %dma_wait3A_48] : memref<100000x128xf32, #tpu.memory_space<hbm>> -> memref<100000x128xf32, #tpu.memory_space<hbm>>
      tpu.wait_indirect_dma semaphore(%arg10 : memref<!tpu.dma_semaphore, #tpu.memory_space<semaphore_mem>>) src(%dma_wait3A_49 : memref<100000x128xf32, #tpu.memory_space<hbm>>) dst(%dma_wait3A_44 : memref<120x128xf32, #tpu.memory_space<vmem>>)
      %scan3A_50 = arith.constant 0 : i32
      %scan3A_51 = arith.constant 0 : i32
      %scan3A_52 = arith.constant 8 : i32
      %scan3A_53 = arith.addi %scan3A_51, %scan3A_52 : i32
      %scan3A_54 = arith.constant 1 : i32
      scf.for %scan3A_85 = %scan3A_51 to %scan3A_53 step %scan3A_54  : i32 {
        %get3A = arith.constant 0 : i32
        %get3A_86 = arith.index_cast %get3A : i32 to index
        %get3A_87 = arith.index_cast %scan3A_85 : i32 to index
        %get3A_88 = arith.constant 0 : index
        %get3A_89 = tpu.vector_load %arg7[%get3A_86, %get3A_87, %get3A_88] {strides = array<i32>} : memref<2x120x128xf32, #tpu.memory_space<vmem>>, vector<16xf32>,
        %get3A_90 = arith.constant 0 : i32
        %get3A_91 = arith.index_cast %get3A_90 : i32 to index
        %get3A_92 = arith.index_cast %scan3A_85 : i32 to index
        %get3A_93 = arith.constant 16 : index
        %get3A_94 = tpu.vector_load %arg7[%get3A_91, %get3A_92, %get3A_93] {strides = array<i32>} : memref<2x120x128xf32, #tpu.memory_space<vmem>>, vector<16xf32>,
        %get3A_95 = arith.constant 0 : i32
        %get3A_96 = arith.index_cast %get3A_95 : i32 to index
        %get3A_97 = arith.index_cast %scan3A_85 : i32 to index
        %get3A_98 = arith.constant 32 : index
        %get3A_99 = tpu.vector_load %arg7[%get3A_96, %get3A_97, %get3A_98] {strides = array<i32>} : memref<2x120x128xf32, #tpu.memory_space<vmem>>, vector<16xf32>,
        %get3A_100 = arith.constant 0 : i32
        %get3A_101 = arith.index_cast %get3A_100 : i32 to index
        %get3A_102 = arith.index_cast %scan3A_85 : i32 to index
        %get3A_103 = arith.constant 48 : index
        %get3A_104 = tpu.vector_load %arg7[%get3A_101, %get3A_102, %get3A_103] {strides = array<i32>} : memref<2x120x128xf32, #tpu.memory_space<vmem>>, vector<16xf32>,
        %get3A_105 = arith.constant 0 : i32
        %get3A_106 = arith.index_cast %get3A_105 : i32 to index
        %get3A_107 = arith.index_cast %scan3A_85 : i32 to index
        %get3A_108 = arith.constant 64 : index
        %get3A_109 = tpu.vector_load %arg7[%get3A_106, %get3A_107, %get3A_108] {strides = array<i32>} : memref<2x120x128xf32, #tpu.memory_space<vmem>>, vector<16xf32>,
        %get3A_110 = arith.constant 0 : i32
        %get3A_111 = arith.index_cast %get3A_110 : i32 to index
        %get3A_112 = arith.index_cast %scan3A_85 : i32 to index
        %get3A_113 = arith.constant 80 : index
        %get3A_114 = tpu.vector_load %arg7[%get3A_111, %get3A_112, %get3A_113] {strides = array<i32>} : memref<2x120x128xf32, #tpu.memory_space<vmem>>, vector<16xf32>,
        %get3A_115 = arith.constant 0 : i32
        %get3A_116 = arith.index_cast %get3A_115 : i32 to index
        %get3A_117 = arith.index_cast %scan3A_85 : i32 to index
        %get3A_118 = arith.constant 96 : index
        %get3A_119 = tpu.vector_load %arg7[%get3A_116, %get3A_117, %get3A_118] {strides = array<i32>} : memref<2x120x128xf32, #tpu.memory_space<vmem>>, vector<16xf32>,
        %get3A_120 = arith.constant 0 : i32
        %get3A_121 = arith.index_cast %get3A_120 : i32 to index
        %get3A_122 = arith.index_cast %scan3A_85 : i32 to index
        %get3A_123 = arith.constant 112 : index
        %get3A_124 = tpu.vector_load %arg7[%get3A_121, %get3A_122, %get3A_123] {strides = array<i32>} : memref<2x120x128xf32, #tpu.memory_space<vmem>>, vector<16xf32>,
        %add3A_125 = arith.constant 8 : i32
        %add3A_126 = arith.addi %add3A_125, %scan3A_85 : i32
        %get3A_127 = arith.constant 0 : i32
        %get3A_128 = arith.index_cast %get3A_127 : i32 to index
        %get3A_129 = arith.index_cast %add3A_126 : i32 to index
        %get3A_130 = arith.constant 0 : index
        %get3A_131 = tpu.vector_load %arg7[%get3A_128, %get3A_129, %get3A_130] {strides = array<i32>} : memref<2x120x128xf32, #tpu.memory_space<vmem>>, vector<16xf32>,
        %mul3A_132 = arith.mulf %get3A_89, %get3A_131 : vector<16xf32>
        %add3A_133 = arith.constant 8 : i32
        %add3A_134 = arith.addi %add3A_133, %scan3A_85 : i32
        %get3A_135 = arith.constant 0 : i32
        %get3A_136 = arith.index_cast %get3A_135 : i32 to index
        %get3A_137 = arith.index_cast %add3A_134 : i32 to index
        %get3A_138 = arith.constant 16 : index
        %get3A_139 = tpu.vector_load %arg7[%get3A_136, %get3A_137, %get3A_138] {strides = array<i32>} : memref<2x120x128xf32, #tpu.memory_space<vmem>>, vector<16xf32>,
        %mul3A_140 = arith.mulf %get3A_94, %get3A_139 : vector<16xf32>
        %add3A_141 = arith.constant 8 : i32
        %add3A_142 = arith.addi %add3A_141, %scan3A_85 : i32
        %get3A_143 = arith.constant 0 : i32
        %get3A_144 = arith.index_cast %get3A_143 : i32 to index
        %get3A_145 = arith.index_cast %add3A_142 : i32 to index
        %get3A_146 = arith.constant 32 : index
        %get3A_147 = tpu.vector_load %arg7[%get3A_144, %get3A_145, %get3A_146] {strides = array<i32>} : memref<2x120x128xf32, #tpu.memory_space<vmem>>, vector<16xf32>,
        %mul3A_148 = arith.mulf %get3A_99, %get3A_147 : vector<16xf32>
        %add3A_149 = arith.constant 8 : i32
        %add3A_150 = arith.addi %add3A_149, %scan3A_85 : i32
        %get3A_151 = arith.constant 0 : i32
        %get3A_152 = arith.index_cast %get3A_151 : i32 to index
        %get3A_153 = arith.index_cast %add3A_150 : i32 to index
        %get3A_154 = arith.constant 48 : index
        %get3A_155 = tpu.vector_load %arg7[%get3A_152, %get3A_153, %get3A_154] {strides = array<i32>} : memref<2x120x128xf32, #tpu.memory_space<vmem>>, vector<16xf32>,
        %mul3A_156 = arith.mulf %get3A_104, %get3A_155 : vector<16xf32>
        %add3A_157 = arith.constant 8 : i32
        %add3A_158 = arith.addi %add3A_157, %scan3A_85 : i32
        %get3A_159 = arith.constant 0 : i32
        %get3A_160 = arith.index_cast %get3A_159 : i32 to index
        %get3A_161 = arith.index_cast %add3A_158 : i32 to index
        %get3A_162 = arith.constant 64 : index
        %get3A_163 = tpu.vector_load %arg7[%get3A_160, %get3A_161, %get3A_162] {strides = array<i32>} : memref<2x120x128xf32, #tpu.memory_space<vmem>>, vector<16xf32>,
        %mul3A_164 = arith.mulf %get3A_109, %get3A_163 : vector<16xf32>
        %add3A_165 = arith.constant 8 : i32
        %add3A_166 = arith.addi %add3A_165, %scan3A_85 : i32
        %get3A_167 = arith.constant 0 : i32
        %get3A_168 = arith.index_cast %get3A_167 : i32 to index
        %get3A_169 = arith.index_cast %add3A_166 : i32 to index
        %get3A_170 = arith.constant 80 : index
        %get3A_171 = tpu.vector_load %arg7[%get3A_168, %get3A_169, %get3A_170] {strides = array<i32>} : memref<2x120x128xf32, #tpu.memory_space<vmem>>, vector<16xf32>,
        %mul3A_172 = arith.mulf %get3A_114, %get3A_171 : vector<16xf32>
        %add3A_173 = arith.constant 8 : i32
        %add3A_174 = arith.addi %add3A_173, %scan3A_85 : i32
        %get3A_175 = arith.constant 0 : i32
        %get3A_176 = arith.index_cast %get3A_175 : i32 to index
        %get3A_177 = arith.index_cast %add3A_174 : i32 to index
        %get3A_178 = arith.constant 96 : index
        %get3A_179 = tpu.vector_load %arg7[%get3A_176, %get3A_177, %get3A_178] {strides = array<i32>} : memref<2x120x128xf32, #tpu.memory_space<vmem>>, vector<16xf32>,
        %mul3A_180 = arith.mulf %get3A_119, %get3A_179 : vector<16xf32>
        %add3A_181 = arith.constant 8 : i32
        %add3A_182 = arith.addi %add3A_181, %scan3A_85 : i32
        %get3A_183 = arith.constant 0 : i32
        %get3A_184 = arith.index_cast %get3A_183 : i32 to index
        %get3A_185 = arith.index_cast %add3A_182 : i32 to index
        %get3A_186 = arith.constant 112 : index
        %get3A_187 = tpu.vector_load %arg7[%get3A_184, %get3A_185, %get3A_186] {strides = array<i32>} : memref<2x120x128xf32, #tpu.memory_space<vmem>>, vector<16xf32>,
        %mul3A_188 = arith.mulf %get3A_124, %get3A_187 : vector<16xf32>
        %add3A_189 = arith.addf %mul3A_132, %mul3A_140 : vector<16xf32>
        %add3A_190 = arith.addf %mul3A_148, %mul3A_156 : vector<16xf32>
        %add3A_191 = arith.addf %mul3A_164, %mul3A_172 : vector<16xf32>
        %add3A_192 = arith.addf %mul3A_180, %mul3A_188 : vector<16xf32>
        %add3A_193 = arith.addf %add3A_189, %add3A_190 : vector<16xf32>
        %add3A_194 = arith.addf %add3A_191, %add3A_192 : vector<16xf32>
        %add3A_195 = arith.addf %add3A_193, %add3A_194 : vector<16xf32>
        %mul3A_196 = arith.constant 16 : i32
        %mul3A_197 = vector.broadcast %mul3A_196 : i32 to vector<16xi32>
        %mul3A_198 = arith.muli %iota3A, %mul3A_197 : vector<16xi32>
        %add3A_199 = arith.constant 0 : i32
        %add3A_200 = arith.addi %add3A_199, %scan3A_85 : i32
        %add3A_201 = vector.broadcast %add3A_200 : i32 to vector<16xi32>
        %add3A_202 = arith.addi %mul3A_198, %add3A_201 : vector<16xi32>
        tpu.vector_store_idx %arg8[%add3A_202], %add3A_195 : memref<3584xf32, #tpu.memory_space<vmem>>[vector<16xi32>], vector<16xf32>,
        %add3A_203 = arith.constant 16 : i32
        %add3A_204 = arith.addi %add3A_203, %scan3A_85 : i32
        %get3A_205 = arith.constant 0 : i32
        %get3A_206 = arith.index_cast %get3A_205 : i32 to index
        %get3A_207 = arith.index_cast %add3A_204 : i32 to index
        %get3A_208 = arith.constant 0 : index
        %get3A_209 = tpu.vector_load %arg7[%get3A_206, %get3A_207, %get3A_208] {strides = array<i32>} : memref<2x120x128xf32, #tpu.memory_space<vmem>>, vector<16xf32>,
        %mul3A_210 = arith.mulf %get3A_89, %get3A_209 : vector<16xf32>
        %add3A_211 = arith.constant 16 : i32
        %add3A_212 = arith.addi %add3A_211, %scan3A_85 : i32
        %get3A_213 = arith.constant 0 : i32
        %get3A_214 = arith.index_cast %get3A_213 : i32 to index
        %get3A_215 = arith.index_cast %add3A_212 : i32 to index
        %get3A_216 = arith.constant 16 : index
        %get3A_217 = tpu.vector_load %arg7[%get3A_214, %get3A_215, %get3A_216] {strides = array<i32>} : memref<2x120x128xf32, #tpu.memory_space<vmem>>, vector<16xf32>,
        %mul3A_218 = arith.mulf %get3A_94, %get3A_217 : vector<16xf32>
        %add3A_219 = arith.constant 16 : i32
        %add3A_220 = arith.addi %add3A_219, %scan3A_85 : i32
        %get3A_221 = arith.constant 0 : i32
        %get3A_222 = arith.index_cast %get3A_221 : i32 to index
        %get3A_223 = arith.index_cast %add3A_220 : i32 to index
        %get3A_224 = arith.constant 32 : index
        %get3A_225 = tpu.vector_load %arg7[%get3A_222, %get3A_223, %get3A_224] {strides = array<i32>} : memref<2x120x128xf32, #tpu.memory_space<vmem>>, vector<16xf32>,
        %mul3A_226 = arith.mulf %get3A_99, %get3A_225 : vector<16xf32>
        %add3A_227 = arith.constant 16 : i32
        %add3A_228 = arith.addi %add3A_227, %scan3A_85 : i32
        %get3A_229 = arith.constant 0 : i32
        %get3A_230 = arith.index_cast %get3A_229 : i32 to index
        %get3A_231 = arith.index_cast %add3A_228 : i32 to index
        %get3A_232 = arith.constant 48 : index
        %get3A_233 = tpu.vector_load %arg7[%get3A_230, %get3A_231, %get3A_232] {strides = array<i32>} : memref<2x120x128xf32, #tpu.memory_space<vmem>>, vector<16xf32>,
        %mul3A_234 = arith.mulf %get3A_104, %get3A_233 : vector<16xf32>
        %add3A_235 = arith.constant 16 : i32
        %add3A_236 = arith.addi %add3A_235, %scan3A_85 : i32
        %get3A_237 = arith.constant 0 : i32
        %get3A_238 = arith.index_cast %get3A_237 : i32 to index
        %get3A_239 = arith.index_cast %add3A_236 : i32 to index
        %get3A_240 = arith.constant 64 : index
        %get3A_241 = tpu.vector_load %arg7[%get3A_238, %get3A_239, %get3A_240] {strides = array<i32>} : memref<2x120x128xf32, #tpu.memory_space<vmem>>, vector<16xf32>,
        %mul3A_242 = arith.mulf %get3A_109, %get3A_241 : vector<16xf32>
        %add3A_243 = arith.constant 16 : i32
        %add3A_244 = arith.addi %add3A_243, %scan3A_85 : i32
        %get3A_245 = arith.constant 0 : i32
        %get3A_246 = arith.index_cast %get3A_245 : i32 to index
        %get3A_247 = arith.index_cast %add3A_244 : i32 to index
        %get3A_248 = arith.constant 80 : index
        %get3A_249 = tpu.vector_load %arg7[%get3A_246, %get3A_247, %get3A_248] {strides = array<i32>} : memref<2x120x128xf32, #tpu.memory_space<vmem>>, vector<16xf32>,
        %mul3A_250 = arith.mulf %get3A_114, %get3A_249 : vector<16xf32>
        %add3A_251 = arith.constant 16 : i32
        %add3A_252 = arith.addi %add3A_251, %scan3A_85 : i32
        %get3A_253 = arith.constant 0 : i32
        %get3A_254 = arith.index_cast %get3A_253 : i32 to index
        %get3A_255 = arith.index_cast %add3A_252 : i32 to index
        %get3A_256 = arith.constant 96 : index
        %get3A_257 = tpu.vector_load %arg7[%get3A_254, %get3A_255, %get3A_256] {strides = array<i32>} : memref<2x120x128xf32, #tpu.memory_space<vmem>>, vector<16xf32>,
        %mul3A_258 = arith.mulf %get3A_119, %get3A_257 : vector<16xf32>
        %add3A_259 = arith.constant 16 : i32
        %add3A_260 = arith.addi %add3A_259, %scan3A_85 : i32
        %get3A_261 = arith.constant 0 : i32
        %get3A_262 = arith.index_cast %get3A_261 : i32 to index
        %get3A_263 = arith.index_cast %add3A_260 : i32 to index
        %get3A_264 = arith.constant 112 : index
        %get3A_265 = tpu.vector_load %arg7[%get3A_262, %get3A_263, %get3A_264] {strides = array<i32>} : memref<2x120x128xf32, #tpu.memory_space<vmem>>, vector<16xf32>,
        %mul3A_266 = arith.mulf %get3A_124, %get3A_265 : vector<16xf32>
        %add3A_267 = arith.addf %mul3A_210, %mul3A_218 : vector<16xf32>
        %add3A_268 = arith.addf %mul3A_226, %mul3A_234 : vector<16xf32>
        %add3A_269 = arith.addf %mul3A_242, %mul3A_250 : vector<16xf32>
        %add3A_270 = arith.addf %mul3A_258, %mul3A_266 : vector<16xf32>
        %add3A_271 = arith.addf %add3A_267, %add3A_268 : vector<16xf32>
        %add3A_272 = arith.addf %add3A_269, %add3A_270 : vector<16xf32>
        %add3A_273 = arith.addf %add3A_271, %add3A_272 : vector<16xf32>
        %mul3A_274 = arith.constant 16 : i32
        %mul3A_275 = vector.broadcast %mul3A_274 : i32 to vector<16xi32>
        %mul3A_276 = arith.muli %iota3A, %mul3A_275 : vector<16xi32>
        %add3A_277 = arith.constant 256 : i32
        %add3A_278 = arith.addi %add3A_277, %scan3A_85 : i32
        %add3A_279 = vector.broadcast %add3A_278 : i32 to vector<16xi32>
        %add3A_280 = arith.addi %mul3A_276, %add3A_279 : vector<16xi32>
        tpu.vector_store_idx %arg8[%add3A_280], %add3A_273 : memref<3584xf32, #tpu.memory_space<vmem>>[vector<16xi32>], vector<16xf32>,
        %add3A_281 = arith.constant 24 : i32
        %add3A_282 = arith.addi %add3A_281, %scan3A_85 : i32
        %get3A_283 = arith.constant 0 : i32
        %get3A_284 = arith.index_cast %get3A_283 : i32 to index
        %get3A_285 = arith.index_cast %add3A_282 : i32 to index
        %get3A_286 = arith.constant 0 : index
        %get3A_287 = tpu.vector_load %arg7[%get3A_284, %get3A_285, %get3A_286] {strides = array<i32>} : memref<2x120x128xf32, #tpu.memory_space<vmem>>, vector<16xf32>,
        %mul3A_288 = arith.mulf %get3A_89, %get3A_287 : vector<16xf32>
        %add3A_289 = arith.constant 24 : i32
        %add3A_290 = arith.addi %add3A_289, %scan3A_85 : i32
        %get3A_291 = arith.constant 0 : i32
        %get3A_292 = arith.index_cast %get3A_291 : i32 to index
        %get3A_293 = arith.index_cast %add3A_290 : i32 to index
        %get3A_294 = arith.constant 16 : index
        %get3A_295 = tpu.vector_load %arg7[%get3A_292, %get3A_293, %get3A_294] {strides = array<i32>} : memref<2x120x128xf32, #tpu.memory_space<vmem>>, vector<16xf32>,
        %mul3A_296 = arith.mulf %get3A_94, %get3A_295 : vector<16xf32>
        %add3A_297 = arith.constant 24 : i32
        %add3A_298 = arith.addi %add3A_297, %scan3A_85 : i32
        %get3A_299 = arith.constant 0 : i32
        %get3A_300 = arith.index_cast %get3A_299 : i32 to index
        %get3A_301 = arith.index_cast %add3A_298 : i32 to index
        %get3A_302 = arith.constant 32 : index
        %get3A_303 = tpu.vector_load %arg7[%get3A_300, %get3A_301, %get3A_302] {strides = array<i32>} : memref<2x120x128xf32, #tpu.memory_space<vmem>>, vector<16xf32>,
        %mul3A_304 = arith.mulf %get3A_99, %get3A_303 : vector<16xf32>
        %add3A_305 = arith.constant 24 : i32
        %add3A_306 = arith.addi %add3A_305, %scan3A_85 : i32
        %get3A_307 = arith.constant 0 : i32
        %get3A_308 = arith.index_cast %get3A_307 : i32 to index
        %get3A_309 = arith.index_cast %add3A_306 : i32 to index
        %get3A_310 = arith.constant 48 : index
        %get3A_311 = tpu.vector_load %arg7[%get3A_308, %get3A_309, %get3A_310] {strides = array<i32>} : memref<2x120x128xf32, #tpu.memory_space<vmem>>, vector<16xf32>,
        %mul3A_312 = arith.mulf %get3A_104, %get3A_311 : vector<16xf32>
        %add3A_313 = arith.constant 24 : i32
        %add3A_314 = arith.addi %add3A_313, %scan3A_85 : i32
        %get3A_315 = arith.constant 0 : i32
        %get3A_316 = arith.index_cast %get3A_315 : i32 to index
        %get3A_317 = arith.index_cast %add3A_314 : i32 to index
        %get3A_318 = arith.constant 64 : index
        %get3A_319 = tpu.vector_load %arg7[%get3A_316, %get3A_317, %get3A_318] {strides = array<i32>} : memref<2x120x128xf32, #tpu.memory_space<vmem>>, vector<16xf32>,
        %mul3A_320 = arith.mulf %get3A_109, %get3A_319 : vector<16xf32>
        %add3A_321 = arith.constant 24 : i32
        %add3A_322 = arith.addi %add3A_321, %scan3A_85 : i32
        %get3A_323 = arith.constant 0 : i32
        %get3A_324 = arith.index_cast %get3A_323 : i32 to index
        %get3A_325 = arith.index_cast %add3A_322 : i32 to index
        %get3A_326 = arith.constant 80 : index
        %get3A_327 = tpu.vector_load %arg7[%get3A_324, %get3A_325, %get3A_326] {strides = array<i32>} : memref<2x120x128xf32, #tpu.memory_space<vmem>>, vector<16xf32>,
        %mul3A_328 = arith.mulf %get3A_114, %get3A_327 : vector<16xf32>
        %add3A_329 = arith.constant 24 : i32
        %add3A_330 = arith.addi %add3A_329, %scan3A_85 : i32
        %get3A_331 = arith.constant 0 : i32
        %get3A_332 = arith.index_cast %get3A_331 : i32 to index
        %get3A_333 = arith.index_cast %add3A_330 : i32 to index
        %get3A_334 = arith.constant 96 : index
        %get3A_335 = tpu.vector_load %arg7[%get3A_332, %get3A_333, %get3A_334] {strides = array<i32>} : memref<2x120x128xf32, #tpu.memory_space<vmem>>, vector<16xf32>,
        %mul3A_336 = arith.mulf %get3A_119, %get3A_335 : vector<16xf32>
        %add3A_337 = arith.constant 24 : i32
        %add3A_338 = arith.addi %add3A_337, %scan3A_85 : i32
        %get3A_339 = arith.constant 0 : i32
        %get3A_340 = arith.index_cast %get3A_339 : i32 to index
        %get3A_341 = arith.index_cast %add3A_338 : i32 to index
        %get3A_342 = arith.constant 112 : index
        %get3A_343 = tpu.vector_load %arg7[%get3A_340, %get3A_341, %get3A_342] {strides = array<i32>} : memref<2x120x128xf32, #tpu.memory_space<vmem>>, vector<16xf32>,
        %mul3A_344 = arith.mulf %get3A_124, %get3A_343 : vector<16xf32>
        %add3A_345 = arith.addf %mul3A_288, %mul3A_296 : vector<16xf32>
        %add3A_346 = arith.addf %mul3A_304, %mul3A_312 : vector<16xf32>
        %add3A_347 = arith.addf %mul3A_320, %mul3A_328 : vector<16xf32>
        %add3A_348 = arith.addf %mul3A_336, %mul3A_344 : vector<16xf32>
        %add3A_349 = arith.addf %add3A_345, %add3A_346 : vector<16xf32>
        %add3A_350 = arith.addf %add3A_347, %add3A_348 : vector<16xf32>
        %add3A_351 = arith.addf %add3A_349, %add3A_350 : vector<16xf32>
        %mul3A_352 = arith.constant 16 : i32
        %mul3A_353 = vector.broadcast %mul3A_352 : i32 to vector<16xi32>
        %mul3A_354 = arith.muli %iota3A, %mul3A_353 : vector<16xi32>
        %add3A_355 = arith.constant 512 : i32
        %add3A_356 = arith.addi %add3A_355, %scan3A_85 : i32
        %add3A_357 = vector.broadcast %add3A_356 : i32 to vector<16xi32>
        %add3A_358 = arith.addi %mul3A_354, %add3A_357 : vector<16xi32>
        tpu.vector_store_idx %arg8[%add3A_358], %add3A_351 : memref<3584xf32, #tpu.memory_space<vmem>>[vector<16xi32>], vector<16xf32>,
        %add3A_359 = arith.constant 32 : i32
        %add3A_360 = arith.addi %add3A_359, %scan3A_85 : i32
        %get3A_361 = arith.constant 0 : i32
        %get3A_362 = arith.index_cast %get3A_361 : i32 to index
        %get3A_363 = arith.index_cast %add3A_360 : i32 to index
        %get3A_364 = arith.constant 0 : index
        %get3A_365 = tpu.vector_load %arg7[%get3A_362, %get3A_363, %get3A_364] {strides = array<i32>} : memref<2x120x128xf32, #tpu.memory_space<vmem>>, vector<16xf32>,
        %mul3A_366 = arith.mulf %get3A_89, %get3A_365 : vector<16xf32>
        %add3A_367 = arith.constant 32 : i32
        %add3A_368 = arith.addi %add3A_367, %scan3A_85 : i32
        %get3A_369 = arith.constant 0 : i32
        %get3A_370 = arith.index_cast %get3A_369 : i32 to index
        %get3A_371 = arith.index_cast %add3A_368 : i32 to index
        %get3A_372 = arith.constant 16 : index
        %get3A_373 = tpu.vector_load %arg7[%get3A_370, %get3A_371, %get3A_372] {strides = array<i32>} : memref<2x120x128xf32, #tpu.memory_space<vmem>>, vector<16xf32>,
        %mul3A_374 = arith.mulf %get3A_94, %get3A_373 : vector<16xf32>
        %add3A_375 = arith.constant 32 : i32
        %add3A_376 = arith.addi %add3A_375, %scan3A_85 : i32
        %get3A_377 = arith.constant 0 : i32
        %get3A_378 = arith.index_cast %get3A_377 : i32 to index
        %get3A_379 = arith.index_cast %add3A_376 : i32 to index
        %get3A_380 = arith.constant 32 : index
        %get3A_381 = tpu.vector_load %arg7[%get3A_378, %get3A_379, %get3A_380] {strides = array<i32>} : memref<2x120x128xf32, #tpu.memory_space<vmem>>, vector<16xf32>,
        %mul3A_382 = arith.mulf %get3A_99, %get3A_381 : vector<16xf32>
        %add3A_383 = arith.constant 32 : i32
        %add3A_384 = arith.addi %add3A_383, %scan3A_85 : i32
        %get3A_385 = arith.constant 0 : i32
        %get3A_386 = arith.index_cast %get3A_385 : i32 to index
        %get3A_387 = arith.index_cast %add3A_384 : i32 to index
        %get3A_388 = arith.constant 48 : index
        %get3A_389 = tpu.vector_load %arg7[%get3A_386, %get3A_387, %get3A_388] {strides = array<i32>} : memref<2x120x128xf32, #tpu.memory_space<vmem>>, vector<16xf32>,
        %mul3A_390 = arith.mulf %get3A_104, %get3A_389 : vector<16xf32>
        %add3A_391 = arith.constant 32 : i32
        %add3A_392 = arith.addi %add3A_391, %scan3A_85 : i32
        %get3A_393 = arith.constant 0 : i32
        %get3A_394 = arith.index_cast %get3A_393 : i32 to index
        %get3A_395 = arith.index_cast %add3A_392 : i32 to index
        %get3A_396 = arith.constant 64 : index
        %get3A_397 = tpu.vector_load %arg7[%get3A_394, %get3A_395, %get3A_396] {strides = array<i32>} : memref<2x120x128xf32, #tpu.memory_space<vmem>>, vector<16xf32>,
        %mul3A_398 = arith.mulf %get3A_109, %get3A_397 : vector<16xf32>
        %add3A_399 = arith.constant 32 : i32
        %add3A_400 = arith.addi %add3A_399, %scan3A_85 : i32
        %get3A_401 = arith.constant 0 : i32
        %get3A_402 = arith.index_cast %get3A_401 : i32 to index
        %get3A_403 = arith.index_cast %add3A_400 : i32 to index
        %get3A_404 = arith.constant 80 : index
        %get3A_405 = tpu.vector_load %arg7[%get3A_402, %get3A_403, %get3A_404] {strides = array<i32>} : memref<2x120x128xf32, #tpu.memory_space<vmem>>, vector<16xf32>,
        %mul3A_406 = arith.mulf %get3A_114, %get3A_405 : vector<16xf32>
        %add3A_407 = arith.constant 32 : i32
        %add3A_408 = arith.addi %add3A_407, %scan3A_85 : i32
        %get3A_409 = arith.constant 0 : i32
        %get3A_410 = arith.index_cast %get3A_409 : i32 to index
        %get3A_411 = arith.index_cast %add3A_408 : i32 to index
        %get3A_412 = arith.constant 96 : index
        %get3A_413 = tpu.vector_load %arg7[%get3A_410, %get3A_411, %get3A_412] {strides = array<i32>} : memref<2x120x128xf32, #tpu.memory_space<vmem>>, vector<16xf32>,
        %mul3A_414 = arith.mulf %get3A_119, %get3A_413 : vector<16xf32>
        %add3A_415 = arith.constant 32 : i32
        %add3A_416 = arith.addi %add3A_415, %scan3A_85 : i32
        %get3A_417 = arith.constant 0 : i32
        %get3A_418 = arith.index_cast %get3A_417 : i32 to index
        %get3A_419 = arith.index_cast %add3A_416 : i32 to index
        %get3A_420 = arith.constant 112 : index
        %get3A_421 = tpu.vector_load %arg7[%get3A_418, %get3A_419, %get3A_420] {strides = array<i32>} : memref<2x120x128xf32, #tpu.memory_space<vmem>>, vector<16xf32>,
        %mul3A_422 = arith.mulf %get3A_124, %get3A_421 : vector<16xf32>
        %add3A_423 = arith.addf %mul3A_366, %mul3A_374 : vector<16xf32>
        %add3A_424 = arith.addf %mul3A_382, %mul3A_390 : vector<16xf32>
        %add3A_425 = arith.addf %mul3A_398, %mul3A_406 : vector<16xf32>
        %add3A_426 = arith.addf %mul3A_414, %mul3A_422 : vector<16xf32>
        %add3A_427 = arith.addf %add3A_423, %add3A_424 : vector<16xf32>
        %add3A_428 = arith.addf %add3A_425, %add3A_426 : vector<16xf32>
        %add3A_429 = arith.addf %add3A_427, %add3A_428 : vector<16xf32>
        %mul3A_430 = arith.constant 16 : i32
        %mul3A_431 = vector.broadcast %mul3A_430 : i32 to vector<16xi32>
        %mul3A_432 = arith.muli %iota3A, %mul3A_431 : vector<16xi32>
        %add3A_433 = arith.constant 768 : i32
        %add3A_434 = arith.addi %add3A_433, %scan3A_85 : i32
        %add3A_435 = vector.broadcast %add3A_434 : i32 to vector<16xi32>
        %add3A_436 = arith.addi %mul3A_432, %add3A_435 : vector<16xi32>
        tpu.vector_store_idx %arg8[%add3A_436], %add3A_429 : memref<3584xf32, #tpu.memory_space<vmem>>[vector<16xi32>], vector<16xf32>,
        %add3A_437 = arith.constant 40 : i32
        %add3A_438 = arith.addi %add3A_437, %scan3A_85 : i32
        %get3A_439 = arith.constant 0 : i32
        %get3A_440 = arith.index_cast %get3A_439 : i32 to index
        %get3A_441 = arith.index_cast %add3A_438 : i32 to index
        %get3A_442 = arith.constant 0 : index
        %get3A_443 = tpu.vector_load %arg7[%get3A_440, %get3A_441, %get3A_442] {strides = array<i32>} : memref<2x120x128xf32, #tpu.memory_space<vmem>>, vector<16xf32>,
        %mul3A_444 = arith.mulf %get3A_89, %get3A_443 : vector<16xf32>
        %add3A_445 = arith.constant 40 : i32
        %add3A_446 = arith.addi %add3A_445, %scan3A_85 : i32
        %get3A_447 = arith.constant 0 : i32
        %get3A_448 = arith.index_cast %get3A_447 : i32 to index
        %get3A_449 = arith.index_cast %add3A_446 : i32 to index
        %get3A_450 = arith.constant 16 : index
        %get3A_451 = tpu.vector_load %arg7[%get3A_448, %get3A_449, %get3A_450] {strides = array<i32>} : memref<2x120x128xf32, #tpu.memory_space<vmem>>, vector<16xf32>,
        %mul3A_452 = arith.mulf %get3A_94, %get3A_451 : vector<16xf32>
        %add3A_453 = arith.constant 40 : i32
        %add3A_454 = arith.addi %add3A_453, %scan3A_85 : i32
        %get3A_455 = arith.constant 0 : i32
        %get3A_456 = arith.index_cast %get3A_455 : i32 to index
        %get3A_457 = arith.index_cast %add3A_454 : i32 to index
        %get3A_458 = arith.constant 32 : index
        %get3A_459 = tpu.vector_load %arg7[%get3A_456, %get3A_457, %get3A_458] {strides = array<i32>} : memref<2x120x128xf32, #tpu.memory_space<vmem>>, vector<16xf32>,
        %mul3A_460 = arith.mulf %get3A_99, %get3A_459 : vector<16xf32>
        %add3A_461 = arith.constant 40 : i32
        %add3A_462 = arith.addi %add3A_461, %scan3A_85 : i32
        %get3A_463 = arith.constant 0 : i32
        %get3A_464 = arith.index_cast %get3A_463 : i32 to index
        %get3A_465 = arith.index_cast %add3A_462 : i32 to index
        %get3A_466 = arith.constant 48 : index
        %get3A_467 = tpu.vector_load %arg7[%get3A_464, %get3A_465, %get3A_466] {strides = array<i32>} : memref<2x120x128xf32, #tpu.memory_space<vmem>>, vector<16xf32>,
        %mul3A_468 = arith.mulf %get3A_104, %get3A_467 : vector<16xf32>
        %add3A_469 = arith.constant 40 : i32
        %add3A_470 = arith.addi %add3A_469, %scan3A_85 : i32
        %get3A_471 = arith.constant 0 : i32
        %get3A_472 = arith.index_cast %get3A_471 : i32 to index
        %get3A_473 = arith.index_cast %add3A_470 : i32 to index
        %get3A_474 = arith.constant 64 : index
        %get3A_475 = tpu.vector_load %arg7[%get3A_472, %get3A_473, %get3A_474] {strides = array<i32>} : memref<2x120x128xf32, #tpu.memory_space<vmem>>, vector<16xf32>,
        %mul3A_476 = arith.mulf %get3A_109, %get3A_475 : vector<16xf32>
        %add3A_477 = arith.constant 40 : i32
        %add3A_478 = arith.addi %add3A_477, %scan3A_85 : i32
        %get3A_479 = arith.constant 0 : i32
        %get3A_480 = arith.index_cast %get3A_479 : i32 to index
        %get3A_481 = arith.index_cast %add3A_478 : i32 to index
        %get3A_482 = arith.constant 80 : index
        %get3A_483 = tpu.vector_load %arg7[%get3A_480, %get3A_481, %get3A_482] {strides = array<i32>} : memref<2x120x128xf32, #tpu.memory_space<vmem>>, vector<16xf32>,
        %mul3A_484 = arith.mulf %get3A_114, %get3A_483 : vector<16xf32>
        %add3A_485 = arith.constant 40 : i32
        %add3A_486 = arith.addi %add3A_485, %scan3A_85 : i32
        %get3A_487 = arith.constant 0 : i32
        %get3A_488 = arith.index_cast %get3A_487 : i32 to index
        %get3A_489 = arith.index_cast %add3A_486 : i32 to index
        %get3A_490 = arith.constant 96 : index
        %get3A_491 = tpu.vector_load %arg7[%get3A_488, %get3A_489, %get3A_490] {strides = array<i32>} : memref<2x120x128xf32, #tpu.memory_space<vmem>>, vector<16xf32>,
        %mul3A_492 = arith.mulf %get3A_119, %get3A_491 : vector<16xf32>
        %add3A_493 = arith.constant 40 : i32
        %add3A_494 = arith.addi %add3A_493, %scan3A_85 : i32
        %get3A_495 = arith.constant 0 : i32
        %get3A_496 = arith.index_cast %get3A_495 : i32 to index
        %get3A_497 = arith.index_cast %add3A_494 : i32 to index
        %get3A_498 = arith.constant 112 : index
        %get3A_499 = tpu.vector_load %arg7[%get3A_496, %get3A_497, %get3A_498] {strides = array<i32>} : memref<2x120x128xf32, #tpu.memory_space<vmem>>, vector<16xf32>,
        %mul3A_500 = arith.mulf %get3A_124, %get3A_499 : vector<16xf32>
        %add3A_501 = arith.addf %mul3A_444, %mul3A_452 : vector<16xf32>
        %add3A_502 = arith.addf %mul3A_460, %mul3A_468 : vector<16xf32>
        %add3A_503 = arith.addf %mul3A_476, %mul3A_484 : vector<16xf32>
        %add3A_504 = arith.addf %mul3A_492, %mul3A_500 : vector<16xf32>
        %add3A_505 = arith.addf %add3A_501, %add3A_502 : vector<16xf32>
        %add3A_506 = arith.addf %add3A_503, %add3A_504 : vector<16xf32>
        %add3A_507 = arith.addf %add3A_505, %add3A_506 : vector<16xf32>
        %mul3A_508 = arith.constant 16 : i32
        %mul3A_509 = vector.broadcast %mul3A_508 : i32 to vector<16xi32>
        %mul3A_510 = arith.muli %iota3A, %mul3A_509 : vector<16xi32>
        %add3A_511 = arith.constant 1024 : i32
        %add3A_512 = arith.addi %add3A_511, %scan3A_85 : i32
        %add3A_513 = vector.broadcast %add3A_512 : i32 to vector<16xi32>
        %add3A_514 = arith.addi %mul3A_510, %add3A_513 : vector<16xi32>
        tpu.vector_store_idx %arg8[%add3A_514], %add3A_507 : memref<3584xf32, #tpu.memory_space<vmem>>[vector<16xi32>], vector<16xf32>,
        %add3A_515 = arith.constant 48 : i32
        %add3A_516 = arith.addi %add3A_515, %scan3A_85 : i32
        %get3A_517 = arith.constant 0 : i32
        %get3A_518 = arith.index_cast %get3A_517 : i32 to index
        %get3A_519 = arith.index_cast %add3A_516 : i32 to index
        %get3A_520 = arith.constant 0 : index
        %get3A_521 = tpu.vector_load %arg7[%get3A_518, %get3A_519, %get3A_520] {strides = array<i32>} : memref<2x120x128xf32, #tpu.memory_space<vmem>>, vector<16xf32>,
        %mul3A_522 = arith.mulf %get3A_89, %get3A_521 : vector<16xf32>
        %add3A_523 = arith.constant 48 : i32
        %add3A_524 = arith.addi %add3A_523, %scan3A_85 : i32
        %get3A_525 = arith.constant 0 : i32
        %get3A_526 = arith.index_cast %get3A_525 : i32 to index
        %get3A_527 = arith.index_cast %add3A_524 : i32 to index
        %get3A_528 = arith.constant 16 : index
        %get3A_529 = tpu.vector_load %arg7[%get3A_526, %get3A_527, %get3A_528] {strides = array<i32>} : memref<2x120x128xf32, #tpu.memory_space<vmem>>, vector<16xf32>,
        %mul3A_530 = arith.mulf %get3A_94, %get3A_529 : vector<16xf32>
        %add3A_531 = arith.constant 48 : i32
        %add3A_532 = arith.addi %add3A_531, %scan3A_85 : i32
        %get3A_533 = arith.constant 0 : i32
        %get3A_534 = arith.index_cast %get3A_533 : i32 to index
        %get3A_535 = arith.index_cast %add3A_532 : i32 to index
        %get3A_536 = arith.constant 32 : index
        %get3A_537 = tpu.vector_load %arg7[%get3A_534, %get3A_535, %get3A_536] {strides = array<i32>} : memref<2x120x128xf32, #tpu.memory_space<vmem>>, vector<16xf32>,
        %mul3A_538 = arith.mulf %get3A_99, %get3A_537 : vector<16xf32>
        %add3A_539 = arith.constant 48 : i32
        %add3A_540 = arith.addi %add3A_539, %scan3A_85 : i32
        %get3A_541 = arith.constant 0 : i32
        %get3A_542 = arith.index_cast %get3A_541 : i32 to index
        %get3A_543 = arith.index_cast %add3A_540 : i32 to index
        %get3A_544 = arith.constant 48 : index
        %get3A_545 = tpu.vector_load %arg7[%get3A_542, %get3A_543, %get3A_544] {strides = array<i32>} : memref<2x120x128xf32, #tpu.memory_space<vmem>>, vector<16xf32>,
        %mul3A_546 = arith.mulf %get3A_104, %get3A_545 : vector<16xf32>
        %add3A_547 = arith.constant 48 : i32
        %add3A_548 = arith.addi %add3A_547, %scan3A_85 : i32
        %get3A_549 = arith.constant 0 : i32
        %get3A_550 = arith.index_cast %get3A_549 : i32 to index
        %get3A_551 = arith.index_cast %add3A_548 : i32 to index
        %get3A_552 = arith.constant 64 : index
        %get3A_553 = tpu.vector_load %arg7[%get3A_550, %get3A_551, %get3A_552] {strides = array<i32>} : memref<2x120x128xf32, #tpu.memory_space<vmem>>, vector<16xf32>,
        %mul3A_554 = arith.mulf %get3A_109, %get3A_553 : vector<16xf32>
        %add3A_555 = arith.constant 48 : i32
        %add3A_556 = arith.addi %add3A_555, %scan3A_85 : i32
        %get3A_557 = arith.constant 0 : i32
        %get3A_558 = arith.index_cast %get3A_557 : i32 to index
        %get3A_559 = arith.index_cast %add3A_556 : i32 to index
        %get3A_560 = arith.constant 80 : index
        %get3A_561 = tpu.vector_load %arg7[%get3A_558, %get3A_559, %get3A_560] {strides = array<i32>} : memref<2x120x128xf32, #tpu.memory_space<vmem>>, vector<16xf32>,
        %mul3A_562 = arith.mulf %get3A_114, %get3A_561 : vector<16xf32>
        %add3A_563 = arith.constant 48 : i32
        %add3A_564 = arith.addi %add3A_563, %scan3A_85 : i32
        %get3A_565 = arith.constant 0 : i32
        %get3A_566 = arith.index_cast %get3A_565 : i32 to index
        %get3A_567 = arith.index_cast %add3A_564 : i32 to index
        %get3A_568 = arith.constant 96 : index
        %get3A_569 = tpu.vector_load %arg7[%get3A_566, %get3A_567, %get3A_568] {strides = array<i32>} : memref<2x120x128xf32, #tpu.memory_space<vmem>>, vector<16xf32>,
        %mul3A_570 = arith.mulf %get3A_119, %get3A_569 : vector<16xf32>
        %add3A_571 = arith.constant 48 : i32
        %add3A_572 = arith.addi %add3A_571, %scan3A_85 : i32
        %get3A_573 = arith.constant 0 : i32
        %get3A_574 = arith.index_cast %get3A_573 : i32 to index
        %get3A_575 = arith.index_cast %add3A_572 : i32 to index
        %get3A_576 = arith.constant 112 : index
        %get3A_577 = tpu.vector_load %arg7[%get3A_574, %get3A_575, %get3A_576] {strides = array<i32>} : memref<2x120x128xf32, #tpu.memory_space<vmem>>, vector<16xf32>,
        %mul3A_578 = arith.mulf %get3A_124, %get3A_577 : vector<16xf32>
        %add3A_579 = arith.addf %mul3A_522, %mul3A_530 : vector<16xf32>
        %add3A_580 = arith.addf %mul3A_538, %mul3A_546 : vector<16xf32>
        %add3A_581 = arith.addf %mul3A_554, %mul3A_562 : vector<16xf32>
        %add3A_582 = arith.addf %mul3A_570, %mul3A_578 : vector<16xf32>
        %add3A_583 = arith.addf %add3A_579, %add3A_580 : vector<16xf32>
        %add3A_584 = arith.addf %add3A_581, %add3A_582 : vector<16xf32>
        %add3A_585 = arith.addf %add3A_583, %add3A_584 : vector<16xf32>
        %mul3A_586 = arith.constant 16 : i32
        %mul3A_587 = vector.broadcast %mul3A_586 : i32 to vector<16xi32>
        %mul3A_588 = arith.muli %iota3A, %mul3A_587 : vector<16xi32>
        %add3A_589 = arith.constant 1280 : i32
        %add3A_590 = arith.addi %add3A_589, %scan3A_85 : i32
        %add3A_591 = vector.broadcast %add3A_590 : i32 to vector<16xi32>
        %add3A_592 = arith.addi %mul3A_588, %add3A_591 : vector<16xi32>
        tpu.vector_store_idx %arg8[%add3A_592], %add3A_585 : memref<3584xf32, #tpu.memory_space<vmem>>[vector<16xi32>], vector<16xf32>,
        %add3A_593 = arith.constant 56 : i32
        %add3A_594 = arith.addi %add3A_593, %scan3A_85 : i32
        %get3A_595 = arith.constant 0 : i32
        %get3A_596 = arith.index_cast %get3A_595 : i32 to index
        %get3A_597 = arith.index_cast %add3A_594 : i32 to index
        %get3A_598 = arith.constant 0 : index
        %get3A_599 = tpu.vector_load %arg7[%get3A_596, %get3A_597, %get3A_598] {strides = array<i32>} : memref<2x120x128xf32, #tpu.memory_space<vmem>>, vector<16xf32>,
        %mul3A_600 = arith.mulf %get3A_89, %get3A_599 : vector<16xf32>
        %add3A_601 = arith.constant 56 : i32
        %add3A_602 = arith.addi %add3A_601, %scan3A_85 : i32
        %get3A_603 = arith.constant 0 : i32
        %get3A_604 = arith.index_cast %get3A_603 : i32 to index
        %get3A_605 = arith.index_cast %add3A_602 : i32 to index
        %get3A_606 = arith.constant 16 : index
        %get3A_607 = tpu.vector_load %arg7[%get3A_604, %get3A_605, %get3A_606] {strides = array<i32>} : memref<2x120x128xf32, #tpu.memory_space<vmem>>, vector<16xf32>,
        %mul3A_608 = arith.mulf %get3A_94, %get3A_607 : vector<16xf32>
        %add3A_609 = arith.constant 56 : i32
        %add3A_610 = arith.addi %add3A_609, %scan3A_85 : i32
        %get3A_611 = arith.constant 0 : i32
        %get3A_612 = arith.index_cast %get3A_611 : i32 to index
        %get3A_613 = arith.index_cast %add3A_610 : i32 to index
        %get3A_614 = arith.constant 32 : index
        %get3A_615 = tpu.vector_load %arg7[%get3A_612, %get3A_613, %get3A_614] {strides = array<i32>} : memref<2x120x128xf32, #tpu.memory_space<vmem>>, vector<16xf32>,
        %mul3A_616 = arith.mulf %get3A_99, %get3A_615 : vector<16xf32>
        %add3A_617 = arith.constant 56 : i32
        %add3A_618 = arith.addi %add3A_617, %scan3A_85 : i32
        %get3A_619 = arith.constant 0 : i32
        %get3A_620 = arith.index_cast %get3A_619 : i32 to index
        %get3A_621 = arith.index_cast %add3A_618 : i32 to index
        %get3A_622 = arith.constant 48 : index
        %get3A_623 = tpu.vector_load %arg7[%get3A_620, %get3A_621, %get3A_622] {strides = array<i32>} : memref<2x120x128xf32, #tpu.memory_space<vmem>>, vector<16xf32>,
        %mul3A_624 = arith.mulf %get3A_104, %get3A_623 : vector<16xf32>
        %add3A_625 = arith.constant 56 : i32
        %add3A_626 = arith.addi %add3A_625, %scan3A_85 : i32
        %get3A_627 = arith.constant 0 : i32
        %get3A_628 = arith.index_cast %get3A_627 : i32 to index
        %get3A_629 = arith.index_cast %add3A_626 : i32 to index
        %get3A_630 = arith.constant 64 : index
        %get3A_631 = tpu.vector_load %arg7[%get3A_628, %get3A_629, %get3A_630] {strides = array<i32>} : memref<2x120x128xf32, #tpu.memory_space<vmem>>, vector<16xf32>,
        %mul3A_632 = arith.mulf %get3A_109, %get3A_631 : vector<16xf32>
        %add3A_633 = arith.constant 56 : i32
        %add3A_634 = arith.addi %add3A_633, %scan3A_85 : i32
        %get3A_635 = arith.constant 0 : i32
        %get3A_636 = arith.index_cast %get3A_635 : i32 to index
        %get3A_637 = arith.index_cast %add3A_634 : i32 to index
        %get3A_638 = arith.constant 80 : index
        %get3A_639 = tpu.vector_load %arg7[%get3A_636, %get3A_637, %get3A_638] {strides = array<i32>} : memref<2x120x128xf32, #tpu.memory_space<vmem>>, vector<16xf32>,
        %mul3A_640 = arith.mulf %get3A_114, %get3A_639 : vector<16xf32>
        %add3A_641 = arith.constant 56 : i32
        %add3A_642 = arith.addi %add3A_641, %scan3A_85 : i32
        %get3A_643 = arith.constant 0 : i32
        %get3A_644 = arith.index_cast %get3A_643 : i32 to index
        %get3A_645 = arith.index_cast %add3A_642 : i32 to index
        %get3A_646 = arith.constant 96 : index
        %get3A_647 = tpu.vector_load %arg7[%get3A_644, %get3A_645, %get3A_646] {strides = array<i32>} : memref<2x120x128xf32, #tpu.memory_space<vmem>>, vector<16xf32>,
        %mul3A_648 = arith.mulf %get3A_119, %get3A_647 : vector<16xf32>
        %add3A_649 = arith.constant 56 : i32
        %add3A_650 = arith.addi %add3A_649, %scan3A_85 : i32
        %get3A_651 = arith.constant 0 : i32
        %get3A_652 = arith.index_cast %get3A_651 : i32 to index
        %get3A_653 = arith.index_cast %add3A_650 : i32 to index
        %get3A_654 = arith.constant 112 : index
        %get3A_655 = tpu.vector_load %arg7[%get3A_652, %get3A_653, %get3A_654] {strides = array<i32>} : memref<2x120x128xf32, #tpu.memory_space<vmem>>, vector<16xf32>,
        %mul3A_656 = arith.mulf %get3A_124, %get3A_655 : vector<16xf32>
        %add3A_657 = arith.addf %mul3A_600, %mul3A_608 : vector<16xf32>
        %add3A_658 = arith.addf %mul3A_616, %mul3A_624 : vector<16xf32>
        %add3A_659 = arith.addf %mul3A_632, %mul3A_640 : vector<16xf32>
        %add3A_660 = arith.addf %mul3A_648, %mul3A_656 : vector<16xf32>
        %add3A_661 = arith.addf %add3A_657, %add3A_658 : vector<16xf32>
        %add3A_662 = arith.addf %add3A_659, %add3A_660 : vector<16xf32>
        %add3A_663 = arith.addf %add3A_661, %add3A_662 : vector<16xf32>
        %mul3A_664 = arith.constant 16 : i32
        %mul3A_665 = vector.broadcast %mul3A_664 : i32 to vector<16xi32>
        %mul3A_666 = arith.muli %iota3A, %mul3A_665 : vector<16xi32>
        %add3A_667 = arith.constant 1536 : i32
        %add3A_668 = arith.addi %add3A_667, %scan3A_85 : i32
        %add3A_669 = vector.broadcast %add3A_668 : i32 to vector<16xi32>
        %add3A_670 = arith.addi %mul3A_666, %add3A_669 : vector<16xi32>
        tpu.vector_store_idx %arg8[%add3A_670], %add3A_663 : memref<3584xf32, #tpu.memory_space<vmem>>[vector<16xi32>], vector<16xf32>,
        %add3A_671 = arith.constant 64 : i32
        %add3A_672 = arith.addi %add3A_671, %scan3A_85 : i32
        %get3A_673 = arith.constant 0 : i32
        %get3A_674 = arith.index_cast %get3A_673 : i32 to index
        %get3A_675 = arith.index_cast %add3A_672 : i32 to index
        %get3A_676 = arith.constant 0 : index
        %get3A_677 = tpu.vector_load %arg7[%get3A_674, %get3A_675, %get3A_676] {strides = array<i32>} : memref<2x120x128xf32, #tpu.memory_space<vmem>>, vector<16xf32>,
        %mul3A_678 = arith.mulf %get3A_89, %get3A_677 : vector<16xf32>
        %add3A_679 = arith.constant 64 : i32
        %add3A_680 = arith.addi %add3A_679, %scan3A_85 : i32
        %get3A_681 = arith.constant 0 : i32
        %get3A_682 = arith.index_cast %get3A_681 : i32 to index
        %get3A_683 = arith.index_cast %add3A_680 : i32 to index
        %get3A_684 = arith.constant 16 : index
        %get3A_685 = tpu.vector_load %arg7[%get3A_682, %get3A_683, %get3A_684] {strides = array<i32>} : memref<2x120x128xf32, #tpu.memory_space<vmem>>, vector<16xf32>,
        %mul3A_686 = arith.mulf %get3A_94, %get3A_685 : vector<16xf32>
        %add3A_687 = arith.constant 64 : i32
        %add3A_688 = arith.addi %add3A_687, %scan3A_85 : i32
        %get3A_689 = arith.constant 0 : i32
        %get3A_690 = arith.index_cast %get3A_689 : i32 to index
        %get3A_691 = arith.index_cast %add3A_688 : i32 to index
        %get3A_692 = arith.constant 32 : index
        %get3A_693 = tpu.vector_load %arg7[%get3A_690, %get3A_691, %get3A_692] {strides = array<i32>} : memref<2x120x128xf32, #tpu.memory_space<vmem>>, vector<16xf32>,
        %mul3A_694 = arith.mulf %get3A_99, %get3A_693 : vector<16xf32>
        %add3A_695 = arith.constant 64 : i32
        %add3A_696 = arith.addi %add3A_695, %scan3A_85 : i32
        %get3A_697 = arith.constant 0 : i32
        %get3A_698 = arith.index_cast %get3A_697 : i32 to index
        %get3A_699 = arith.index_cast %add3A_696 : i32 to index
        %get3A_700 = arith.constant 48 : index
        %get3A_701 = tpu.vector_load %arg7[%get3A_698, %get3A_699, %get3A_700] {strides = array<i32>} : memref<2x120x128xf32, #tpu.memory_space<vmem>>, vector<16xf32>,
        %mul3A_702 = arith.mulf %get3A_104, %get3A_701 : vector<16xf32>
        %add3A_703 = arith.constant 64 : i32
        %add3A_704 = arith.addi %add3A_703, %scan3A_85 : i32
        %get3A_705 = arith.constant 0 : i32
        %get3A_706 = arith.index_cast %get3A_705 : i32 to index
        %get3A_707 = arith.index_cast %add3A_704 : i32 to index
        %get3A_708 = arith.constant 64 : index
        %get3A_709 = tpu.vector_load %arg7[%get3A_706, %get3A_707, %get3A_708] {strides = array<i32>} : memref<2x120x128xf32, #tpu.memory_space<vmem>>, vector<16xf32>,
        %mul3A_710 = arith.mulf %get3A_109, %get3A_709 : vector<16xf32>
        %add3A_711 = arith.constant 64 : i32
        %add3A_712 = arith.addi %add3A_711, %scan3A_85 : i32
        %get3A_713 = arith.constant 0 : i32
        %get3A_714 = arith.index_cast %get3A_713 : i32 to index
        %get3A_715 = arith.index_cast %add3A_712 : i32 to index
        %get3A_716 = arith.constant 80 : index
        %get3A_717 = tpu.vector_load %arg7[%get3A_714, %get3A_715, %get3A_716] {strides = array<i32>} : memref<2x120x128xf32, #tpu.memory_space<vmem>>, vector<16xf32>,
        %mul3A_718 = arith.mulf %get3A_114, %get3A_717 : vector<16xf32>
        %add3A_719 = arith.constant 64 : i32
        %add3A_720 = arith.addi %add3A_719, %scan3A_85 : i32
        %get3A_721 = arith.constant 0 : i32
        %get3A_722 = arith.index_cast %get3A_721 : i32 to index
        %get3A_723 = arith.index_cast %add3A_720 : i32 to index
        %get3A_724 = arith.constant 96 : index
        %get3A_725 = tpu.vector_load %arg7[%get3A_722, %get3A_723, %get3A_724] {strides = array<i32>} : memref<2x120x128xf32, #tpu.memory_space<vmem>>, vector<16xf32>,
        %mul3A_726 = arith.mulf %get3A_119, %get3A_725 : vector<16xf32>
        %add3A_727 = arith.constant 64 : i32
        %add3A_728 = arith.addi %add3A_727, %scan3A_85 : i32
        %get3A_729 = arith.constant 0 : i32
        %get3A_730 = arith.index_cast %get3A_729 : i32 to index
        %get3A_731 = arith.index_cast %add3A_728 : i32 to index
        %get3A_732 = arith.constant 112 : index
        %get3A_733 = tpu.vector_load %arg7[%get3A_730, %get3A_731, %get3A_732] {strides = array<i32>} : memref<2x120x128xf32, #tpu.memory_space<vmem>>, vector<16xf32>,
        %mul3A_734 = arith.mulf %get3A_124, %get3A_733 : vector<16xf32>
        %add3A_735 = arith.addf %mul3A_678, %mul3A_686 : vector<16xf32>
        %add3A_736 = arith.addf %mul3A_694, %mul3A_702 : vector<16xf32>
        %add3A_737 = arith.addf %mul3A_710, %mul3A_718 : vector<16xf32>
        %add3A_738 = arith.addf %mul3A_726, %mul3A_734 : vector<16xf32>
        %add3A_739 = arith.addf %add3A_735, %add3A_736 : vector<16xf32>
        %add3A_740 = arith.addf %add3A_737, %add3A_738 : vector<16xf32>
        %add3A_741 = arith.addf %add3A_739, %add3A_740 : vector<16xf32>
        %mul3A_742 = arith.constant 16 : i32
        %mul3A_743 = vector.broadcast %mul3A_742 : i32 to vector<16xi32>
        %mul3A_744 = arith.muli %iota3A, %mul3A_743 : vector<16xi32>
        %add3A_745 = arith.constant 1792 : i32
        %add3A_746 = arith.addi %add3A_745, %scan3A_85 : i32
        %add3A_747 = vector.broadcast %add3A_746 : i32 to vector<16xi32>
        %add3A_748 = arith.addi %mul3A_744, %add3A_747 : vector<16xi32>
        tpu.vector_store_idx %arg8[%add3A_748], %add3A_741 : memref<3584xf32, #tpu.memory_space<vmem>>[vector<16xi32>], vector<16xf32>,
        %add3A_749 = arith.constant 72 : i32
        %add3A_750 = arith.addi %add3A_749, %scan3A_85 : i32
        %get3A_751 = arith.constant 0 : i32
        %get3A_752 = arith.index_cast %get3A_751 : i32 to index
        %get3A_753 = arith.index_cast %add3A_750 : i32 to index
        %get3A_754 = arith.constant 0 : index
        %get3A_755 = tpu.vector_load %arg7[%get3A_752, %get3A_753, %get3A_754] {strides = array<i32>} : memref<2x120x128xf32, #tpu.memory_space<vmem>>, vector<16xf32>,
        %mul3A_756 = arith.mulf %get3A_89, %get3A_755 : vector<16xf32>
        %add3A_757 = arith.constant 72 : i32
        %add3A_758 = arith.addi %add3A_757, %scan3A_85 : i32
        %get3A_759 = arith.constant 0 : i32
        %get3A_760 = arith.index_cast %get3A_759 : i32 to index
        %get3A_761 = arith.index_cast %add3A_758 : i32 to index
        %get3A_762 = arith.constant 16 : index
        %get3A_763 = tpu.vector_load %arg7[%get3A_760, %get3A_761, %get3A_762] {strides = array<i32>} : memref<2x120x128xf32, #tpu.memory_space<vmem>>, vector<16xf32>,
        %mul3A_764 = arith.mulf %get3A_94, %get3A_763 : vector<16xf32>
        %add3A_765 = arith.constant 72 : i32
        %add3A_766 = arith.addi %add3A_765, %scan3A_85 : i32
        %get3A_767 = arith.constant 0 : i32
        %get3A_768 = arith.index_cast %get3A_767 : i32 to index
        %get3A_769 = arith.index_cast %add3A_766 : i32 to index
        %get3A_770 = arith.constant 32 : index
        %get3A_771 = tpu.vector_load %arg7[%get3A_768, %get3A_769, %get3A_770] {strides = array<i32>} : memref<2x120x128xf32, #tpu.memory_space<vmem>>, vector<16xf32>,
        %mul3A_772 = arith.mulf %get3A_99, %get3A_771 : vector<16xf32>
        %add3A_773 = arith.constant 72 : i32
        %add3A_774 = arith.addi %add3A_773, %scan3A_85 : i32
        %get3A_775 = arith.constant 0 : i32
        %get3A_776 = arith.index_cast %get3A_775 : i32 to index
        %get3A_777 = arith.index_cast %add3A_774 : i32 to index
        %get3A_778 = arith.constant 48 : index
        %get3A_779 = tpu.vector_load %arg7[%get3A_776, %get3A_777, %get3A_778] {strides = array<i32>} : memref<2x120x128xf32, #tpu.memory_space<vmem>>, vector<16xf32>,
        %mul3A_780 = arith.mulf %get3A_104, %get3A_779 : vector<16xf32>
        %add3A_781 = arith.constant 72 : i32
        %add3A_782 = arith.addi %add3A_781, %scan3A_85 : i32
        %get3A_783 = arith.constant 0 : i32
        %get3A_784 = arith.index_cast %get3A_783 : i32 to index
        %get3A_785 = arith.index_cast %add3A_782 : i32 to index
        %get3A_786 = arith.constant 64 : index
        %get3A_787 = tpu.vector_load %arg7[%get3A_784, %get3A_785, %get3A_786] {strides = array<i32>} : memref<2x120x128xf32, #tpu.memory_space<vmem>>, vector<16xf32>,
        %mul3A_788 = arith.mulf %get3A_109, %get3A_787 : vector<16xf32>
        %add3A_789 = arith.constant 72 : i32
        %add3A_790 = arith.addi %add3A_789, %scan3A_85 : i32
        %get3A_791 = arith.constant 0 : i32
        %get3A_792 = arith.index_cast %get3A_791 : i32 to index
        %get3A_793 = arith.index_cast %add3A_790 : i32 to index
        %get3A_794 = arith.constant 80 : index
        %get3A_795 = tpu.vector_load %arg7[%get3A_792, %get3A_793, %get3A_794] {strides = array<i32>} : memref<2x120x128xf32, #tpu.memory_space<vmem>>, vector<16xf32>,
        %mul3A_796 = arith.mulf %get3A_114, %get3A_795 : vector<16xf32>
        %add3A_797 = arith.constant 72 : i32
        %add3A_798 = arith.addi %add3A_797, %scan3A_85 : i32
        %get3A_799 = arith.constant 0 : i32
        %get3A_800 = arith.index_cast %get3A_799 : i32 to index
        %get3A_801 = arith.index_cast %add3A_798 : i32 to index
        %get3A_802 = arith.constant 96 : index
        %get3A_803 = tpu.vector_load %arg7[%get3A_800, %get3A_801, %get3A_802] {strides = array<i32>} : memref<2x120x128xf32, #tpu.memory_space<vmem>>, vector<16xf32>,
        %mul3A_804 = arith.mulf %get3A_119, %get3A_803 : vector<16xf32>
        %add3A_805 = arith.constant 72 : i32
        %add3A_806 = arith.addi %add3A_805, %scan3A_85 : i32
        %get3A_807 = arith.constant 0 : i32
        %get3A_808 = arith.index_cast %get3A_807 : i32 to index
        %get3A_809 = arith.index_cast %add3A_806 : i32 to index
        %get3A_810 = arith.constant 112 : index
        %get3A_811 = tpu.vector_load %arg7[%get3A_808, %get3A_809, %get3A_810] {strides = array<i32>} : memref<2x120x128xf32, #tpu.memory_space<vmem>>, vector<16xf32>,
        %mul3A_812 = arith.mulf %get3A_124, %get3A_811 : vector<16xf32>
        %add3A_813 = arith.addf %mul3A_756, %mul3A_764 : vector<16xf32>
        %add3A_814 = arith.addf %mul3A_772, %mul3A_780 : vector<16xf32>
        %add3A_815 = arith.addf %mul3A_788, %mul3A_796 : vector<16xf32>
        %add3A_816 = arith.addf %mul3A_804, %mul3A_812 : vector<16xf32>
        %add3A_817 = arith.addf %add3A_813, %add3A_814 : vector<16xf32>
        %add3A_818 = arith.addf %add3A_815, %add3A_816 : vector<16xf32>
        %add3A_819 = arith.addf %add3A_817, %add3A_818 : vector<16xf32>
        %mul3A_820 = arith.constant 16 : i32
        %mul3A_821 = vector.broadcast %mul3A_820 : i32 to vector<16xi32>
        %mul3A_822 = arith.muli %iota3A, %mul3A_821 : vector<16xi32>
        %add3A_823 = arith.constant 2048 : i32
        %add3A_824 = arith.addi %add3A_823, %scan3A_85 : i32
        %add3A_825 = vector.broadcast %add3A_824 : i32 to vector<16xi32>
        %add3A_826 = arith.addi %mul3A_822, %add3A_825 : vector<16xi32>
        tpu.vector_store_idx %arg8[%add3A_826], %add3A_819 : memref<3584xf32, #tpu.memory_space<vmem>>[vector<16xi32>], vector<16xf32>,
        %add3A_827 = arith.constant 80 : i32
        %add3A_828 = arith.addi %add3A_827, %scan3A_85 : i32
        %get3A_829 = arith.constant 0 : i32
        %get3A_830 = arith.index_cast %get3A_829 : i32 to index
        %get3A_831 = arith.index_cast %add3A_828 : i32 to index
        %get3A_832 = arith.constant 0 : index
        %get3A_833 = tpu.vector_load %arg7[%get3A_830, %get3A_831, %get3A_832] {strides = array<i32>} : memref<2x120x128xf32, #tpu.memory_space<vmem>>, vector<16xf32>,
        %mul3A_834 = arith.mulf %get3A_89, %get3A_833 : vector<16xf32>
        %add3A_835 = arith.constant 80 : i32
        %add3A_836 = arith.addi %add3A_835, %scan3A_85 : i32
        %get3A_837 = arith.constant 0 : i32
        %get3A_838 = arith.index_cast %get3A_837 : i32 to index
        %get3A_839 = arith.index_cast %add3A_836 : i32 to index
        %get3A_840 = arith.constant 16 : index
        %get3A_841 = tpu.vector_load %arg7[%get3A_838, %get3A_839, %get3A_840] {strides = array<i32>} : memref<2x120x128xf32, #tpu.memory_space<vmem>>, vector<16xf32>,
        %mul3A_842 = arith.mulf %get3A_94, %get3A_841 : vector<16xf32>
        %add3A_843 = arith.constant 80 : i32
        %add3A_844 = arith.addi %add3A_843, %scan3A_85 : i32
        %get3A_845 = arith.constant 0 : i32
        %get3A_846 = arith.index_cast %get3A_845 : i32 to index
        %get3A_847 = arith.index_cast %add3A_844 : i32 to index
        %get3A_848 = arith.constant 32 : index
        %get3A_849 = tpu.vector_load %arg7[%get3A_846, %get3A_847, %get3A_848] {strides = array<i32>} : memref<2x120x128xf32, #tpu.memory_space<vmem>>, vector<16xf32>,
        %mul3A_850 = arith.mulf %get3A_99, %get3A_849 : vector<16xf32>
        %add3A_851 = arith.constant 80 : i32
        %add3A_852 = arith.addi %add3A_851, %scan3A_85 : i32
        %get3A_853 = arith.constant 0 : i32
        %get3A_854 = arith.index_cast %get3A_853 : i32 to index
        %get3A_855 = arith.index_cast %add3A_852 : i32 to index
        %get3A_856 = arith.constant 48 : index
        %get3A_857 = tpu.vector_load %arg7[%get3A_854, %get3A_855, %get3A_856] {strides = array<i32>} : memref<2x120x128xf32, #tpu.memory_space<vmem>>, vector<16xf32>,
        %mul3A_858 = arith.mulf %get3A_104, %get3A_857 : vector<16xf32>
        %add3A_859 = arith.constant 80 : i32
        %add3A_860 = arith.addi %add3A_859, %scan3A_85 : i32
        %get3A_861 = arith.constant 0 : i32
        %get3A_862 = arith.index_cast %get3A_861 : i32 to index
        %get3A_863 = arith.index_cast %add3A_860 : i32 to index
        %get3A_864 = arith.constant 64 : index
        %get3A_865 = tpu.vector_load %arg7[%get3A_862, %get3A_863, %get3A_864] {strides = array<i32>} : memref<2x120x128xf32, #tpu.memory_space<vmem>>, vector<16xf32>,
        %mul3A_866 = arith.mulf %get3A_109, %get3A_865 : vector<16xf32>
        %add3A_867 = arith.constant 80 : i32
        %add3A_868 = arith.addi %add3A_867, %scan3A_85 : i32
        %get3A_869 = arith.constant 0 : i32
        %get3A_870 = arith.index_cast %get3A_869 : i32 to index
        %get3A_871 = arith.index_cast %add3A_868 : i32 to index
        %get3A_872 = arith.constant 80 : index
        %get3A_873 = tpu.vector_load %arg7[%get3A_870, %get3A_871, %get3A_872] {strides = array<i32>} : memref<2x120x128xf32, #tpu.memory_space<vmem>>, vector<16xf32>,
        %mul3A_874 = arith.mulf %get3A_114, %get3A_873 : vector<16xf32>
        %add3A_875 = arith.constant 80 : i32
        %add3A_876 = arith.addi %add3A_875, %scan3A_85 : i32
        %get3A_877 = arith.constant 0 : i32
        %get3A_878 = arith.index_cast %get3A_877 : i32 to index
        %get3A_879 = arith.index_cast %add3A_876 : i32 to index
        %get3A_880 = arith.constant 96 : index
        %get3A_881 = tpu.vector_load %arg7[%get3A_878, %get3A_879, %get3A_880] {strides = array<i32>} : memref<2x120x128xf32, #tpu.memory_space<vmem>>, vector<16xf32>,
        %mul3A_882 = arith.mulf %get3A_119, %get3A_881 : vector<16xf32>
        %add3A_883 = arith.constant 80 : i32
        %add3A_884 = arith.addi %add3A_883, %scan3A_85 : i32
        %get3A_885 = arith.constant 0 : i32
        %get3A_886 = arith.index_cast %get3A_885 : i32 to index
        %get3A_887 = arith.index_cast %add3A_884 : i32 to index
        %get3A_888 = arith.constant 112 : index
        %get3A_889 = tpu.vector_load %arg7[%get3A_886, %get3A_887, %get3A_888] {strides = array<i32>} : memref<2x120x128xf32, #tpu.memory_space<vmem>>, vector<16xf32>,
        %mul3A_890 = arith.mulf %get3A_124, %get3A_889 : vector<16xf32>
        %add3A_891 = arith.addf %mul3A_834, %mul3A_842 : vector<16xf32>
        %add3A_892 = arith.addf %mul3A_850, %mul3A_858 : vector<16xf32>
        %add3A_893 = arith.addf %mul3A_866, %mul3A_874 : vector<16xf32>
        %add3A_894 = arith.addf %mul3A_882, %mul3A_890 : vector<16xf32>
        %add3A_895 = arith.addf %add3A_891, %add3A_892 : vector<16xf32>
        %add3A_896 = arith.addf %add3A_893, %add3A_894 : vector<16xf32>
        %add3A_897 = arith.addf %add3A_895, %add3A_896 : vector<16xf32>
        %mul3A_898 = arith.constant 16 : i32
        %mul3A_899 = vector.broadcast %mul3A_898 : i32 to vector<16xi32>
        %mul3A_900 = arith.muli %iota3A, %mul3A_899 : vector<16xi32>
        %add3A_901 = arith.constant 2304 : i32
        %add3A_902 = arith.addi %add3A_901, %scan3A_85 : i32
        %add3A_903 = vector.broadcast %add3A_902 : i32 to vector<16xi32>
        %add3A_904 = arith.addi %mul3A_900, %add3A_903 : vector<16xi32>
        tpu.vector_store_idx %arg8[%add3A_904], %add3A_897 : memref<3584xf32, #tpu.memory_space<vmem>>[vector<16xi32>], vector<16xf32>,
        %add3A_905 = arith.constant 88 : i32
        %add3A_906 = arith.addi %add3A_905, %scan3A_85 : i32
        %get3A_907 = arith.constant 0 : i32
        %get3A_908 = arith.index_cast %get3A_907 : i32 to index
        %get3A_909 = arith.index_cast %add3A_906 : i32 to index
        %get3A_910 = arith.constant 0 : index
        %get3A_911 = tpu.vector_load %arg7[%get3A_908, %get3A_909, %get3A_910] {strides = array<i32>} : memref<2x120x128xf32, #tpu.memory_space<vmem>>, vector<16xf32>,
        %mul3A_912 = arith.mulf %get3A_89, %get3A_911 : vector<16xf32>
        %add3A_913 = arith.constant 88 : i32
        %add3A_914 = arith.addi %add3A_913, %scan3A_85 : i32
        %get3A_915 = arith.constant 0 : i32
        %get3A_916 = arith.index_cast %get3A_915 : i32 to index
        %get3A_917 = arith.index_cast %add3A_914 : i32 to index
        %get3A_918 = arith.constant 16 : index
        %get3A_919 = tpu.vector_load %arg7[%get3A_916, %get3A_917, %get3A_918] {strides = array<i32>} : memref<2x120x128xf32, #tpu.memory_space<vmem>>, vector<16xf32>,
        %mul3A_920 = arith.mulf %get3A_94, %get3A_919 : vector<16xf32>
        %add3A_921 = arith.constant 88 : i32
        %add3A_922 = arith.addi %add3A_921, %scan3A_85 : i32
        %get3A_923 = arith.constant 0 : i32
        %get3A_924 = arith.index_cast %get3A_923 : i32 to index
        %get3A_925 = arith.index_cast %add3A_922 : i32 to index
        %get3A_926 = arith.constant 32 : index
        %get3A_927 = tpu.vector_load %arg7[%get3A_924, %get3A_925, %get3A_926] {strides = array<i32>} : memref<2x120x128xf32, #tpu.memory_space<vmem>>, vector<16xf32>,
        %mul3A_928 = arith.mulf %get3A_99, %get3A_927 : vector<16xf32>
        %add3A_929 = arith.constant 88 : i32
        %add3A_930 = arith.addi %add3A_929, %scan3A_85 : i32
        %get3A_931 = arith.constant 0 : i32
        %get3A_932 = arith.index_cast %get3A_931 : i32 to index
        %get3A_933 = arith.index_cast %add3A_930 : i32 to index
        %get3A_934 = arith.constant 48 : index
        %get3A_935 = tpu.vector_load %arg7[%get3A_932, %get3A_933, %get3A_934] {strides = array<i32>} : memref<2x120x128xf32, #tpu.memory_space<vmem>>, vector<16xf32>,
        %mul3A_936 = arith.mulf %get3A_104, %get3A_935 : vector<16xf32>
        %add3A_937 = arith.constant 88 : i32
        %add3A_938 = arith.addi %add3A_937, %scan3A_85 : i32
        %get3A_939 = arith.constant 0 : i32
        %get3A_940 = arith.index_cast %get3A_939 : i32 to index
        %get3A_941 = arith.index_cast %add3A_938 : i32 to index
        %get3A_942 = arith.constant 64 : index
        %get3A_943 = tpu.vector_load %arg7[%get3A_940, %get3A_941, %get3A_942] {strides = array<i32>} : memref<2x120x128xf32, #tpu.memory_space<vmem>>, vector<16xf32>,
        %mul3A_944 = arith.mulf %get3A_109, %get3A_943 : vector<16xf32>
        %add3A_945 = arith.constant 88 : i32
        %add3A_946 = arith.addi %add3A_945, %scan3A_85 : i32
        %get3A_947 = arith.constant 0 : i32
        %get3A_948 = arith.index_cast %get3A_947 : i32 to index
        %get3A_949 = arith.index_cast %add3A_946 : i32 to index
        %get3A_950 = arith.constant 80 : index
        %get3A_951 = tpu.vector_load %arg7[%get3A_948, %get3A_949, %get3A_950] {strides = array<i32>} : memref<2x120x128xf32, #tpu.memory_space<vmem>>, vector<16xf32>,
        %mul3A_952 = arith.mulf %get3A_114, %get3A_951 : vector<16xf32>
        %add3A_953 = arith.constant 88 : i32
        %add3A_954 = arith.addi %add3A_953, %scan3A_85 : i32
        %get3A_955 = arith.constant 0 : i32
        %get3A_956 = arith.index_cast %get3A_955 : i32 to index
        %get3A_957 = arith.index_cast %add3A_954 : i32 to index
        %get3A_958 = arith.constant 96 : index
        %get3A_959 = tpu.vector_load %arg7[%get3A_956, %get3A_957, %get3A_958] {strides = array<i32>} : memref<2x120x128xf32, #tpu.memory_space<vmem>>, vector<16xf32>,
        %mul3A_960 = arith.mulf %get3A_119, %get3A_959 : vector<16xf32>
        %add3A_961 = arith.constant 88 : i32
        %add3A_962 = arith.addi %add3A_961, %scan3A_85 : i32
        %get3A_963 = arith.constant 0 : i32
        %get3A_964 = arith.index_cast %get3A_963 : i32 to index
        %get3A_965 = arith.index_cast %add3A_962 : i32 to index
        %get3A_966 = arith.constant 112 : index
        %get3A_967 = tpu.vector_load %arg7[%get3A_964, %get3A_965, %get3A_966] {strides = array<i32>} : memref<2x120x128xf32, #tpu.memory_space<vmem>>, vector<16xf32>,
        %mul3A_968 = arith.mulf %get3A_124, %get3A_967 : vector<16xf32>
        %add3A_969 = arith.addf %mul3A_912, %mul3A_920 : vector<16xf32>
        %add3A_970 = arith.addf %mul3A_928, %mul3A_936 : vector<16xf32>
        %add3A_971 = arith.addf %mul3A_944, %mul3A_952 : vector<16xf32>
        %add3A_972 = arith.addf %mul3A_960, %mul3A_968 : vector<16xf32>
        %add3A_973 = arith.addf %add3A_969, %add3A_970 : vector<16xf32>
        %add3A_974 = arith.addf %add3A_971, %add3A_972 : vector<16xf32>
        %add3A_975 = arith.addf %add3A_973, %add3A_974 : vector<16xf32>
        %mul3A_976 = arith.constant 16 : i32
        %mul3A_977 = vector.broadcast %mul3A_976 : i32 to vector<16xi32>
        %mul3A_978 = arith.muli %iota3A, %mul3A_977 : vector<16xi32>
        %add3A_979 = arith.constant 2560 : i32
        %add3A_980 = arith.addi %add3A_979, %scan3A_85 : i32
        %add3A_981 = vector.broadcast %add3A_980 : i32 to vector<16xi32>
        %add3A_982 = arith.addi %mul3A_978, %add3A_981 : vector<16xi32>
        tpu.vector_store_idx %arg8[%add3A_982], %add3A_975 : memref<3584xf32, #tpu.memory_space<vmem>>[vector<16xi32>], vector<16xf32>,
        %add3A_983 = arith.constant 96 : i32
        %add3A_984 = arith.addi %add3A_983, %scan3A_85 : i32
        %get3A_985 = arith.constant 0 : i32
        %get3A_986 = arith.index_cast %get3A_985 : i32 to index
        %get3A_987 = arith.index_cast %add3A_984 : i32 to index
        %get3A_988 = arith.constant 0 : index
        %get3A_989 = tpu.vector_load %arg7[%get3A_986, %get3A_987, %get3A_988] {strides = array<i32>} : memref<2x120x128xf32, #tpu.memory_space<vmem>>, vector<16xf32>,
        %mul3A_990 = arith.mulf %get3A_89, %get3A_989 : vector<16xf32>
        %add3A_991 = arith.constant 96 : i32
        %add3A_992 = arith.addi %add3A_991, %scan3A_85 : i32
        %get3A_993 = arith.constant 0 : i32
        %get3A_994 = arith.index_cast %get3A_993 : i32 to index
        %get3A_995 = arith.index_cast %add3A_992 : i32 to index
        %get3A_996 = arith.constant 16 : index
        %get3A_997 = tpu.vector_load %arg7[%get3A_994, %get3A_995, %get3A_996] {strides = array<i32>} : memref<2x120x128xf32, #tpu.memory_space<vmem>>, vector<16xf32>,
        %mul3A_998 = arith.mulf %get3A_94, %get3A_997 : vector<16xf32>
        %add3A_999 = arith.constant 96 : i32
        %add3A_1000 = arith.addi %add3A_999, %scan3A_85 : i32
        %get3A_1001 = arith.constant 0 : i32
        %get3A_1002 = arith.index_cast %get3A_1001 : i32 to index
        %get3A_1003 = arith.index_cast %add3A_1000 : i32 to index
        %get3A_1004 = arith.constant 32 : index
        %get3A_1005 = tpu.vector_load %arg7[%get3A_1002, %get3A_1003, %get3A_1004] {strides = array<i32>} : memref<2x120x128xf32, #tpu.memory_space<vmem>>, vector<16xf32>,
        %mul3A_1006 = arith.mulf %get3A_99, %get3A_1005 : vector<16xf32>
        %add3A_1007 = arith.constant 96 : i32
        %add3A_1008 = arith.addi %add3A_1007, %scan3A_85 : i32
        %get3A_1009 = arith.constant 0 : i32
        %get3A_1010 = arith.index_cast %get3A_1009 : i32 to index
        %get3A_1011 = arith.index_cast %add3A_1008 : i32 to index
        %get3A_1012 = arith.constant 48 : index
        %get3A_1013 = tpu.vector_load %arg7[%get3A_1010, %get3A_1011, %get3A_1012] {strides = array<i32>} : memref<2x120x128xf32, #tpu.memory_space<vmem>>, vector<16xf32>,
        %mul3A_1014 = arith.mulf %get3A_104, %get3A_1013 : vector<16xf32>
        %add3A_1015 = arith.constant 96 : i32
        %add3A_1016 = arith.addi %add3A_1015, %scan3A_85 : i32
        %get3A_1017 = arith.constant 0 : i32
        %get3A_1018 = arith.index_cast %get3A_1017 : i32 to index
        %get3A_1019 = arith.index_cast %add3A_1016 : i32 to index
        %get3A_1020 = arith.constant 64 : index
        %get3A_1021 = tpu.vector_load %arg7[%get3A_1018, %get3A_1019, %get3A_1020] {strides = array<i32>} : memref<2x120x128xf32, #tpu.memory_space<vmem>>, vector<16xf32>,
        %mul3A_1022 = arith.mulf %get3A_109, %get3A_1021 : vector<16xf32>
        %add3A_1023 = arith.constant 96 : i32
        %add3A_1024 = arith.addi %add3A_1023, %scan3A_85 : i32
        %get3A_1025 = arith.constant 0 : i32
        %get3A_1026 = arith.index_cast %get3A_1025 : i32 to index
        %get3A_1027 = arith.index_cast %add3A_1024 : i32 to index
        %get3A_1028 = arith.constant 80 : index
        %get3A_1029 = tpu.vector_load %arg7[%get3A_1026, %get3A_1027, %get3A_1028] {strides = array<i32>} : memref<2x120x128xf32, #tpu.memory_space<vmem>>, vector<16xf32>,
        %mul3A_1030 = arith.mulf %get3A_114, %get3A_1029 : vector<16xf32>
        %add3A_1031 = arith.constant 96 : i32
        %add3A_1032 = arith.addi %add3A_1031, %scan3A_85 : i32
        %get3A_1033 = arith.constant 0 : i32
        %get3A_1034 = arith.index_cast %get3A_1033 : i32 to index
        %get3A_1035 = arith.index_cast %add3A_1032 : i32 to index
        %get3A_1036 = arith.constant 96 : index
        %get3A_1037 = tpu.vector_load %arg7[%get3A_1034, %get3A_1035, %get3A_1036] {strides = array<i32>} : memref<2x120x128xf32, #tpu.memory_space<vmem>>, vector<16xf32>,
        %mul3A_1038 = arith.mulf %get3A_119, %get3A_1037 : vector<16xf32>
        %add3A_1039 = arith.constant 96 : i32
        %add3A_1040 = arith.addi %add3A_1039, %scan3A_85 : i32
        %get3A_1041 = arith.constant 0 : i32
        %get3A_1042 = arith.index_cast %get3A_1041 : i32 to index
        %get3A_1043 = arith.index_cast %add3A_1040 : i32 to index
        %get3A_1044 = arith.constant 112 : index
        %get3A_1045 = tpu.vector_load %arg7[%get3A_1042, %get3A_1043, %get3A_1044] {strides = array<i32>} : memref<2x120x128xf32, #tpu.memory_space<vmem>>, vector<16xf32>,
        %mul3A_1046 = arith.mulf %get3A_124, %get3A_1045 : vector<16xf32>
        %add3A_1047 = arith.addf %mul3A_990, %mul3A_998 : vector<16xf32>
        %add3A_1048 = arith.addf %mul3A_1006, %mul3A_1014 : vector<16xf32>
        %add3A_1049 = arith.addf %mul3A_1022, %mul3A_1030 : vector<16xf32>
        %add3A_1050 = arith.addf %mul3A_1038, %mul3A_1046 : vector<16xf32>
        %add3A_1051 = arith.addf %add3A_1047, %add3A_1048 : vector<16xf32>
        %add3A_1052 = arith.addf %add3A_1049, %add3A_1050 : vector<16xf32>
        %add3A_1053 = arith.addf %add3A_1051, %add3A_1052 : vector<16xf32>
        %mul3A_1054 = arith.constant 16 : i32
        %mul3A_1055 = vector.broadcast %mul3A_1054 : i32 to vector<16xi32>
        %mul3A_1056 = arith.muli %iota3A, %mul3A_1055 : vector<16xi32>
        %add3A_1057 = arith.constant 2816 : i32
        %add3A_1058 = arith.addi %add3A_1057, %scan3A_85 : i32
        %add3A_1059 = vector.broadcast %add3A_1058 : i32 to vector<16xi32>
        %add3A_1060 = arith.addi %mul3A_1056, %add3A_1059 : vector<16xi32>
        tpu.vector_store_idx %arg8[%add3A_1060], %add3A_1053 : memref<3584xf32, #tpu.memory_space<vmem>>[vector<16xi32>], vector<16xf32>,
        %add3A_1061 = arith.constant 104 : i32
        %add3A_1062 = arith.addi %add3A_1061, %scan3A_85 : i32
        %get3A_1063 = arith.constant 0 : i32
        %get3A_1064 = arith.index_cast %get3A_1063 : i32 to index
        %get3A_1065 = arith.index_cast %add3A_1062 : i32 to index
        %get3A_1066 = arith.constant 0 : index
        %get3A_1067 = tpu.vector_load %arg7[%get3A_1064, %get3A_1065, %get3A_1066] {strides = array<i32>} : memref<2x120x128xf32, #tpu.memory_space<vmem>>, vector<16xf32>,
        %mul3A_1068 = arith.mulf %get3A_89, %get3A_1067 : vector<16xf32>
        %add3A_1069 = arith.constant 104 : i32
        %add3A_1070 = arith.addi %add3A_1069, %scan3A_85 : i32
        %get3A_1071 = arith.constant 0 : i32
        %get3A_1072 = arith.index_cast %get3A_1071 : i32 to index
        %get3A_1073 = arith.index_cast %add3A_1070 : i32 to index
        %get3A_1074 = arith.constant 16 : index
        %get3A_1075 = tpu.vector_load %arg7[%get3A_1072, %get3A_1073, %get3A_1074] {strides = array<i32>} : memref<2x120x128xf32, #tpu.memory_space<vmem>>, vector<16xf32>,
        %mul3A_1076 = arith.mulf %get3A_94, %get3A_1075 : vector<16xf32>
        %add3A_1077 = arith.constant 104 : i32
        %add3A_1078 = arith.addi %add3A_1077, %scan3A_85 : i32
        %get3A_1079 = arith.constant 0 : i32
        %get3A_1080 = arith.index_cast %get3A_1079 : i32 to index
        %get3A_1081 = arith.index_cast %add3A_1078 : i32 to index
        %get3A_1082 = arith.constant 32 : index
        %get3A_1083 = tpu.vector_load %arg7[%get3A_1080, %get3A_1081, %get3A_1082] {strides = array<i32>} : memref<2x120x128xf32, #tpu.memory_space<vmem>>, vector<16xf32>,
        %mul3A_1084 = arith.mulf %get3A_99, %get3A_1083 : vector<16xf32>
        %add3A_1085 = arith.constant 104 : i32
        %add3A_1086 = arith.addi %add3A_1085, %scan3A_85 : i32
        %get3A_1087 = arith.constant 0 : i32
        %get3A_1088 = arith.index_cast %get3A_1087 : i32 to index
        %get3A_1089 = arith.index_cast %add3A_1086 : i32 to index
        %get3A_1090 = arith.constant 48 : index
        %get3A_1091 = tpu.vector_load %arg7[%get3A_1088, %get3A_1089, %get3A_1090] {strides = array<i32>} : memref<2x120x128xf32, #tpu.memory_space<vmem>>, vector<16xf32>,
        %mul3A_1092 = arith.mulf %get3A_104, %get3A_1091 : vector<16xf32>
        %add3A_1093 = arith.constant 104 : i32
        %add3A_1094 = arith.addi %add3A_1093, %scan3A_85 : i32
        %get3A_1095 = arith.constant 0 : i32
        %get3A_1096 = arith.index_cast %get3A_1095 : i32 to index
        %get3A_1097 = arith.index_cast %add3A_1094 : i32 to index
        %get3A_1098 = arith.constant 64 : index
        %get3A_1099 = tpu.vector_load %arg7[%get3A_1096, %get3A_1097, %get3A_1098] {strides = array<i32>} : memref<2x120x128xf32, #tpu.memory_space<vmem>>, vector<16xf32>,
        %mul3A_1100 = arith.mulf %get3A_109, %get3A_1099 : vector<16xf32>
        %add3A_1101 = arith.constant 104 : i32
        %add3A_1102 = arith.addi %add3A_1101, %scan3A_85 : i32
        %get3A_1103 = arith.constant 0 : i32
        %get3A_1104 = arith.index_cast %get3A_1103 : i32 to index
        %get3A_1105 = arith.index_cast %add3A_1102 : i32 to index
        %get3A_1106 = arith.constant 80 : index
        %get3A_1107 = tpu.vector_load %arg7[%get3A_1104, %get3A_1105, %get3A_1106] {strides = array<i32>} : memref<2x120x128xf32, #tpu.memory_space<vmem>>, vector<16xf32>,
        %mul3A_1108 = arith.mulf %get3A_114, %get3A_1107 : vector<16xf32>
        %add3A_1109 = arith.constant 104 : i32
        %add3A_1110 = arith.addi %add3A_1109, %scan3A_85 : i32
        %get3A_1111 = arith.constant 0 : i32
        %get3A_1112 = arith.index_cast %get3A_1111 : i32 to index
        %get3A_1113 = arith.index_cast %add3A_1110 : i32 to index
        %get3A_1114 = arith.constant 96 : index
        %get3A_1115 = tpu.vector_load %arg7[%get3A_1112, %get3A_1113, %get3A_1114] {strides = array<i32>} : memref<2x120x128xf32, #tpu.memory_space<vmem>>, vector<16xf32>,
        %mul3A_1116 = arith.mulf %get3A_119, %get3A_1115 : vector<16xf32>
        %add3A_1117 = arith.constant 104 : i32
        %add3A_1118 = arith.addi %add3A_1117, %scan3A_85 : i32
        %get3A_1119 = arith.constant 0 : i32
        %get3A_1120 = arith.index_cast %get3A_1119 : i32 to index
        %get3A_1121 = arith.index_cast %add3A_1118 : i32 to index
        %get3A_1122 = arith.constant 112 : index
        %get3A_1123 = tpu.vector_load %arg7[%get3A_1120, %get3A_1121, %get3A_1122] {strides = array<i32>} : memref<2x120x128xf32, #tpu.memory_space<vmem>>, vector<16xf32>,
        %mul3A_1124 = arith.mulf %get3A_124, %get3A_1123 : vector<16xf32>
        %add3A_1125 = arith.addf %mul3A_1068, %mul3A_1076 : vector<16xf32>
        %add3A_1126 = arith.addf %mul3A_1084, %mul3A_1092 : vector<16xf32>
        %add3A_1127 = arith.addf %mul3A_1100, %mul3A_1108 : vector<16xf32>
        %add3A_1128 = arith.addf %mul3A_1116, %mul3A_1124 : vector<16xf32>
        %add3A_1129 = arith.addf %add3A_1125, %add3A_1126 : vector<16xf32>
        %add3A_1130 = arith.addf %add3A_1127, %add3A_1128 : vector<16xf32>
        %add3A_1131 = arith.addf %add3A_1129, %add3A_1130 : vector<16xf32>
        %mul3A_1132 = arith.constant 16 : i32
        %mul3A_1133 = vector.broadcast %mul3A_1132 : i32 to vector<16xi32>
        %mul3A_1134 = arith.muli %iota3A, %mul3A_1133 : vector<16xi32>
        %add3A_1135 = arith.constant 3072 : i32
        %add3A_1136 = arith.addi %add3A_1135, %scan3A_85 : i32
        %add3A_1137 = vector.broadcast %add3A_1136 : i32 to vector<16xi32>
        %add3A_1138 = arith.addi %mul3A_1134, %add3A_1137 : vector<16xi32>
        tpu.vector_store_idx %arg8[%add3A_1138], %add3A_1131 : memref<3584xf32, #tpu.memory_space<vmem>>[vector<16xi32>], vector<16xf32>,
        %add3A_1139 = arith.constant 112 : i32
        %add3A_1140 = arith.addi %add3A_1139, %scan3A_85 : i32
        %get3A_1141 = arith.constant 0 : i32
        %get3A_1142 = arith.index_cast %get3A_1141 : i32 to index
        %get3A_1143 = arith.index_cast %add3A_1140 : i32 to index
        %get3A_1144 = arith.constant 0 : index
        %get3A_1145 = tpu.vector_load %arg7[%get3A_1142, %get3A_1143, %get3A_1144] {strides = array<i32>} : memref<2x120x128xf32, #tpu.memory_space<vmem>>, vector<16xf32>,
        %mul3A_1146 = arith.mulf %get3A_89, %get3A_1145 : vector<16xf32>
        %add3A_1147 = arith.constant 112 : i32
        %add3A_1148 = arith.addi %add3A_1147, %scan3A_85 : i32
        %get3A_1149 = arith.constant 0 : i32
        %get3A_1150 = arith.index_cast %get3A_1149 : i32 to index
        %get3A_1151 = arith.index_cast %add3A_1148 : i32 to index
        %get3A_1152 = arith.constant 16 : index
        %get3A_1153 = tpu.vector_load %arg7[%get3A_1150, %get3A_1151, %get3A_1152] {strides = array<i32>} : memref<2x120x128xf32, #tpu.memory_space<vmem>>, vector<16xf32>,
        %mul3A_1154 = arith.mulf %get3A_94, %get3A_1153 : vector<16xf32>
        %add3A_1155 = arith.constant 112 : i32
        %add3A_1156 = arith.addi %add3A_1155, %scan3A_85 : i32
        %get3A_1157 = arith.constant 0 : i32
        %get3A_1158 = arith.index_cast %get3A_1157 : i32 to index
        %get3A_1159 = arith.index_cast %add3A_1156 : i32 to index
        %get3A_1160 = arith.constant 32 : index
        %get3A_1161 = tpu.vector_load %arg7[%get3A_1158, %get3A_1159, %get3A_1160] {strides = array<i32>} : memref<2x120x128xf32, #tpu.memory_space<vmem>>, vector<16xf32>,
        %mul3A_1162 = arith.mulf %get3A_99, %get3A_1161 : vector<16xf32>
        %add3A_1163 = arith.constant 112 : i32
        %add3A_1164 = arith.addi %add3A_1163, %scan3A_85 : i32
        %get3A_1165 = arith.constant 0 : i32
        %get3A_1166 = arith.index_cast %get3A_1165 : i32 to index
        %get3A_1167 = arith.index_cast %add3A_1164 : i32 to index
        %get3A_1168 = arith.constant 48 : index
        %get3A_1169 = tpu.vector_load %arg7[%get3A_1166, %get3A_1167, %get3A_1168] {strides = array<i32>} : memref<2x120x128xf32, #tpu.memory_space<vmem>>, vector<16xf32>,
        %mul3A_1170 = arith.mulf %get3A_104, %get3A_1169 : vector<16xf32>
        %add3A_1171 = arith.constant 112 : i32
        %add3A_1172 = arith.addi %add3A_1171, %scan3A_85 : i32
        %get3A_1173 = arith.constant 0 : i32
        %get3A_1174 = arith.index_cast %get3A_1173 : i32 to index
        %get3A_1175 = arith.index_cast %add3A_1172 : i32 to index
        %get3A_1176 = arith.constant 64 : index
        %get3A_1177 = tpu.vector_load %arg7[%get3A_1174, %get3A_1175, %get3A_1176] {strides = array<i32>} : memref<2x120x128xf32, #tpu.memory_space<vmem>>, vector<16xf32>,
        %mul3A_1178 = arith.mulf %get3A_109, %get3A_1177 : vector<16xf32>
        %add3A_1179 = arith.constant 112 : i32
        %add3A_1180 = arith.addi %add3A_1179, %scan3A_85 : i32
        %get3A_1181 = arith.constant 0 : i32
        %get3A_1182 = arith.index_cast %get3A_1181 : i32 to index
        %get3A_1183 = arith.index_cast %add3A_1180 : i32 to index
        %get3A_1184 = arith.constant 80 : index
        %get3A_1185 = tpu.vector_load %arg7[%get3A_1182, %get3A_1183, %get3A_1184] {strides = array<i32>} : memref<2x120x128xf32, #tpu.memory_space<vmem>>, vector<16xf32>,
        %mul3A_1186 = arith.mulf %get3A_114, %get3A_1185 : vector<16xf32>
        %add3A_1187 = arith.constant 112 : i32
        %add3A_1188 = arith.addi %add3A_1187, %scan3A_85 : i32
        %get3A_1189 = arith.constant 0 : i32
        %get3A_1190 = arith.index_cast %get3A_1189 : i32 to index
        %get3A_1191 = arith.index_cast %add3A_1188 : i32 to index
        %get3A_1192 = arith.constant 96 : index
        %get3A_1193 = tpu.vector_load %arg7[%get3A_1190, %get3A_1191, %get3A_1192] {strides = array<i32>} : memref<2x120x128xf32, #tpu.memory_space<vmem>>, vector<16xf32>,
        %mul3A_1194 = arith.mulf %get3A_119, %get3A_1193 : vector<16xf32>
        %add3A_1195 = arith.constant 112 : i32
        %add3A_1196 = arith.addi %add3A_1195, %scan3A_85 : i32
        %get3A_1197 = arith.constant 0 : i32
        %get3A_1198 = arith.index_cast %get3A_1197 : i32 to index
        %get3A_1199 = arith.index_cast %add3A_1196 : i32 to index
        %get3A_1200 = arith.constant 112 : index
        %get3A_1201 = tpu.vector_load %arg7[%get3A_1198, %get3A_1199, %get3A_1200] {strides = array<i32>} : memref<2x120x128xf32, #tpu.memory_space<vmem>>, vector<16xf32>,
        %mul3A_1202 = arith.mulf %get3A_124, %get3A_1201 : vector<16xf32>
        %add3A_1203 = arith.addf %mul3A_1146, %mul3A_1154 : vector<16xf32>
        %add3A_1204 = arith.addf %mul3A_1162, %mul3A_1170 : vector<16xf32>
        %add3A_1205 = arith.addf %mul3A_1178, %mul3A_1186 : vector<16xf32>
        %add3A_1206 = arith.addf %mul3A_1194, %mul3A_1202 : vector<16xf32>
        %add3A_1207 = arith.addf %add3A_1203, %add3A_1204 : vector<16xf32>
        %add3A_1208 = arith.addf %add3A_1205, %add3A_1206 : vector<16xf32>
        %add3A_1209 = arith.addf %add3A_1207, %add3A_1208 : vector<16xf32>
        %mul3A_1210 = arith.constant 16 : i32
        %mul3A_1211 = vector.broadcast %mul3A_1210 : i32 to vector<16xi32>
        %mul3A_1212 = arith.muli %iota3A, %mul3A_1211 : vector<16xi32>
        %add3A_1213 = arith.constant 3328 : i32
        %add3A_1214 = arith.addi %add3A_1213, %scan3A_85 : i32
        %add3A_1215 = vector.broadcast %add3A_1214 : i32 to vector<16xi32>
        %add3A_1216 = arith.addi %mul3A_1212, %add3A_1215 : vector<16xi32>
        tpu.vector_store_idx %arg8[%add3A_1216], %add3A_1209 : memref<3584xf32, #tpu.memory_space<vmem>>[vector<16xi32>], vector<16xf32>,
      }
      %scan3A_55 = arith.constant 8 : i32
      %lt3A = arith.constant 7 : i32
      %lt3A_56 = arith.cmpi slt, %scan3A_40, %lt3A : i32
      %convert_element_type3A = arith.extui %lt3A_56 : i1 to i32
      %cond3A = arith.constant 0 : i32
      %cond3A_57 = arith.cmpi ne, %convert_element_type3A, %cond3A : i32
      scf.if %cond3A_57 {
        %mul3A_85 = arith.constant 2 : i32
        %mul3A_86 = arith.muli %mul3A_85, %scan3A_40 : i32
        %add3A_87 = arith.constant 2 : i32
        %add3A_88 = arith.addi %mul3A_86, %add3A_87 : i32
        %mul3A_89 = arith.constant 120 : i32
        %mul3A_90 = arith.muli %add3A_88, %mul3A_89 : i32
        %dma_start3A_91 = arith.constant 0 : i32
        %dma_start3A_92 = arith.constant 0 : i32
        %dma_start3A_93 = arith.constant 0 : i32
        %dma_start3A_94 = tpu.memref_slice %arg7[%dma_start3A_91, %dma_start3A_92, %dma_start3A_93] : memref<2x120x128xf32, #tpu.memory_space<vmem>> -> memref<1x120x128xf32, #tpu.memory_space<vmem>>
        %dma_start3A_95 = tpu.memref_squeeze %dma_start3A_94 : memref<1x120x128xf32, #tpu.memory_space<vmem>> -> memref<120x128xf32, #tpu.memory_space<vmem>>
        %dma_start3A_96 = tpu.memref_slice %arg6[%mul3A_90] : memref<1920xi32, #tpu.memory_space<vmem>> -> memref<120xi32, #tpu.memory_space<vmem>>
        %dma_start3A_97 = arith.constant 0 : i32
        %dma_start3A_98 = arith.constant 0 : i32
        %dma_start3A_99 = tpu.memref_slice %arg3[%dma_start3A_97, %dma_start3A_98] : memref<100000x128xf32, #tpu.memory_space<hbm>> -> memref<100000x128xf32, #tpu.memory_space<hbm>>
        tpu.enqueue_indirect_dma source(%dma_start3A_99 : memref<100000x128xf32, #tpu.memory_space<hbm>>) target(%dma_start3A_95 : memref<120x128xf32, #tpu.memory_space<vmem>>) offsets(%dma_start3A_96 : memref<120xi32, #tpu.memory_space<vmem>>) semaphore(%arg10 : memref<!tpu.dma_semaphore, #tpu.memory_space<semaphore_mem>>)
      } else {
      }
      %dma_wait3A_58 = arith.constant 1 : i32
      %dma_wait3A_59 = arith.constant 0 : i32
      %dma_wait3A_60 = arith.constant 0 : i32
      %dma_wait3A_61 = tpu.memref_slice %arg7[%dma_wait3A_58, %dma_wait3A_59, %dma_wait3A_60] : memref<2x120x128xf32, #tpu.memory_space<vmem>> -> memref<1x120x128xf32, #tpu.memory_space<vmem>>
      %dma_wait3A_62 = tpu.memref_squeeze %dma_wait3A_61 : memref<1x120x128xf32, #tpu.memory_space<vmem>> -> memref<120x128xf32, #tpu.memory_space<vmem>>
      %dma_wait3A_63 = arith.constant 0 : i32
      %dma_wait3A_64 = tpu.memref_slice %arg6[%dma_wait3A_63] : memref<1920xi32, #tpu.memory_space<vmem>> -> memref<120xi32, #tpu.memory_space<vmem>>
      %dma_wait3A_65 = arith.constant 0 : i32
      %dma_wait3A_66 = arith.constant 0 : i32
      %dma_wait3A_67 = tpu.memref_slice %arg3[%dma_wait3A_65, %dma_wait3A_66] : memref<100000x128xf32, #tpu.memory_space<hbm>> -> memref<100000x128xf32, #tpu.memory_space<hbm>>
      tpu.wait_indirect_dma semaphore(%arg11 : memref<!tpu.dma_semaphore, #tpu.memory_space<semaphore_mem>>) src(%dma_wait3A_67 : memref<100000x128xf32, #tpu.memory_space<hbm>>) dst(%dma_wait3A_62 : memref<120x128xf32, #tpu.memory_space<vmem>>)
      %scan3A_68 = arith.constant 0 : i32
      %scan3A_69 = arith.constant 0 : i32
      %scan3A_70 = arith.constant 8 : i32
      %scan3A_71 = arith.addi %scan3A_69, %scan3A_70 : i32
      %scan3A_72 = arith.constant 1 : i32
      scf.for %scan3A_85 = %scan3A_69 to %scan3A_71 step %scan3A_72  : i32 {
        %get3A = arith.constant 1 : i32
        %get3A_86 = arith.index_cast %get3A : i32 to index
        %get3A_87 = arith.index_cast %scan3A_85 : i32 to index
        %get3A_88 = arith.constant 0 : index
        %get3A_89 = tpu.vector_load %arg7[%get3A_86, %get3A_87, %get3A_88] {strides = array<i32>} : memref<2x120x128xf32, #tpu.memory_space<vmem>>, vector<16xf32>,
        %get3A_90 = arith.constant 1 : i32
        %get3A_91 = arith.index_cast %get3A_90 : i32 to index
        %get3A_92 = arith.index_cast %scan3A_85 : i32 to index
        %get3A_93 = arith.constant 16 : index
        %get3A_94 = tpu.vector_load %arg7[%get3A_91, %get3A_92, %get3A_93] {strides = array<i32>} : memref<2x120x128xf32, #tpu.memory_space<vmem>>, vector<16xf32>,
        %get3A_95 = arith.constant 1 : i32
        %get3A_96 = arith.index_cast %get3A_95 : i32 to index
        %get3A_97 = arith.index_cast %scan3A_85 : i32 to index
        %get3A_98 = arith.constant 32 : index
        %get3A_99 = tpu.vector_load %arg7[%get3A_96, %get3A_97, %get3A_98] {strides = array<i32>} : memref<2x120x128xf32, #tpu.memory_space<vmem>>, vector<16xf32>,
        %get3A_100 = arith.constant 1 : i32
        %get3A_101 = arith.index_cast %get3A_100 : i32 to index
        %get3A_102 = arith.index_cast %scan3A_85 : i32 to index
        %get3A_103 = arith.constant 48 : index
        %get3A_104 = tpu.vector_load %arg7[%get3A_101, %get3A_102, %get3A_103] {strides = array<i32>} : memref<2x120x128xf32, #tpu.memory_space<vmem>>, vector<16xf32>,
        %get3A_105 = arith.constant 1 : i32
        %get3A_106 = arith.index_cast %get3A_105 : i32 to index
        %get3A_107 = arith.index_cast %scan3A_85 : i32 to index
        %get3A_108 = arith.constant 64 : index
        %get3A_109 = tpu.vector_load %arg7[%get3A_106, %get3A_107, %get3A_108] {strides = array<i32>} : memref<2x120x128xf32, #tpu.memory_space<vmem>>, vector<16xf32>,
        %get3A_110 = arith.constant 1 : i32
        %get3A_111 = arith.index_cast %get3A_110 : i32 to index
        %get3A_112 = arith.index_cast %scan3A_85 : i32 to index
        %get3A_113 = arith.constant 80 : index
        %get3A_114 = tpu.vector_load %arg7[%get3A_111, %get3A_112, %get3A_113] {strides = array<i32>} : memref<2x120x128xf32, #tpu.memory_space<vmem>>, vector<16xf32>,
        %get3A_115 = arith.constant 1 : i32
        %get3A_116 = arith.index_cast %get3A_115 : i32 to index
        %get3A_117 = arith.index_cast %scan3A_85 : i32 to index
        %get3A_118 = arith.constant 96 : index
        %get3A_119 = tpu.vector_load %arg7[%get3A_116, %get3A_117, %get3A_118] {strides = array<i32>} : memref<2x120x128xf32, #tpu.memory_space<vmem>>, vector<16xf32>,
        %get3A_120 = arith.constant 1 : i32
        %get3A_121 = arith.index_cast %get3A_120 : i32 to index
        %get3A_122 = arith.index_cast %scan3A_85 : i32 to index
        %get3A_123 = arith.constant 112 : index
        %get3A_124 = tpu.vector_load %arg7[%get3A_121, %get3A_122, %get3A_123] {strides = array<i32>} : memref<2x120x128xf32, #tpu.memory_space<vmem>>, vector<16xf32>,
        %add3A_125 = arith.constant 8 : i32
        %add3A_126 = arith.addi %add3A_125, %scan3A_85 : i32
        %get3A_127 = arith.constant 1 : i32
        %get3A_128 = arith.index_cast %get3A_127 : i32 to index
        %get3A_129 = arith.index_cast %add3A_126 : i32 to index
        %get3A_130 = arith.constant 0 : index
        %get3A_131 = tpu.vector_load %arg7[%get3A_128, %get3A_129, %get3A_130] {strides = array<i32>} : memref<2x120x128xf32, #tpu.memory_space<vmem>>, vector<16xf32>,
        %mul3A_132 = arith.mulf %get3A_89, %get3A_131 : vector<16xf32>
        %add3A_133 = arith.constant 8 : i32
        %add3A_134 = arith.addi %add3A_133, %scan3A_85 : i32
        %get3A_135 = arith.constant 1 : i32
        %get3A_136 = arith.index_cast %get3A_135 : i32 to index
        %get3A_137 = arith.index_cast %add3A_134 : i32 to index
        %get3A_138 = arith.constant 16 : index
        %get3A_139 = tpu.vector_load %arg7[%get3A_136, %get3A_137, %get3A_138] {strides = array<i32>} : memref<2x120x128xf32, #tpu.memory_space<vmem>>, vector<16xf32>,
        %mul3A_140 = arith.mulf %get3A_94, %get3A_139 : vector<16xf32>
        %add3A_141 = arith.constant 8 : i32
        %add3A_142 = arith.addi %add3A_141, %scan3A_85 : i32
        %get3A_143 = arith.constant 1 : i32
        %get3A_144 = arith.index_cast %get3A_143 : i32 to index
        %get3A_145 = arith.index_cast %add3A_142 : i32 to index
        %get3A_146 = arith.constant 32 : index
        %get3A_147 = tpu.vector_load %arg7[%get3A_144, %get3A_145, %get3A_146] {strides = array<i32>} : memref<2x120x128xf32, #tpu.memory_space<vmem>>, vector<16xf32>,
        %mul3A_148 = arith.mulf %get3A_99, %get3A_147 : vector<16xf32>
        %add3A_149 = arith.constant 8 : i32
        %add3A_150 = arith.addi %add3A_149, %scan3A_85 : i32
        %get3A_151 = arith.constant 1 : i32
        %get3A_152 = arith.index_cast %get3A_151 : i32 to index
        %get3A_153 = arith.index_cast %add3A_150 : i32 to index
        %get3A_154 = arith.constant 48 : index
        %get3A_155 = tpu.vector_load %arg7[%get3A_152, %get3A_153, %get3A_154] {strides = array<i32>} : memref<2x120x128xf32, #tpu.memory_space<vmem>>, vector<16xf32>,
        %mul3A_156 = arith.mulf %get3A_104, %get3A_155 : vector<16xf32>
        %add3A_157 = arith.constant 8 : i32
        %add3A_158 = arith.addi %add3A_157, %scan3A_85 : i32
        %get3A_159 = arith.constant 1 : i32
        %get3A_160 = arith.index_cast %get3A_159 : i32 to index
        %get3A_161 = arith.index_cast %add3A_158 : i32 to index
        %get3A_162 = arith.constant 64 : index
        %get3A_163 = tpu.vector_load %arg7[%get3A_160, %get3A_161, %get3A_162] {strides = array<i32>} : memref<2x120x128xf32, #tpu.memory_space<vmem>>, vector<16xf32>,
        %mul3A_164 = arith.mulf %get3A_109, %get3A_163 : vector<16xf32>
        %add3A_165 = arith.constant 8 : i32
        %add3A_166 = arith.addi %add3A_165, %scan3A_85 : i32
        %get3A_167 = arith.constant 1 : i32
        %get3A_168 = arith.index_cast %get3A_167 : i32 to index
        %get3A_169 = arith.index_cast %add3A_166 : i32 to index
        %get3A_170 = arith.constant 80 : index
        %get3A_171 = tpu.vector_load %arg7[%get3A_168, %get3A_169, %get3A_170] {strides = array<i32>} : memref<2x120x128xf32, #tpu.memory_space<vmem>>, vector<16xf32>,
        %mul3A_172 = arith.mulf %get3A_114, %get3A_171 : vector<16xf32>
        %add3A_173 = arith.constant 8 : i32
        %add3A_174 = arith.addi %add3A_173, %scan3A_85 : i32
        %get3A_175 = arith.constant 1 : i32
        %get3A_176 = arith.index_cast %get3A_175 : i32 to index
        %get3A_177 = arith.index_cast %add3A_174 : i32 to index
        %get3A_178 = arith.constant 96 : index
        %get3A_179 = tpu.vector_load %arg7[%get3A_176, %get3A_177, %get3A_178] {strides = array<i32>} : memref<2x120x128xf32, #tpu.memory_space<vmem>>, vector<16xf32>,
        %mul3A_180 = arith.mulf %get3A_119, %get3A_179 : vector<16xf32>
        %add3A_181 = arith.constant 8 : i32
        %add3A_182 = arith.addi %add3A_181, %scan3A_85 : i32
        %get3A_183 = arith.constant 1 : i32
        %get3A_184 = arith.index_cast %get3A_183 : i32 to index
        %get3A_185 = arith.index_cast %add3A_182 : i32 to index
        %get3A_186 = arith.constant 112 : index
        %get3A_187 = tpu.vector_load %arg7[%get3A_184, %get3A_185, %get3A_186] {strides = array<i32>} : memref<2x120x128xf32, #tpu.memory_space<vmem>>, vector<16xf32>,
        %mul3A_188 = arith.mulf %get3A_124, %get3A_187 : vector<16xf32>
        %add3A_189 = arith.addf %mul3A_132, %mul3A_140 : vector<16xf32>
        %add3A_190 = arith.addf %mul3A_148, %mul3A_156 : vector<16xf32>
        %add3A_191 = arith.addf %mul3A_164, %mul3A_172 : vector<16xf32>
        %add3A_192 = arith.addf %mul3A_180, %mul3A_188 : vector<16xf32>
        %add3A_193 = arith.addf %add3A_189, %add3A_190 : vector<16xf32>
        %add3A_194 = arith.addf %add3A_191, %add3A_192 : vector<16xf32>
        %add3A_195 = arith.addf %add3A_193, %add3A_194 : vector<16xf32>
        %mul3A_196 = arith.constant 16 : i32
        %mul3A_197 = vector.broadcast %mul3A_196 : i32 to vector<16xi32>
        %mul3A_198 = arith.muli %iota3A, %mul3A_197 : vector<16xi32>
        %add3A_199 = arith.constant 8 : i32
        %add3A_200 = arith.addi %add3A_199, %scan3A_85 : i32
        %add3A_201 = vector.broadcast %add3A_200 : i32 to vector<16xi32>
        %add3A_202 = arith.addi %mul3A_198, %add3A_201 : vector<16xi32>
        tpu.vector_store_idx %arg8[%add3A_202], %add3A_195 : memref<3584xf32, #tpu.memory_space<vmem>>[vector<16xi32>], vector<16xf32>,
        %add3A_203 = arith.constant 16 : i32
        %add3A_204 = arith.addi %add3A_203, %scan3A_85 : i32
        %get3A_205 = arith.constant 1 : i32
        %get3A_206 = arith.index_cast %get3A_205 : i32 to index
        %get3A_207 = arith.index_cast %add3A_204 : i32 to index
        %get3A_208 = arith.constant 0 : index
        %get3A_209 = tpu.vector_load %arg7[%get3A_206, %get3A_207, %get3A_208] {strides = array<i32>} : memref<2x120x128xf32, #tpu.memory_space<vmem>>, vector<16xf32>,
        %mul3A_210 = arith.mulf %get3A_89, %get3A_209 : vector<16xf32>
        %add3A_211 = arith.constant 16 : i32
        %add3A_212 = arith.addi %add3A_211, %scan3A_85 : i32
        %get3A_213 = arith.constant 1 : i32
        %get3A_214 = arith.index_cast %get3A_213 : i32 to index
        %get3A_215 = arith.index_cast %add3A_212 : i32 to index
        %get3A_216 = arith.constant 16 : index
        %get3A_217 = tpu.vector_load %arg7[%get3A_214, %get3A_215, %get3A_216] {strides = array<i32>} : memref<2x120x128xf32, #tpu.memory_space<vmem>>, vector<16xf32>,
        %mul3A_218 = arith.mulf %get3A_94, %get3A_217 : vector<16xf32>
        %add3A_219 = arith.constant 16 : i32
        %add3A_220 = arith.addi %add3A_219, %scan3A_85 : i32
        %get3A_221 = arith.constant 1 : i32
        %get3A_222 = arith.index_cast %get3A_221 : i32 to index
        %get3A_223 = arith.index_cast %add3A_220 : i32 to index
        %get3A_224 = arith.constant 32 : index
        %get3A_225 = tpu.vector_load %arg7[%get3A_222, %get3A_223, %get3A_224] {strides = array<i32>} : memref<2x120x128xf32, #tpu.memory_space<vmem>>, vector<16xf32>,
        %mul3A_226 = arith.mulf %get3A_99, %get3A_225 : vector<16xf32>
        %add3A_227 = arith.constant 16 : i32
        %add3A_228 = arith.addi %add3A_227, %scan3A_85 : i32
        %get3A_229 = arith.constant 1 : i32
        %get3A_230 = arith.index_cast %get3A_229 : i32 to index
        %get3A_231 = arith.index_cast %add3A_228 : i32 to index
        %get3A_232 = arith.constant 48 : index
        %get3A_233 = tpu.vector_load %arg7[%get3A_230, %get3A_231, %get3A_232] {strides = array<i32>} : memref<2x120x128xf32, #tpu.memory_space<vmem>>, vector<16xf32>,
        %mul3A_234 = arith.mulf %get3A_104, %get3A_233 : vector<16xf32>
        %add3A_235 = arith.constant 16 : i32
        %add3A_236 = arith.addi %add3A_235, %scan3A_85 : i32
        %get3A_237 = arith.constant 1 : i32
        %get3A_238 = arith.index_cast %get3A_237 : i32 to index
        %get3A_239 = arith.index_cast %add3A_236 : i32 to index
        %get3A_240 = arith.constant 64 : index
        %get3A_241 = tpu.vector_load %arg7[%get3A_238, %get3A_239, %get3A_240] {strides = array<i32>} : memref<2x120x128xf32, #tpu.memory_space<vmem>>, vector<16xf32>,
        %mul3A_242 = arith.mulf %get3A_109, %get3A_241 : vector<16xf32>
        %add3A_243 = arith.constant 16 : i32
        %add3A_244 = arith.addi %add3A_243, %scan3A_85 : i32
        %get3A_245 = arith.constant 1 : i32
        %get3A_246 = arith.index_cast %get3A_245 : i32 to index
        %get3A_247 = arith.index_cast %add3A_244 : i32 to index
        %get3A_248 = arith.constant 80 : index
        %get3A_249 = tpu.vector_load %arg7[%get3A_246, %get3A_247, %get3A_248] {strides = array<i32>} : memref<2x120x128xf32, #tpu.memory_space<vmem>>, vector<16xf32>,
        %mul3A_250 = arith.mulf %get3A_114, %get3A_249 : vector<16xf32>
        %add3A_251 = arith.constant 16 : i32
        %add3A_252 = arith.addi %add3A_251, %scan3A_85 : i32
        %get3A_253 = arith.constant 1 : i32
        %get3A_254 = arith.index_cast %get3A_253 : i32 to index
        %get3A_255 = arith.index_cast %add3A_252 : i32 to index
        %get3A_256 = arith.constant 96 : index
        %get3A_257 = tpu.vector_load %arg7[%get3A_254, %get3A_255, %get3A_256] {strides = array<i32>} : memref<2x120x128xf32, #tpu.memory_space<vmem>>, vector<16xf32>,
        %mul3A_258 = arith.mulf %get3A_119, %get3A_257 : vector<16xf32>
        %add3A_259 = arith.constant 16 : i32
        %add3A_260 = arith.addi %add3A_259, %scan3A_85 : i32
        %get3A_261 = arith.constant 1 : i32
        %get3A_262 = arith.index_cast %get3A_261 : i32 to index
        %get3A_263 = arith.index_cast %add3A_260 : i32 to index
        %get3A_264 = arith.constant 112 : index
        %get3A_265 = tpu.vector_load %arg7[%get3A_262, %get3A_263, %get3A_264] {strides = array<i32>} : memref<2x120x128xf32, #tpu.memory_space<vmem>>, vector<16xf32>,
        %mul3A_266 = arith.mulf %get3A_124, %get3A_265 : vector<16xf32>
        %add3A_267 = arith.addf %mul3A_210, %mul3A_218 : vector<16xf32>
        %add3A_268 = arith.addf %mul3A_226, %mul3A_234 : vector<16xf32>
        %add3A_269 = arith.addf %mul3A_242, %mul3A_250 : vector<16xf32>
        %add3A_270 = arith.addf %mul3A_258, %mul3A_266 : vector<16xf32>
        %add3A_271 = arith.addf %add3A_267, %add3A_268 : vector<16xf32>
        %add3A_272 = arith.addf %add3A_269, %add3A_270 : vector<16xf32>
        %add3A_273 = arith.addf %add3A_271, %add3A_272 : vector<16xf32>
        %mul3A_274 = arith.constant 16 : i32
        %mul3A_275 = vector.broadcast %mul3A_274 : i32 to vector<16xi32>
        %mul3A_276 = arith.muli %iota3A, %mul3A_275 : vector<16xi32>
        %add3A_277 = arith.constant 264 : i32
        %add3A_278 = arith.addi %add3A_277, %scan3A_85 : i32
        %add3A_279 = vector.broadcast %add3A_278 : i32 to vector<16xi32>
        %add3A_280 = arith.addi %mul3A_276, %add3A_279 : vector<16xi32>
        tpu.vector_store_idx %arg8[%add3A_280], %add3A_273 : memref<3584xf32, #tpu.memory_space<vmem>>[vector<16xi32>], vector<16xf32>,
        %add3A_281 = arith.constant 24 : i32
        %add3A_282 = arith.addi %add3A_281, %scan3A_85 : i32
        %get3A_283 = arith.constant 1 : i32
        %get3A_284 = arith.index_cast %get3A_283 : i32 to index
        %get3A_285 = arith.index_cast %add3A_282 : i32 to index
        %get3A_286 = arith.constant 0 : index
        %get3A_287 = tpu.vector_load %arg7[%get3A_284, %get3A_285, %get3A_286] {strides = array<i32>} : memref<2x120x128xf32, #tpu.memory_space<vmem>>, vector<16xf32>,
        %mul3A_288 = arith.mulf %get3A_89, %get3A_287 : vector<16xf32>
        %add3A_289 = arith.constant 24 : i32
        %add3A_290 = arith.addi %add3A_289, %scan3A_85 : i32
        %get3A_291 = arith.constant 1 : i32
        %get3A_292 = arith.index_cast %get3A_291 : i32 to index
        %get3A_293 = arith.index_cast %add3A_290 : i32 to index
        %get3A_294 = arith.constant 16 : index
        %get3A_295 = tpu.vector_load %arg7[%get3A_292, %get3A_293, %get3A_294] {strides = array<i32>} : memref<2x120x128xf32, #tpu.memory_space<vmem>>, vector<16xf32>,
        %mul3A_296 = arith.mulf %get3A_94, %get3A_295 : vector<16xf32>
        %add3A_297 = arith.constant 24 : i32
        %add3A_298 = arith.addi %add3A_297, %scan3A_85 : i32
        %get3A_299 = arith.constant 1 : i32
        %get3A_300 = arith.index_cast %get3A_299 : i32 to index
        %get3A_301 = arith.index_cast %add3A_298 : i32 to index
        %get3A_302 = arith.constant 32 : index
        %get3A_303 = tpu.vector_load %arg7[%get3A_300, %get3A_301, %get3A_302] {strides = array<i32>} : memref<2x120x128xf32, #tpu.memory_space<vmem>>, vector<16xf32>,
        %mul3A_304 = arith.mulf %get3A_99, %get3A_303 : vector<16xf32>
        %add3A_305 = arith.constant 24 : i32
        %add3A_306 = arith.addi %add3A_305, %scan3A_85 : i32
        %get3A_307 = arith.constant 1 : i32
        %get3A_308 = arith.index_cast %get3A_307 : i32 to index
        %get3A_309 = arith.index_cast %add3A_306 : i32 to index
        %get3A_310 = arith.constant 48 : index
        %get3A_311 = tpu.vector_load %arg7[%get3A_308, %get3A_309, %get3A_310] {strides = array<i32>} : memref<2x120x128xf32, #tpu.memory_space<vmem>>, vector<16xf32>,
        %mul3A_312 = arith.mulf %get3A_104, %get3A_311 : vector<16xf32>
        %add3A_313 = arith.constant 24 : i32
        %add3A_314 = arith.addi %add3A_313, %scan3A_85 : i32
        %get3A_315 = arith.constant 1 : i32
        %get3A_316 = arith.index_cast %get3A_315 : i32 to index
        %get3A_317 = arith.index_cast %add3A_314 : i32 to index
        %get3A_318 = arith.constant 64 : index
        %get3A_319 = tpu.vector_load %arg7[%get3A_316, %get3A_317, %get3A_318] {strides = array<i32>} : memref<2x120x128xf32, #tpu.memory_space<vmem>>, vector<16xf32>,
        %mul3A_320 = arith.mulf %get3A_109, %get3A_319 : vector<16xf32>
        %add3A_321 = arith.constant 24 : i32
        %add3A_322 = arith.addi %add3A_321, %scan3A_85 : i32
        %get3A_323 = arith.constant 1 : i32
        %get3A_324 = arith.index_cast %get3A_323 : i32 to index
        %get3A_325 = arith.index_cast %add3A_322 : i32 to index
        %get3A_326 = arith.constant 80 : index
        %get3A_327 = tpu.vector_load %arg7[%get3A_324, %get3A_325, %get3A_326] {strides = array<i32>} : memref<2x120x128xf32, #tpu.memory_space<vmem>>, vector<16xf32>,
        %mul3A_328 = arith.mulf %get3A_114, %get3A_327 : vector<16xf32>
        %add3A_329 = arith.constant 24 : i32
        %add3A_330 = arith.addi %add3A_329, %scan3A_85 : i32
        %get3A_331 = arith.constant 1 : i32
        %get3A_332 = arith.index_cast %get3A_331 : i32 to index
        %get3A_333 = arith.index_cast %add3A_330 : i32 to index
        %get3A_334 = arith.constant 96 : index
        %get3A_335 = tpu.vector_load %arg7[%get3A_332, %get3A_333, %get3A_334] {strides = array<i32>} : memref<2x120x128xf32, #tpu.memory_space<vmem>>, vector<16xf32>,
        %mul3A_336 = arith.mulf %get3A_119, %get3A_335 : vector<16xf32>
        %add3A_337 = arith.constant 24 : i32
        %add3A_338 = arith.addi %add3A_337, %scan3A_85 : i32
        %get3A_339 = arith.constant 1 : i32
        %get3A_340 = arith.index_cast %get3A_339 : i32 to index
        %get3A_341 = arith.index_cast %add3A_338 : i32 to index
        %get3A_342 = arith.constant 112 : index
        %get3A_343 = tpu.vector_load %arg7[%get3A_340, %get3A_341, %get3A_342] {strides = array<i32>} : memref<2x120x128xf32, #tpu.memory_space<vmem>>, vector<16xf32>,
        %mul3A_344 = arith.mulf %get3A_124, %get3A_343 : vector<16xf32>
        %add3A_345 = arith.addf %mul3A_288, %mul3A_296 : vector<16xf32>
        %add3A_346 = arith.addf %mul3A_304, %mul3A_312 : vector<16xf32>
        %add3A_347 = arith.addf %mul3A_320, %mul3A_328 : vector<16xf32>
        %add3A_348 = arith.addf %mul3A_336, %mul3A_344 : vector<16xf32>
        %add3A_349 = arith.addf %add3A_345, %add3A_346 : vector<16xf32>
        %add3A_350 = arith.addf %add3A_347, %add3A_348 : vector<16xf32>
        %add3A_351 = arith.addf %add3A_349, %add3A_350 : vector<16xf32>
        %mul3A_352 = arith.constant 16 : i32
        %mul3A_353 = vector.broadcast %mul3A_352 : i32 to vector<16xi32>
        %mul3A_354 = arith.muli %iota3A, %mul3A_353 : vector<16xi32>
        %add3A_355 = arith.constant 520 : i32
        %add3A_356 = arith.addi %add3A_355, %scan3A_85 : i32
        %add3A_357 = vector.broadcast %add3A_356 : i32 to vector<16xi32>
        %add3A_358 = arith.addi %mul3A_354, %add3A_357 : vector<16xi32>
        tpu.vector_store_idx %arg8[%add3A_358], %add3A_351 : memref<3584xf32, #tpu.memory_space<vmem>>[vector<16xi32>], vector<16xf32>,
        %add3A_359 = arith.constant 32 : i32
        %add3A_360 = arith.addi %add3A_359, %scan3A_85 : i32
        %get3A_361 = arith.constant 1 : i32
        %get3A_362 = arith.index_cast %get3A_361 : i32 to index
        %get3A_363 = arith.index_cast %add3A_360 : i32 to index
        %get3A_364 = arith.constant 0 : index
        %get3A_365 = tpu.vector_load %arg7[%get3A_362, %get3A_363, %get3A_364] {strides = array<i32>} : memref<2x120x128xf32, #tpu.memory_space<vmem>>, vector<16xf32>,
        %mul3A_366 = arith.mulf %get3A_89, %get3A_365 : vector<16xf32>
        %add3A_367 = arith.constant 32 : i32
        %add3A_368 = arith.addi %add3A_367, %scan3A_85 : i32
        %get3A_369 = arith.constant 1 : i32
        %get3A_370 = arith.index_cast %get3A_369 : i32 to index
        %get3A_371 = arith.index_cast %add3A_368 : i32 to index
        %get3A_372 = arith.constant 16 : index
        %get3A_373 = tpu.vector_load %arg7[%get3A_370, %get3A_371, %get3A_372] {strides = array<i32>} : memref<2x120x128xf32, #tpu.memory_space<vmem>>, vector<16xf32>,
        %mul3A_374 = arith.mulf %get3A_94, %get3A_373 : vector<16xf32>
        %add3A_375 = arith.constant 32 : i32
        %add3A_376 = arith.addi %add3A_375, %scan3A_85 : i32
        %get3A_377 = arith.constant 1 : i32
        %get3A_378 = arith.index_cast %get3A_377 : i32 to index
        %get3A_379 = arith.index_cast %add3A_376 : i32 to index
        %get3A_380 = arith.constant 32 : index
        %get3A_381 = tpu.vector_load %arg7[%get3A_378, %get3A_379, %get3A_380] {strides = array<i32>} : memref<2x120x128xf32, #tpu.memory_space<vmem>>, vector<16xf32>,
        %mul3A_382 = arith.mulf %get3A_99, %get3A_381 : vector<16xf32>
        %add3A_383 = arith.constant 32 : i32
        %add3A_384 = arith.addi %add3A_383, %scan3A_85 : i32
        %get3A_385 = arith.constant 1 : i32
        %get3A_386 = arith.index_cast %get3A_385 : i32 to index
        %get3A_387 = arith.index_cast %add3A_384 : i32 to index
        %get3A_388 = arith.constant 48 : index
        %get3A_389 = tpu.vector_load %arg7[%get3A_386, %get3A_387, %get3A_388] {strides = array<i32>} : memref<2x120x128xf32, #tpu.memory_space<vmem>>, vector<16xf32>,
        %mul3A_390 = arith.mulf %get3A_104, %get3A_389 : vector<16xf32>
        %add3A_391 = arith.constant 32 : i32
        %add3A_392 = arith.addi %add3A_391, %scan3A_85 : i32
        %get3A_393 = arith.constant 1 : i32
        %get3A_394 = arith.index_cast %get3A_393 : i32 to index
        %get3A_395 = arith.index_cast %add3A_392 : i32 to index
        %get3A_396 = arith.constant 64 : index
        %get3A_397 = tpu.vector_load %arg7[%get3A_394, %get3A_395, %get3A_396] {strides = array<i32>} : memref<2x120x128xf32, #tpu.memory_space<vmem>>, vector<16xf32>,
        %mul3A_398 = arith.mulf %get3A_109, %get3A_397 : vector<16xf32>
        %add3A_399 = arith.constant 32 : i32
        %add3A_400 = arith.addi %add3A_399, %scan3A_85 : i32
        %get3A_401 = arith.constant 1 : i32
        %get3A_402 = arith.index_cast %get3A_401 : i32 to index
        %get3A_403 = arith.index_cast %add3A_400 : i32 to index
        %get3A_404 = arith.constant 80 : index
        %get3A_405 = tpu.vector_load %arg7[%get3A_402, %get3A_403, %get3A_404] {strides = array<i32>} : memref<2x120x128xf32, #tpu.memory_space<vmem>>, vector<16xf32>,
        %mul3A_406 = arith.mulf %get3A_114, %get3A_405 : vector<16xf32>
        %add3A_407 = arith.constant 32 : i32
        %add3A_408 = arith.addi %add3A_407, %scan3A_85 : i32
        %get3A_409 = arith.constant 1 : i32
        %get3A_410 = arith.index_cast %get3A_409 : i32 to index
        %get3A_411 = arith.index_cast %add3A_408 : i32 to index
        %get3A_412 = arith.constant 96 : index
        %get3A_413 = tpu.vector_load %arg7[%get3A_410, %get3A_411, %get3A_412] {strides = array<i32>} : memref<2x120x128xf32, #tpu.memory_space<vmem>>, vector<16xf32>,
        %mul3A_414 = arith.mulf %get3A_119, %get3A_413 : vector<16xf32>
        %add3A_415 = arith.constant 32 : i32
        %add3A_416 = arith.addi %add3A_415, %scan3A_85 : i32
        %get3A_417 = arith.constant 1 : i32
        %get3A_418 = arith.index_cast %get3A_417 : i32 to index
        %get3A_419 = arith.index_cast %add3A_416 : i32 to index
        %get3A_420 = arith.constant 112 : index
        %get3A_421 = tpu.vector_load %arg7[%get3A_418, %get3A_419, %get3A_420] {strides = array<i32>} : memref<2x120x128xf32, #tpu.memory_space<vmem>>, vector<16xf32>,
        %mul3A_422 = arith.mulf %get3A_124, %get3A_421 : vector<16xf32>
        %add3A_423 = arith.addf %mul3A_366, %mul3A_374 : vector<16xf32>
        %add3A_424 = arith.addf %mul3A_382, %mul3A_390 : vector<16xf32>
        %add3A_425 = arith.addf %mul3A_398, %mul3A_406 : vector<16xf32>
        %add3A_426 = arith.addf %mul3A_414, %mul3A_422 : vector<16xf32>
        %add3A_427 = arith.addf %add3A_423, %add3A_424 : vector<16xf32>
        %add3A_428 = arith.addf %add3A_425, %add3A_426 : vector<16xf32>
        %add3A_429 = arith.addf %add3A_427, %add3A_428 : vector<16xf32>
        %mul3A_430 = arith.constant 16 : i32
        %mul3A_431 = vector.broadcast %mul3A_430 : i32 to vector<16xi32>
        %mul3A_432 = arith.muli %iota3A, %mul3A_431 : vector<16xi32>
        %add3A_433 = arith.constant 776 : i32
        %add3A_434 = arith.addi %add3A_433, %scan3A_85 : i32
        %add3A_435 = vector.broadcast %add3A_434 : i32 to vector<16xi32>
        %add3A_436 = arith.addi %mul3A_432, %add3A_435 : vector<16xi32>
        tpu.vector_store_idx %arg8[%add3A_436], %add3A_429 : memref<3584xf32, #tpu.memory_space<vmem>>[vector<16xi32>], vector<16xf32>,
        %add3A_437 = arith.constant 40 : i32
        %add3A_438 = arith.addi %add3A_437, %scan3A_85 : i32
        %get3A_439 = arith.constant 1 : i32
        %get3A_440 = arith.index_cast %get3A_439 : i32 to index
        %get3A_441 = arith.index_cast %add3A_438 : i32 to index
        %get3A_442 = arith.constant 0 : index
        %get3A_443 = tpu.vector_load %arg7[%get3A_440, %get3A_441, %get3A_442] {strides = array<i32>} : memref<2x120x128xf32, #tpu.memory_space<vmem>>, vector<16xf32>,
        %mul3A_444 = arith.mulf %get3A_89, %get3A_443 : vector<16xf32>
        %add3A_445 = arith.constant 40 : i32
        %add3A_446 = arith.addi %add3A_445, %scan3A_85 : i32
        %get3A_447 = arith.constant 1 : i32
        %get3A_448 = arith.index_cast %get3A_447 : i32 to index
        %get3A_449 = arith.index_cast %add3A_446 : i32 to index
        %get3A_450 = arith.constant 16 : index
        %get3A_451 = tpu.vector_load %arg7[%get3A_448, %get3A_449, %get3A_450] {strides = array<i32>} : memref<2x120x128xf32, #tpu.memory_space<vmem>>, vector<16xf32>,
        %mul3A_452 = arith.mulf %get3A_94, %get3A_451 : vector<16xf32>
        %add3A_453 = arith.constant 40 : i32
        %add3A_454 = arith.addi %add3A_453, %scan3A_85 : i32
        %get3A_455 = arith.constant 1 : i32
        %get3A_456 = arith.index_cast %get3A_455 : i32 to index
        %get3A_457 = arith.index_cast %add3A_454 : i32 to index
        %get3A_458 = arith.constant 32 : index
        %get3A_459 = tpu.vector_load %arg7[%get3A_456, %get3A_457, %get3A_458] {strides = array<i32>} : memref<2x120x128xf32, #tpu.memory_space<vmem>>, vector<16xf32>,
        %mul3A_460 = arith.mulf %get3A_99, %get3A_459 : vector<16xf32>
        %add3A_461 = arith.constant 40 : i32
        %add3A_462 = arith.addi %add3A_461, %scan3A_85 : i32
        %get3A_463 = arith.constant 1 : i32
        %get3A_464 = arith.index_cast %get3A_463 : i32 to index
        %get3A_465 = arith.index_cast %add3A_462 : i32 to index
        %get3A_466 = arith.constant 48 : index
        %get3A_467 = tpu.vector_load %arg7[%get3A_464, %get3A_465, %get3A_466] {strides = array<i32>} : memref<2x120x128xf32, #tpu.memory_space<vmem>>, vector<16xf32>,
        %mul3A_468 = arith.mulf %get3A_104, %get3A_467 : vector<16xf32>
        %add3A_469 = arith.constant 40 : i32
        %add3A_470 = arith.addi %add3A_469, %scan3A_85 : i32
        %get3A_471 = arith.constant 1 : i32
        %get3A_472 = arith.index_cast %get3A_471 : i32 to index
        %get3A_473 = arith.index_cast %add3A_470 : i32 to index
        %get3A_474 = arith.constant 64 : index
        %get3A_475 = tpu.vector_load %arg7[%get3A_472, %get3A_473, %get3A_474] {strides = array<i32>} : memref<2x120x128xf32, #tpu.memory_space<vmem>>, vector<16xf32>,
        %mul3A_476 = arith.mulf %get3A_109, %get3A_475 : vector<16xf32>
        %add3A_477 = arith.constant 40 : i32
        %add3A_478 = arith.addi %add3A_477, %scan3A_85 : i32
        %get3A_479 = arith.constant 1 : i32
        %get3A_480 = arith.index_cast %get3A_479 : i32 to index
        %get3A_481 = arith.index_cast %add3A_478 : i32 to index
        %get3A_482 = arith.constant 80 : index
        %get3A_483 = tpu.vector_load %arg7[%get3A_480, %get3A_481, %get3A_482] {strides = array<i32>} : memref<2x120x128xf32, #tpu.memory_space<vmem>>, vector<16xf32>,
        %mul3A_484 = arith.mulf %get3A_114, %get3A_483 : vector<16xf32>
        %add3A_485 = arith.constant 40 : i32
        %add3A_486 = arith.addi %add3A_485, %scan3A_85 : i32
        %get3A_487 = arith.constant 1 : i32
        %get3A_488 = arith.index_cast %get3A_487 : i32 to index
        %get3A_489 = arith.index_cast %add3A_486 : i32 to index
        %get3A_490 = arith.constant 96 : index
        %get3A_491 = tpu.vector_load %arg7[%get3A_488, %get3A_489, %get3A_490] {strides = array<i32>} : memref<2x120x128xf32, #tpu.memory_space<vmem>>, vector<16xf32>,
        %mul3A_492 = arith.mulf %get3A_119, %get3A_491 : vector<16xf32>
        %add3A_493 = arith.constant 40 : i32
        %add3A_494 = arith.addi %add3A_493, %scan3A_85 : i32
        %get3A_495 = arith.constant 1 : i32
        %get3A_496 = arith.index_cast %get3A_495 : i32 to index
        %get3A_497 = arith.index_cast %add3A_494 : i32 to index
        %get3A_498 = arith.constant 112 : index
        %get3A_499 = tpu.vector_load %arg7[%get3A_496, %get3A_497, %get3A_498] {strides = array<i32>} : memref<2x120x128xf32, #tpu.memory_space<vmem>>, vector<16xf32>,
        %mul3A_500 = arith.mulf %get3A_124, %get3A_499 : vector<16xf32>
        %add3A_501 = arith.addf %mul3A_444, %mul3A_452 : vector<16xf32>
        %add3A_502 = arith.addf %mul3A_460, %mul3A_468 : vector<16xf32>
        %add3A_503 = arith.addf %mul3A_476, %mul3A_484 : vector<16xf32>
        %add3A_504 = arith.addf %mul3A_492, %mul3A_500 : vector<16xf32>
        %add3A_505 = arith.addf %add3A_501, %add3A_502 : vector<16xf32>
        %add3A_506 = arith.addf %add3A_503, %add3A_504 : vector<16xf32>
        %add3A_507 = arith.addf %add3A_505, %add3A_506 : vector<16xf32>
        %mul3A_508 = arith.constant 16 : i32
        %mul3A_509 = vector.broadcast %mul3A_508 : i32 to vector<16xi32>
        %mul3A_510 = arith.muli %iota3A, %mul3A_509 : vector<16xi32>
        %add3A_511 = arith.constant 1032 : i32
        %add3A_512 = arith.addi %add3A_511, %scan3A_85 : i32
        %add3A_513 = vector.broadcast %add3A_512 : i32 to vector<16xi32>
        %add3A_514 = arith.addi %mul3A_510, %add3A_513 : vector<16xi32>
        tpu.vector_store_idx %arg8[%add3A_514], %add3A_507 : memref<3584xf32, #tpu.memory_space<vmem>>[vector<16xi32>], vector<16xf32>,
        %add3A_515 = arith.constant 48 : i32
        %add3A_516 = arith.addi %add3A_515, %scan3A_85 : i32
        %get3A_517 = arith.constant 1 : i32
        %get3A_518 = arith.index_cast %get3A_517 : i32 to index
        %get3A_519 = arith.index_cast %add3A_516 : i32 to index
        %get3A_520 = arith.constant 0 : index
        %get3A_521 = tpu.vector_load %arg7[%get3A_518, %get3A_519, %get3A_520] {strides = array<i32>} : memref<2x120x128xf32, #tpu.memory_space<vmem>>, vector<16xf32>,
        %mul3A_522 = arith.mulf %get3A_89, %get3A_521 : vector<16xf32>
        %add3A_523 = arith.constant 48 : i32
        %add3A_524 = arith.addi %add3A_523, %scan3A_85 : i32
        %get3A_525 = arith.constant 1 : i32
        %get3A_526 = arith.index_cast %get3A_525 : i32 to index
        %get3A_527 = arith.index_cast %add3A_524 : i32 to index
        %get3A_528 = arith.constant 16 : index
        %get3A_529 = tpu.vector_load %arg7[%get3A_526, %get3A_527, %get3A_528] {strides = array<i32>} : memref<2x120x128xf32, #tpu.memory_space<vmem>>, vector<16xf32>,
        %mul3A_530 = arith.mulf %get3A_94, %get3A_529 : vector<16xf32>
        %add3A_531 = arith.constant 48 : i32
        %add3A_532 = arith.addi %add3A_531, %scan3A_85 : i32
        %get3A_533 = arith.constant 1 : i32
        %get3A_534 = arith.index_cast %get3A_533 : i32 to index
        %get3A_535 = arith.index_cast %add3A_532 : i32 to index
        %get3A_536 = arith.constant 32 : index
        %get3A_537 = tpu.vector_load %arg7[%get3A_534, %get3A_535, %get3A_536] {strides = array<i32>} : memref<2x120x128xf32, #tpu.memory_space<vmem>>, vector<16xf32>,
        %mul3A_538 = arith.mulf %get3A_99, %get3A_537 : vector<16xf32>
        %add3A_539 = arith.constant 48 : i32
        %add3A_540 = arith.addi %add3A_539, %scan3A_85 : i32
        %get3A_541 = arith.constant 1 : i32
        %get3A_542 = arith.index_cast %get3A_541 : i32 to index
        %get3A_543 = arith.index_cast %add3A_540 : i32 to index
        %get3A_544 = arith.constant 48 : index
        %get3A_545 = tpu.vector_load %arg7[%get3A_542, %get3A_543, %get3A_544] {strides = array<i32>} : memref<2x120x128xf32, #tpu.memory_space<vmem>>, vector<16xf32>,
        %mul3A_546 = arith.mulf %get3A_104, %get3A_545 : vector<16xf32>
        %add3A_547 = arith.constant 48 : i32
        %add3A_548 = arith.addi %add3A_547, %scan3A_85 : i32
        %get3A_549 = arith.constant 1 : i32
        %get3A_550 = arith.index_cast %get3A_549 : i32 to index
        %get3A_551 = arith.index_cast %add3A_548 : i32 to index
        %get3A_552 = arith.constant 64 : index
        %get3A_553 = tpu.vector_load %arg7[%get3A_550, %get3A_551, %get3A_552] {strides = array<i32>} : memref<2x120x128xf32, #tpu.memory_space<vmem>>, vector<16xf32>,
        %mul3A_554 = arith.mulf %get3A_109, %get3A_553 : vector<16xf32>
        %add3A_555 = arith.constant 48 : i32
        %add3A_556 = arith.addi %add3A_555, %scan3A_85 : i32
        %get3A_557 = arith.constant 1 : i32
        %get3A_558 = arith.index_cast %get3A_557 : i32 to index
        %get3A_559 = arith.index_cast %add3A_556 : i32 to index
        %get3A_560 = arith.constant 80 : index
        %get3A_561 = tpu.vector_load %arg7[%get3A_558, %get3A_559, %get3A_560] {strides = array<i32>} : memref<2x120x128xf32, #tpu.memory_space<vmem>>, vector<16xf32>,
        %mul3A_562 = arith.mulf %get3A_114, %get3A_561 : vector<16xf32>
        %add3A_563 = arith.constant 48 : i32
        %add3A_564 = arith.addi %add3A_563, %scan3A_85 : i32
        %get3A_565 = arith.constant 1 : i32
        %get3A_566 = arith.index_cast %get3A_565 : i32 to index
        %get3A_567 = arith.index_cast %add3A_564 : i32 to index
        %get3A_568 = arith.constant 96 : index
        %get3A_569 = tpu.vector_load %arg7[%get3A_566, %get3A_567, %get3A_568] {strides = array<i32>} : memref<2x120x128xf32, #tpu.memory_space<vmem>>, vector<16xf32>,
        %mul3A_570 = arith.mulf %get3A_119, %get3A_569 : vector<16xf32>
        %add3A_571 = arith.constant 48 : i32
        %add3A_572 = arith.addi %add3A_571, %scan3A_85 : i32
        %get3A_573 = arith.constant 1 : i32
        %get3A_574 = arith.index_cast %get3A_573 : i32 to index
        %get3A_575 = arith.index_cast %add3A_572 : i32 to index
        %get3A_576 = arith.constant 112 : index
        %get3A_577 = tpu.vector_load %arg7[%get3A_574, %get3A_575, %get3A_576] {strides = array<i32>} : memref<2x120x128xf32, #tpu.memory_space<vmem>>, vector<16xf32>,
        %mul3A_578 = arith.mulf %get3A_124, %get3A_577 : vector<16xf32>
        %add3A_579 = arith.addf %mul3A_522, %mul3A_530 : vector<16xf32>
        %add3A_580 = arith.addf %mul3A_538, %mul3A_546 : vector<16xf32>
        %add3A_581 = arith.addf %mul3A_554, %mul3A_562 : vector<16xf32>
        %add3A_582 = arith.addf %mul3A_570, %mul3A_578 : vector<16xf32>
        %add3A_583 = arith.addf %add3A_579, %add3A_580 : vector<16xf32>
        %add3A_584 = arith.addf %add3A_581, %add3A_582 : vector<16xf32>
        %add3A_585 = arith.addf %add3A_583, %add3A_584 : vector<16xf32>
        %mul3A_586 = arith.constant 16 : i32
        %mul3A_587 = vector.broadcast %mul3A_586 : i32 to vector<16xi32>
        %mul3A_588 = arith.muli %iota3A, %mul3A_587 : vector<16xi32>
        %add3A_589 = arith.constant 1288 : i32
        %add3A_590 = arith.addi %add3A_589, %scan3A_85 : i32
        %add3A_591 = vector.broadcast %add3A_590 : i32 to vector<16xi32>
        %add3A_592 = arith.addi %mul3A_588, %add3A_591 : vector<16xi32>
        tpu.vector_store_idx %arg8[%add3A_592], %add3A_585 : memref<3584xf32, #tpu.memory_space<vmem>>[vector<16xi32>], vector<16xf32>,
        %add3A_593 = arith.constant 56 : i32
        %add3A_594 = arith.addi %add3A_593, %scan3A_85 : i32
        %get3A_595 = arith.constant 1 : i32
        %get3A_596 = arith.index_cast %get3A_595 : i32 to index
        %get3A_597 = arith.index_cast %add3A_594 : i32 to index
        %get3A_598 = arith.constant 0 : index
        %get3A_599 = tpu.vector_load %arg7[%get3A_596, %get3A_597, %get3A_598] {strides = array<i32>} : memref<2x120x128xf32, #tpu.memory_space<vmem>>, vector<16xf32>,
        %mul3A_600 = arith.mulf %get3A_89, %get3A_599 : vector<16xf32>
        %add3A_601 = arith.constant 56 : i32
        %add3A_602 = arith.addi %add3A_601, %scan3A_85 : i32
        %get3A_603 = arith.constant 1 : i32
        %get3A_604 = arith.index_cast %get3A_603 : i32 to index
        %get3A_605 = arith.index_cast %add3A_602 : i32 to index
        %get3A_606 = arith.constant 16 : index
        %get3A_607 = tpu.vector_load %arg7[%get3A_604, %get3A_605, %get3A_606] {strides = array<i32>} : memref<2x120x128xf32, #tpu.memory_space<vmem>>, vector<16xf32>,
        %mul3A_608 = arith.mulf %get3A_94, %get3A_607 : vector<16xf32>
        %add3A_609 = arith.constant 56 : i32
        %add3A_610 = arith.addi %add3A_609, %scan3A_85 : i32
        %get3A_611 = arith.constant 1 : i32
        %get3A_612 = arith.index_cast %get3A_611 : i32 to index
        %get3A_613 = arith.index_cast %add3A_610 : i32 to index
        %get3A_614 = arith.constant 32 : index
        %get3A_615 = tpu.vector_load %arg7[%get3A_612, %get3A_613, %get3A_614] {strides = array<i32>} : memref<2x120x128xf32, #tpu.memory_space<vmem>>, vector<16xf32>,
        %mul3A_616 = arith.mulf %get3A_99, %get3A_615 : vector<16xf32>
        %add3A_617 = arith.constant 56 : i32
        %add3A_618 = arith.addi %add3A_617, %scan3A_85 : i32
        %get3A_619 = arith.constant 1 : i32
        %get3A_620 = arith.index_cast %get3A_619 : i32 to index
        %get3A_621 = arith.index_cast %add3A_618 : i32 to index
        %get3A_622 = arith.constant 48 : index
        %get3A_623 = tpu.vector_load %arg7[%get3A_620, %get3A_621, %get3A_622] {strides = array<i32>} : memref<2x120x128xf32, #tpu.memory_space<vmem>>, vector<16xf32>,
        %mul3A_624 = arith.mulf %get3A_104, %get3A_623 : vector<16xf32>
        %add3A_625 = arith.constant 56 : i32
        %add3A_626 = arith.addi %add3A_625, %scan3A_85 : i32
        %get3A_627 = arith.constant 1 : i32
        %get3A_628 = arith.index_cast %get3A_627 : i32 to index
        %get3A_629 = arith.index_cast %add3A_626 : i32 to index
        %get3A_630 = arith.constant 64 : index
        %get3A_631 = tpu.vector_load %arg7[%get3A_628, %get3A_629, %get3A_630] {strides = array<i32>} : memref<2x120x128xf32, #tpu.memory_space<vmem>>, vector<16xf32>,
        %mul3A_632 = arith.mulf %get3A_109, %get3A_631 : vector<16xf32>
        %add3A_633 = arith.constant 56 : i32
        %add3A_634 = arith.addi %add3A_633, %scan3A_85 : i32
        %get3A_635 = arith.constant 1 : i32
        %get3A_636 = arith.index_cast %get3A_635 : i32 to index
        %get3A_637 = arith.index_cast %add3A_634 : i32 to index
        %get3A_638 = arith.constant 80 : index
        %get3A_639 = tpu.vector_load %arg7[%get3A_636, %get3A_637, %get3A_638] {strides = array<i32>} : memref<2x120x128xf32, #tpu.memory_space<vmem>>, vector<16xf32>,
        %mul3A_640 = arith.mulf %get3A_114, %get3A_639 : vector<16xf32>
        %add3A_641 = arith.constant 56 : i32
        %add3A_642 = arith.addi %add3A_641, %scan3A_85 : i32
        %get3A_643 = arith.constant 1 : i32
        %get3A_644 = arith.index_cast %get3A_643 : i32 to index
        %get3A_645 = arith.index_cast %add3A_642 : i32 to index
        %get3A_646 = arith.constant 96 : index
        %get3A_647 = tpu.vector_load %arg7[%get3A_644, %get3A_645, %get3A_646] {strides = array<i32>} : memref<2x120x128xf32, #tpu.memory_space<vmem>>, vector<16xf32>,
        %mul3A_648 = arith.mulf %get3A_119, %get3A_647 : vector<16xf32>
        %add3A_649 = arith.constant 56 : i32
        %add3A_650 = arith.addi %add3A_649, %scan3A_85 : i32
        %get3A_651 = arith.constant 1 : i32
        %get3A_652 = arith.index_cast %get3A_651 : i32 to index
        %get3A_653 = arith.index_cast %add3A_650 : i32 to index
        %get3A_654 = arith.constant 112 : index
        %get3A_655 = tpu.vector_load %arg7[%get3A_652, %get3A_653, %get3A_654] {strides = array<i32>} : memref<2x120x128xf32, #tpu.memory_space<vmem>>, vector<16xf32>,
        %mul3A_656 = arith.mulf %get3A_124, %get3A_655 : vector<16xf32>
        %add3A_657 = arith.addf %mul3A_600, %mul3A_608 : vector<16xf32>
        %add3A_658 = arith.addf %mul3A_616, %mul3A_624 : vector<16xf32>
        %add3A_659 = arith.addf %mul3A_632, %mul3A_640 : vector<16xf32>
        %add3A_660 = arith.addf %mul3A_648, %mul3A_656 : vector<16xf32>
        %add3A_661 = arith.addf %add3A_657, %add3A_658 : vector<16xf32>
        %add3A_662 = arith.addf %add3A_659, %add3A_660 : vector<16xf32>
        %add3A_663 = arith.addf %add3A_661, %add3A_662 : vector<16xf32>
        %mul3A_664 = arith.constant 16 : i32
        %mul3A_665 = vector.broadcast %mul3A_664 : i32 to vector<16xi32>
        %mul3A_666 = arith.muli %iota3A, %mul3A_665 : vector<16xi32>
        %add3A_667 = arith.constant 1544 : i32
        %add3A_668 = arith.addi %add3A_667, %scan3A_85 : i32
        %add3A_669 = vector.broadcast %add3A_668 : i32 to vector<16xi32>
        %add3A_670 = arith.addi %mul3A_666, %add3A_669 : vector<16xi32>
        tpu.vector_store_idx %arg8[%add3A_670], %add3A_663 : memref<3584xf32, #tpu.memory_space<vmem>>[vector<16xi32>], vector<16xf32>,
        %add3A_671 = arith.constant 64 : i32
        %add3A_672 = arith.addi %add3A_671, %scan3A_85 : i32
        %get3A_673 = arith.constant 1 : i32
        %get3A_674 = arith.index_cast %get3A_673 : i32 to index
        %get3A_675 = arith.index_cast %add3A_672 : i32 to index
        %get3A_676 = arith.constant 0 : index
        %get3A_677 = tpu.vector_load %arg7[%get3A_674, %get3A_675, %get3A_676] {strides = array<i32>} : memref<2x120x128xf32, #tpu.memory_space<vmem>>, vector<16xf32>,
        %mul3A_678 = arith.mulf %get3A_89, %get3A_677 : vector<16xf32>
        %add3A_679 = arith.constant 64 : i32
        %add3A_680 = arith.addi %add3A_679, %scan3A_85 : i32
        %get3A_681 = arith.constant 1 : i32
        %get3A_682 = arith.index_cast %get3A_681 : i32 to index
        %get3A_683 = arith.index_cast %add3A_680 : i32 to index
        %get3A_684 = arith.constant 16 : index
        %get3A_685 = tpu.vector_load %arg7[%get3A_682, %get3A_683, %get3A_684] {strides = array<i32>} : memref<2x120x128xf32, #tpu.memory_space<vmem>>, vector<16xf32>,
        %mul3A_686 = arith.mulf %get3A_94, %get3A_685 : vector<16xf32>
        %add3A_687 = arith.constant 64 : i32
        %add3A_688 = arith.addi %add3A_687, %scan3A_85 : i32
        %get3A_689 = arith.constant 1 : i32
        %get3A_690 = arith.index_cast %get3A_689 : i32 to index
        %get3A_691 = arith.index_cast %add3A_688 : i32 to index
        %get3A_692 = arith.constant 32 : index
        %get3A_693 = tpu.vector_load %arg7[%get3A_690, %get3A_691, %get3A_692] {strides = array<i32>} : memref<2x120x128xf32, #tpu.memory_space<vmem>>, vector<16xf32>,
        %mul3A_694 = arith.mulf %get3A_99, %get3A_693 : vector<16xf32>
        %add3A_695 = arith.constant 64 : i32
        %add3A_696 = arith.addi %add3A_695, %scan3A_85 : i32
        %get3A_697 = arith.constant 1 : i32
        %get3A_698 = arith.index_cast %get3A_697 : i32 to index
        %get3A_699 = arith.index_cast %add3A_696 : i32 to index
        %get3A_700 = arith.constant 48 : index
        %get3A_701 = tpu.vector_load %arg7[%get3A_698, %get3A_699, %get3A_700] {strides = array<i32>} : memref<2x120x128xf32, #tpu.memory_space<vmem>>, vector<16xf32>,
        %mul3A_702 = arith.mulf %get3A_104, %get3A_701 : vector<16xf32>
        %add3A_703 = arith.constant 64 : i32
        %add3A_704 = arith.addi %add3A_703, %scan3A_85 : i32
        %get3A_705 = arith.constant 1 : i32
        %get3A_706 = arith.index_cast %get3A_705 : i32 to index
        %get3A_707 = arith.index_cast %add3A_704 : i32 to index
        %get3A_708 = arith.constant 64 : index
        %get3A_709 = tpu.vector_load %arg7[%get3A_706, %get3A_707, %get3A_708] {strides = array<i32>} : memref<2x120x128xf32, #tpu.memory_space<vmem>>, vector<16xf32>,
        %mul3A_710 = arith.mulf %get3A_109, %get3A_709 : vector<16xf32>
        %add3A_711 = arith.constant 64 : i32
        %add3A_712 = arith.addi %add3A_711, %scan3A_85 : i32
        %get3A_713 = arith.constant 1 : i32
        %get3A_714 = arith.index_cast %get3A_713 : i32 to index
        %get3A_715 = arith.index_cast %add3A_712 : i32 to index
        %get3A_716 = arith.constant 80 : index
        %get3A_717 = tpu.vector_load %arg7[%get3A_714, %get3A_715, %get3A_716] {strides = array<i32>} : memref<2x120x128xf32, #tpu.memory_space<vmem>>, vector<16xf32>,
        %mul3A_718 = arith.mulf %get3A_114, %get3A_717 : vector<16xf32>
        %add3A_719 = arith.constant 64 : i32
        %add3A_720 = arith.addi %add3A_719, %scan3A_85 : i32
        %get3A_721 = arith.constant 1 : i32
        %get3A_722 = arith.index_cast %get3A_721 : i32 to index
        %get3A_723 = arith.index_cast %add3A_720 : i32 to index
        %get3A_724 = arith.constant 96 : index
        %get3A_725 = tpu.vector_load %arg7[%get3A_722, %get3A_723, %get3A_724] {strides = array<i32>} : memref<2x120x128xf32, #tpu.memory_space<vmem>>, vector<16xf32>,
        %mul3A_726 = arith.mulf %get3A_119, %get3A_725 : vector<16xf32>
        %add3A_727 = arith.constant 64 : i32
        %add3A_728 = arith.addi %add3A_727, %scan3A_85 : i32
        %get3A_729 = arith.constant 1 : i32
        %get3A_730 = arith.index_cast %get3A_729 : i32 to index
        %get3A_731 = arith.index_cast %add3A_728 : i32 to index
        %get3A_732 = arith.constant 112 : index
        %get3A_733 = tpu.vector_load %arg7[%get3A_730, %get3A_731, %get3A_732] {strides = array<i32>} : memref<2x120x128xf32, #tpu.memory_space<vmem>>, vector<16xf32>,
        %mul3A_734 = arith.mulf %get3A_124, %get3A_733 : vector<16xf32>
        %add3A_735 = arith.addf %mul3A_678, %mul3A_686 : vector<16xf32>
        %add3A_736 = arith.addf %mul3A_694, %mul3A_702 : vector<16xf32>
        %add3A_737 = arith.addf %mul3A_710, %mul3A_718 : vector<16xf32>
        %add3A_738 = arith.addf %mul3A_726, %mul3A_734 : vector<16xf32>
        %add3A_739 = arith.addf %add3A_735, %add3A_736 : vector<16xf32>
        %add3A_740 = arith.addf %add3A_737, %add3A_738 : vector<16xf32>
        %add3A_741 = arith.addf %add3A_739, %add3A_740 : vector<16xf32>
        %mul3A_742 = arith.constant 16 : i32
        %mul3A_743 = vector.broadcast %mul3A_742 : i32 to vector<16xi32>
        %mul3A_744 = arith.muli %iota3A, %mul3A_743 : vector<16xi32>
        %add3A_745 = arith.constant 1800 : i32
        %add3A_746 = arith.addi %add3A_745, %scan3A_85 : i32
        %add3A_747 = vector.broadcast %add3A_746 : i32 to vector<16xi32>
        %add3A_748 = arith.addi %mul3A_744, %add3A_747 : vector<16xi32>
        tpu.vector_store_idx %arg8[%add3A_748], %add3A_741 : memref<3584xf32, #tpu.memory_space<vmem>>[vector<16xi32>], vector<16xf32>,
        %add3A_749 = arith.constant 72 : i32
        %add3A_750 = arith.addi %add3A_749, %scan3A_85 : i32
        %get3A_751 = arith.constant 1 : i32
        %get3A_752 = arith.index_cast %get3A_751 : i32 to index
        %get3A_753 = arith.index_cast %add3A_750 : i32 to index
        %get3A_754 = arith.constant 0 : index
        %get3A_755 = tpu.vector_load %arg7[%get3A_752, %get3A_753, %get3A_754] {strides = array<i32>} : memref<2x120x128xf32, #tpu.memory_space<vmem>>, vector<16xf32>,
        %mul3A_756 = arith.mulf %get3A_89, %get3A_755 : vector<16xf32>
        %add3A_757 = arith.constant 72 : i32
        %add3A_758 = arith.addi %add3A_757, %scan3A_85 : i32
        %get3A_759 = arith.constant 1 : i32
        %get3A_760 = arith.index_cast %get3A_759 : i32 to index
        %get3A_761 = arith.index_cast %add3A_758 : i32 to index
        %get3A_762 = arith.constant 16 : index
        %get3A_763 = tpu.vector_load %arg7[%get3A_760, %get3A_761, %get3A_762] {strides = array<i32>} : memref<2x120x128xf32, #tpu.memory_space<vmem>>, vector<16xf32>,
        %mul3A_764 = arith.mulf %get3A_94, %get3A_763 : vector<16xf32>
        %add3A_765 = arith.constant 72 : i32
        %add3A_766 = arith.addi %add3A_765, %scan3A_85 : i32
        %get3A_767 = arith.constant 1 : i32
        %get3A_768 = arith.index_cast %get3A_767 : i32 to index
        %get3A_769 = arith.index_cast %add3A_766 : i32 to index
        %get3A_770 = arith.constant 32 : index
        %get3A_771 = tpu.vector_load %arg7[%get3A_768, %get3A_769, %get3A_770] {strides = array<i32>} : memref<2x120x128xf32, #tpu.memory_space<vmem>>, vector<16xf32>,
        %mul3A_772 = arith.mulf %get3A_99, %get3A_771 : vector<16xf32>
        %add3A_773 = arith.constant 72 : i32
        %add3A_774 = arith.addi %add3A_773, %scan3A_85 : i32
        %get3A_775 = arith.constant 1 : i32
        %get3A_776 = arith.index_cast %get3A_775 : i32 to index
        %get3A_777 = arith.index_cast %add3A_774 : i32 to index
        %get3A_778 = arith.constant 48 : index
        %get3A_779 = tpu.vector_load %arg7[%get3A_776, %get3A_777, %get3A_778] {strides = array<i32>} : memref<2x120x128xf32, #tpu.memory_space<vmem>>, vector<16xf32>,
        %mul3A_780 = arith.mulf %get3A_104, %get3A_779 : vector<16xf32>
        %add3A_781 = arith.constant 72 : i32
        %add3A_782 = arith.addi %add3A_781, %scan3A_85 : i32
        %get3A_783 = arith.constant 1 : i32
        %get3A_784 = arith.index_cast %get3A_783 : i32 to index
        %get3A_785 = arith.index_cast %add3A_782 : i32 to index
        %get3A_786 = arith.constant 64 : index
        %get3A_787 = tpu.vector_load %arg7[%get3A_784, %get3A_785, %get3A_786] {strides = array<i32>} : memref<2x120x128xf32, #tpu.memory_space<vmem>>, vector<16xf32>,
        %mul3A_788 = arith.mulf %get3A_109, %get3A_787 : vector<16xf32>
        %add3A_789 = arith.constant 72 : i32
        %add3A_790 = arith.addi %add3A_789, %scan3A_85 : i32
        %get3A_791 = arith.constant 1 : i32
        %get3A_792 = arith.index_cast %get3A_791 : i32 to index
        %get3A_793 = arith.index_cast %add3A_790 : i32 to index
        %get3A_794 = arith.constant 80 : index
        %get3A_795 = tpu.vector_load %arg7[%get3A_792, %get3A_793, %get3A_794] {strides = array<i32>} : memref<2x120x128xf32, #tpu.memory_space<vmem>>, vector<16xf32>,
        %mul3A_796 = arith.mulf %get3A_114, %get3A_795 : vector<16xf32>
        %add3A_797 = arith.constant 72 : i32
        %add3A_798 = arith.addi %add3A_797, %scan3A_85 : i32
        %get3A_799 = arith.constant 1 : i32
        %get3A_800 = arith.index_cast %get3A_799 : i32 to index
        %get3A_801 = arith.index_cast %add3A_798 : i32 to index
        %get3A_802 = arith.constant 96 : index
        %get3A_803 = tpu.vector_load %arg7[%get3A_800, %get3A_801, %get3A_802] {strides = array<i32>} : memref<2x120x128xf32, #tpu.memory_space<vmem>>, vector<16xf32>,
        %mul3A_804 = arith.mulf %get3A_119, %get3A_803 : vector<16xf32>
        %add3A_805 = arith.constant 72 : i32
        %add3A_806 = arith.addi %add3A_805, %scan3A_85 : i32
        %get3A_807 = arith.constant 1 : i32
        %get3A_808 = arith.index_cast %get3A_807 : i32 to index
        %get3A_809 = arith.index_cast %add3A_806 : i32 to index
        %get3A_810 = arith.constant 112 : index
        %get3A_811 = tpu.vector_load %arg7[%get3A_808, %get3A_809, %get3A_810] {strides = array<i32>} : memref<2x120x128xf32, #tpu.memory_space<vmem>>, vector<16xf32>,
        %mul3A_812 = arith.mulf %get3A_124, %get3A_811 : vector<16xf32>
        %add3A_813 = arith.addf %mul3A_756, %mul3A_764 : vector<16xf32>
        %add3A_814 = arith.addf %mul3A_772, %mul3A_780 : vector<16xf32>
        %add3A_815 = arith.addf %mul3A_788, %mul3A_796 : vector<16xf32>
        %add3A_816 = arith.addf %mul3A_804, %mul3A_812 : vector<16xf32>
        %add3A_817 = arith.addf %add3A_813, %add3A_814 : vector<16xf32>
        %add3A_818 = arith.addf %add3A_815, %add3A_816 : vector<16xf32>
        %add3A_819 = arith.addf %add3A_817, %add3A_818 : vector<16xf32>
        %mul3A_820 = arith.constant 16 : i32
        %mul3A_821 = vector.broadcast %mul3A_820 : i32 to vector<16xi32>
        %mul3A_822 = arith.muli %iota3A, %mul3A_821 : vector<16xi32>
        %add3A_823 = arith.constant 2056 : i32
        %add3A_824 = arith.addi %add3A_823, %scan3A_85 : i32
        %add3A_825 = vector.broadcast %add3A_824 : i32 to vector<16xi32>
        %add3A_826 = arith.addi %mul3A_822, %add3A_825 : vector<16xi32>
        tpu.vector_store_idx %arg8[%add3A_826], %add3A_819 : memref<3584xf32, #tpu.memory_space<vmem>>[vector<16xi32>], vector<16xf32>,
        %add3A_827 = arith.constant 80 : i32
        %add3A_828 = arith.addi %add3A_827, %scan3A_85 : i32
        %get3A_829 = arith.constant 1 : i32
        %get3A_830 = arith.index_cast %get3A_829 : i32 to index
        %get3A_831 = arith.index_cast %add3A_828 : i32 to index
        %get3A_832 = arith.constant 0 : index
        %get3A_833 = tpu.vector_load %arg7[%get3A_830, %get3A_831, %get3A_832] {strides = array<i32>} : memref<2x120x128xf32, #tpu.memory_space<vmem>>, vector<16xf32>,
        %mul3A_834 = arith.mulf %get3A_89, %get3A_833 : vector<16xf32>
        %add3A_835 = arith.constant 80 : i32
        %add3A_836 = arith.addi %add3A_835, %scan3A_85 : i32
        %get3A_837 = arith.constant 1 : i32
        %get3A_838 = arith.index_cast %get3A_837 : i32 to index
        %get3A_839 = arith.index_cast %add3A_836 : i32 to index
        %get3A_840 = arith.constant 16 : index
        %get3A_841 = tpu.vector_load %arg7[%get3A_838, %get3A_839, %get3A_840] {strides = array<i32>} : memref<2x120x128xf32, #tpu.memory_space<vmem>>, vector<16xf32>,
        %mul3A_842 = arith.mulf %get3A_94, %get3A_841 : vector<16xf32>
        %add3A_843 = arith.constant 80 : i32
        %add3A_844 = arith.addi %add3A_843, %scan3A_85 : i32
        %get3A_845 = arith.constant 1 : i32
        %get3A_846 = arith.index_cast %get3A_845 : i32 to index
        %get3A_847 = arith.index_cast %add3A_844 : i32 to index
        %get3A_848 = arith.constant 32 : index
        %get3A_849 = tpu.vector_load %arg7[%get3A_846, %get3A_847, %get3A_848] {strides = array<i32>} : memref<2x120x128xf32, #tpu.memory_space<vmem>>, vector<16xf32>,
        %mul3A_850 = arith.mulf %get3A_99, %get3A_849 : vector<16xf32>
        %add3A_851 = arith.constant 80 : i32
        %add3A_852 = arith.addi %add3A_851, %scan3A_85 : i32
        %get3A_853 = arith.constant 1 : i32
        %get3A_854 = arith.index_cast %get3A_853 : i32 to index
        %get3A_855 = arith.index_cast %add3A_852 : i32 to index
        %get3A_856 = arith.constant 48 : index
        %get3A_857 = tpu.vector_load %arg7[%get3A_854, %get3A_855, %get3A_856] {strides = array<i32>} : memref<2x120x128xf32, #tpu.memory_space<vmem>>, vector<16xf32>,
        %mul3A_858 = arith.mulf %get3A_104, %get3A_857 : vector<16xf32>
        %add3A_859 = arith.constant 80 : i32
        %add3A_860 = arith.addi %add3A_859, %scan3A_85 : i32
        %get3A_861 = arith.constant 1 : i32
        %get3A_862 = arith.index_cast %get3A_861 : i32 to index
        %get3A_863 = arith.index_cast %add3A_860 : i32 to index
        %get3A_864 = arith.constant 64 : index
        %get3A_865 = tpu.vector_load %arg7[%get3A_862, %get3A_863, %get3A_864] {strides = array<i32>} : memref<2x120x128xf32, #tpu.memory_space<vmem>>, vector<16xf32>,
        %mul3A_866 = arith.mulf %get3A_109, %get3A_865 : vector<16xf32>
        %add3A_867 = arith.constant 80 : i32
        %add3A_868 = arith.addi %add3A_867, %scan3A_85 : i32
        %get3A_869 = arith.constant 1 : i32
        %get3A_870 = arith.index_cast %get3A_869 : i32 to index
        %get3A_871 = arith.index_cast %add3A_868 : i32 to index
        %get3A_872 = arith.constant 80 : index
        %get3A_873 = tpu.vector_load %arg7[%get3A_870, %get3A_871, %get3A_872] {strides = array<i32>} : memref<2x120x128xf32, #tpu.memory_space<vmem>>, vector<16xf32>,
        %mul3A_874 = arith.mulf %get3A_114, %get3A_873 : vector<16xf32>
        %add3A_875 = arith.constant 80 : i32
        %add3A_876 = arith.addi %add3A_875, %scan3A_85 : i32
        %get3A_877 = arith.constant 1 : i32
        %get3A_878 = arith.index_cast %get3A_877 : i32 to index
        %get3A_879 = arith.index_cast %add3A_876 : i32 to index
        %get3A_880 = arith.constant 96 : index
        %get3A_881 = tpu.vector_load %arg7[%get3A_878, %get3A_879, %get3A_880] {strides = array<i32>} : memref<2x120x128xf32, #tpu.memory_space<vmem>>, vector<16xf32>,
        %mul3A_882 = arith.mulf %get3A_119, %get3A_881 : vector<16xf32>
        %add3A_883 = arith.constant 80 : i32
        %add3A_884 = arith.addi %add3A_883, %scan3A_85 : i32
        %get3A_885 = arith.constant 1 : i32
        %get3A_886 = arith.index_cast %get3A_885 : i32 to index
        %get3A_887 = arith.index_cast %add3A_884 : i32 to index
        %get3A_888 = arith.constant 112 : index
        %get3A_889 = tpu.vector_load %arg7[%get3A_886, %get3A_887, %get3A_888] {strides = array<i32>} : memref<2x120x128xf32, #tpu.memory_space<vmem>>, vector<16xf32>,
        %mul3A_890 = arith.mulf %get3A_124, %get3A_889 : vector<16xf32>
        %add3A_891 = arith.addf %mul3A_834, %mul3A_842 : vector<16xf32>
        %add3A_892 = arith.addf %mul3A_850, %mul3A_858 : vector<16xf32>
        %add3A_893 = arith.addf %mul3A_866, %mul3A_874 : vector<16xf32>
        %add3A_894 = arith.addf %mul3A_882, %mul3A_890 : vector<16xf32>
        %add3A_895 = arith.addf %add3A_891, %add3A_892 : vector<16xf32>
        %add3A_896 = arith.addf %add3A_893, %add3A_894 : vector<16xf32>
        %add3A_897 = arith.addf %add3A_895, %add3A_896 : vector<16xf32>
        %mul3A_898 = arith.constant 16 : i32
        %mul3A_899 = vector.broadcast %mul3A_898 : i32 to vector<16xi32>
        %mul3A_900 = arith.muli %iota3A, %mul3A_899 : vector<16xi32>
        %add3A_901 = arith.constant 2312 : i32
        %add3A_902 = arith.addi %add3A_901, %scan3A_85 : i32
        %add3A_903 = vector.broadcast %add3A_902 : i32 to vector<16xi32>
        %add3A_904 = arith.addi %mul3A_900, %add3A_903 : vector<16xi32>
        tpu.vector_store_idx %arg8[%add3A_904], %add3A_897 : memref<3584xf32, #tpu.memory_space<vmem>>[vector<16xi32>], vector<16xf32>,
        %add3A_905 = arith.constant 88 : i32
        %add3A_906 = arith.addi %add3A_905, %scan3A_85 : i32
        %get3A_907 = arith.constant 1 : i32
        %get3A_908 = arith.index_cast %get3A_907 : i32 to index
        %get3A_909 = arith.index_cast %add3A_906 : i32 to index
        %get3A_910 = arith.constant 0 : index
        %get3A_911 = tpu.vector_load %arg7[%get3A_908, %get3A_909, %get3A_910] {strides = array<i32>} : memref<2x120x128xf32, #tpu.memory_space<vmem>>, vector<16xf32>,
        %mul3A_912 = arith.mulf %get3A_89, %get3A_911 : vector<16xf32>
        %add3A_913 = arith.constant 88 : i32
        %add3A_914 = arith.addi %add3A_913, %scan3A_85 : i32
        %get3A_915 = arith.constant 1 : i32
        %get3A_916 = arith.index_cast %get3A_915 : i32 to index
        %get3A_917 = arith.index_cast %add3A_914 : i32 to index
        %get3A_918 = arith.constant 16 : index
        %get3A_919 = tpu.vector_load %arg7[%get3A_916, %get3A_917, %get3A_918] {strides = array<i32>} : memref<2x120x128xf32, #tpu.memory_space<vmem>>, vector<16xf32>,
        %mul3A_920 = arith.mulf %get3A_94, %get3A_919 : vector<16xf32>
        %add3A_921 = arith.constant 88 : i32
        %add3A_922 = arith.addi %add3A_921, %scan3A_85 : i32
        %get3A_923 = arith.constant 1 : i32
        %get3A_924 = arith.index_cast %get3A_923 : i32 to index
        %get3A_925 = arith.index_cast %add3A_922 : i32 to index
        %get3A_926 = arith.constant 32 : index
        %get3A_927 = tpu.vector_load %arg7[%get3A_924, %get3A_925, %get3A_926] {strides = array<i32>} : memref<2x120x128xf32, #tpu.memory_space<vmem>>, vector<16xf32>,
        %mul3A_928 = arith.mulf %get3A_99, %get3A_927 : vector<16xf32>
        %add3A_929 = arith.constant 88 : i32
        %add3A_930 = arith.addi %add3A_929, %scan3A_85 : i32
        %get3A_931 = arith.constant 1 : i32
        %get3A_932 = arith.index_cast %get3A_931 : i32 to index
        %get3A_933 = arith.index_cast %add3A_930 : i32 to index
        %get3A_934 = arith.constant 48 : index
        %get3A_935 = tpu.vector_load %arg7[%get3A_932, %get3A_933, %get3A_934] {strides = array<i32>} : memref<2x120x128xf32, #tpu.memory_space<vmem>>, vector<16xf32>,
        %mul3A_936 = arith.mulf %get3A_104, %get3A_935 : vector<16xf32>
        %add3A_937 = arith.constant 88 : i32
        %add3A_938 = arith.addi %add3A_937, %scan3A_85 : i32
        %get3A_939 = arith.constant 1 : i32
        %get3A_940 = arith.index_cast %get3A_939 : i32 to index
        %get3A_941 = arith.index_cast %add3A_938 : i32 to index
        %get3A_942 = arith.constant 64 : index
        %get3A_943 = tpu.vector_load %arg7[%get3A_940, %get3A_941, %get3A_942] {strides = array<i32>} : memref<2x120x128xf32, #tpu.memory_space<vmem>>, vector<16xf32>,
        %mul3A_944 = arith.mulf %get3A_109, %get3A_943 : vector<16xf32>
        %add3A_945 = arith.constant 88 : i32
        %add3A_946 = arith.addi %add3A_945, %scan3A_85 : i32
        %get3A_947 = arith.constant 1 : i32
        %get3A_948 = arith.index_cast %get3A_947 : i32 to index
        %get3A_949 = arith.index_cast %add3A_946 : i32 to index
        %get3A_950 = arith.constant 80 : index
        %get3A_951 = tpu.vector_load %arg7[%get3A_948, %get3A_949, %get3A_950] {strides = array<i32>} : memref<2x120x128xf32, #tpu.memory_space<vmem>>, vector<16xf32>,
        %mul3A_952 = arith.mulf %get3A_114, %get3A_951 : vector<16xf32>
        %add3A_953 = arith.constant 88 : i32
        %add3A_954 = arith.addi %add3A_953, %scan3A_85 : i32
        %get3A_955 = arith.constant 1 : i32
        %get3A_956 = arith.index_cast %get3A_955 : i32 to index
        %get3A_957 = arith.index_cast %add3A_954 : i32 to index
        %get3A_958 = arith.constant 96 : index
        %get3A_959 = tpu.vector_load %arg7[%get3A_956, %get3A_957, %get3A_958] {strides = array<i32>} : memref<2x120x128xf32, #tpu.memory_space<vmem>>, vector<16xf32>,
        %mul3A_960 = arith.mulf %get3A_119, %get3A_959 : vector<16xf32>
        %add3A_961 = arith.constant 88 : i32
        %add3A_962 = arith.addi %add3A_961, %scan3A_85 : i32
        %get3A_963 = arith.constant 1 : i32
        %get3A_964 = arith.index_cast %get3A_963 : i32 to index
        %get3A_965 = arith.index_cast %add3A_962 : i32 to index
        %get3A_966 = arith.constant 112 : index
        %get3A_967 = tpu.vector_load %arg7[%get3A_964, %get3A_965, %get3A_966] {strides = array<i32>} : memref<2x120x128xf32, #tpu.memory_space<vmem>>, vector<16xf32>,
        %mul3A_968 = arith.mulf %get3A_124, %get3A_967 : vector<16xf32>
        %add3A_969 = arith.addf %mul3A_912, %mul3A_920 : vector<16xf32>
        %add3A_970 = arith.addf %mul3A_928, %mul3A_936 : vector<16xf32>
        %add3A_971 = arith.addf %mul3A_944, %mul3A_952 : vector<16xf32>
        %add3A_972 = arith.addf %mul3A_960, %mul3A_968 : vector<16xf32>
        %add3A_973 = arith.addf %add3A_969, %add3A_970 : vector<16xf32>
        %add3A_974 = arith.addf %add3A_971, %add3A_972 : vector<16xf32>
        %add3A_975 = arith.addf %add3A_973, %add3A_974 : vector<16xf32>
        %mul3A_976 = arith.constant 16 : i32
        %mul3A_977 = vector.broadcast %mul3A_976 : i32 to vector<16xi32>
        %mul3A_978 = arith.muli %iota3A, %mul3A_977 : vector<16xi32>
        %add3A_979 = arith.constant 2568 : i32
        %add3A_980 = arith.addi %add3A_979, %scan3A_85 : i32
        %add3A_981 = vector.broadcast %add3A_980 : i32 to vector<16xi32>
        %add3A_982 = arith.addi %mul3A_978, %add3A_981 : vector<16xi32>
        tpu.vector_store_idx %arg8[%add3A_982], %add3A_975 : memref<3584xf32, #tpu.memory_space<vmem>>[vector<16xi32>], vector<16xf32>,
        %add3A_983 = arith.constant 96 : i32
        %add3A_984 = arith.addi %add3A_983, %scan3A_85 : i32
        %get3A_985 = arith.constant 1 : i32
        %get3A_986 = arith.index_cast %get3A_985 : i32 to index
        %get3A_987 = arith.index_cast %add3A_984 : i32 to index
        %get3A_988 = arith.constant 0 : index
        %get3A_989 = tpu.vector_load %arg7[%get3A_986, %get3A_987, %get3A_988] {strides = array<i32>} : memref<2x120x128xf32, #tpu.memory_space<vmem>>, vector<16xf32>,
        %mul3A_990 = arith.mulf %get3A_89, %get3A_989 : vector<16xf32>
        %add3A_991 = arith.constant 96 : i32
        %add3A_992 = arith.addi %add3A_991, %scan3A_85 : i32
        %get3A_993 = arith.constant 1 : i32
        %get3A_994 = arith.index_cast %get3A_993 : i32 to index
        %get3A_995 = arith.index_cast %add3A_992 : i32 to index
        %get3A_996 = arith.constant 16 : index
        %get3A_997 = tpu.vector_load %arg7[%get3A_994, %get3A_995, %get3A_996] {strides = array<i32>} : memref<2x120x128xf32, #tpu.memory_space<vmem>>, vector<16xf32>,
        %mul3A_998 = arith.mulf %get3A_94, %get3A_997 : vector<16xf32>
        %add3A_999 = arith.constant 96 : i32
        %add3A_1000 = arith.addi %add3A_999, %scan3A_85 : i32
        %get3A_1001 = arith.constant 1 : i32
        %get3A_1002 = arith.index_cast %get3A_1001 : i32 to index
        %get3A_1003 = arith.index_cast %add3A_1000 : i32 to index
        %get3A_1004 = arith.constant 32 : index
        %get3A_1005 = tpu.vector_load %arg7[%get3A_1002, %get3A_1003, %get3A_1004] {strides = array<i32>} : memref<2x120x128xf32, #tpu.memory_space<vmem>>, vector<16xf32>,
        %mul3A_1006 = arith.mulf %get3A_99, %get3A_1005 : vector<16xf32>
        %add3A_1007 = arith.constant 96 : i32
        %add3A_1008 = arith.addi %add3A_1007, %scan3A_85 : i32
        %get3A_1009 = arith.constant 1 : i32
        %get3A_1010 = arith.index_cast %get3A_1009 : i32 to index
        %get3A_1011 = arith.index_cast %add3A_1008 : i32 to index
        %get3A_1012 = arith.constant 48 : index
        %get3A_1013 = tpu.vector_load %arg7[%get3A_1010, %get3A_1011, %get3A_1012] {strides = array<i32>} : memref<2x120x128xf32, #tpu.memory_space<vmem>>, vector<16xf32>,
        %mul3A_1014 = arith.mulf %get3A_104, %get3A_1013 : vector<16xf32>
        %add3A_1015 = arith.constant 96 : i32
        %add3A_1016 = arith.addi %add3A_1015, %scan3A_85 : i32
        %get3A_1017 = arith.constant 1 : i32
        %get3A_1018 = arith.index_cast %get3A_1017 : i32 to index
        %get3A_1019 = arith.index_cast %add3A_1016 : i32 to index
        %get3A_1020 = arith.constant 64 : index
        %get3A_1021 = tpu.vector_load %arg7[%get3A_1018, %get3A_1019, %get3A_1020] {strides = array<i32>} : memref<2x120x128xf32, #tpu.memory_space<vmem>>, vector<16xf32>,
        %mul3A_1022 = arith.mulf %get3A_109, %get3A_1021 : vector<16xf32>
        %add3A_1023 = arith.constant 96 : i32
        %add3A_1024 = arith.addi %add3A_1023, %scan3A_85 : i32
        %get3A_1025 = arith.constant 1 : i32
        %get3A_1026 = arith.index_cast %get3A_1025 : i32 to index
        %get3A_1027 = arith.index_cast %add3A_1024 : i32 to index
        %get3A_1028 = arith.constant 80 : index
        %get3A_1029 = tpu.vector_load %arg7[%get3A_1026, %get3A_1027, %get3A_1028] {strides = array<i32>} : memref<2x120x128xf32, #tpu.memory_space<vmem>>, vector<16xf32>,
        %mul3A_1030 = arith.mulf %get3A_114, %get3A_1029 : vector<16xf32>
        %add3A_1031 = arith.constant 96 : i32
        %add3A_1032 = arith.addi %add3A_1031, %scan3A_85 : i32
        %get3A_1033 = arith.constant 1 : i32
        %get3A_1034 = arith.index_cast %get3A_1033 : i32 to index
        %get3A_1035 = arith.index_cast %add3A_1032 : i32 to index
        %get3A_1036 = arith.constant 96 : index
        %get3A_1037 = tpu.vector_load %arg7[%get3A_1034, %get3A_1035, %get3A_1036] {strides = array<i32>} : memref<2x120x128xf32, #tpu.memory_space<vmem>>, vector<16xf32>,
        %mul3A_1038 = arith.mulf %get3A_119, %get3A_1037 : vector<16xf32>
        %add3A_1039 = arith.constant 96 : i32
        %add3A_1040 = arith.addi %add3A_1039, %scan3A_85 : i32
        %get3A_1041 = arith.constant 1 : i32
        %get3A_1042 = arith.index_cast %get3A_1041 : i32 to index
        %get3A_1043 = arith.index_cast %add3A_1040 : i32 to index
        %get3A_1044 = arith.constant 112 : index
        %get3A_1045 = tpu.vector_load %arg7[%get3A_1042, %get3A_1043, %get3A_1044] {strides = array<i32>} : memref<2x120x128xf32, #tpu.memory_space<vmem>>, vector<16xf32>,
        %mul3A_1046 = arith.mulf %get3A_124, %get3A_1045 : vector<16xf32>
        %add3A_1047 = arith.addf %mul3A_990, %mul3A_998 : vector<16xf32>
        %add3A_1048 = arith.addf %mul3A_1006, %mul3A_1014 : vector<16xf32>
        %add3A_1049 = arith.addf %mul3A_1022, %mul3A_1030 : vector<16xf32>
        %add3A_1050 = arith.addf %mul3A_1038, %mul3A_1046 : vector<16xf32>
        %add3A_1051 = arith.addf %add3A_1047, %add3A_1048 : vector<16xf32>
        %add3A_1052 = arith.addf %add3A_1049, %add3A_1050 : vector<16xf32>
        %add3A_1053 = arith.addf %add3A_1051, %add3A_1052 : vector<16xf32>
        %mul3A_1054 = arith.constant 16 : i32
        %mul3A_1055 = vector.broadcast %mul3A_1054 : i32 to vector<16xi32>
        %mul3A_1056 = arith.muli %iota3A, %mul3A_1055 : vector<16xi32>
        %add3A_1057 = arith.constant 2824 : i32
        %add3A_1058 = arith.addi %add3A_1057, %scan3A_85 : i32
        %add3A_1059 = vector.broadcast %add3A_1058 : i32 to vector<16xi32>
        %add3A_1060 = arith.addi %mul3A_1056, %add3A_1059 : vector<16xi32>
        tpu.vector_store_idx %arg8[%add3A_1060], %add3A_1053 : memref<3584xf32, #tpu.memory_space<vmem>>[vector<16xi32>], vector<16xf32>,
        %add3A_1061 = arith.constant 104 : i32
        %add3A_1062 = arith.addi %add3A_1061, %scan3A_85 : i32
        %get3A_1063 = arith.constant 1 : i32
        %get3A_1064 = arith.index_cast %get3A_1063 : i32 to index
        %get3A_1065 = arith.index_cast %add3A_1062 : i32 to index
        %get3A_1066 = arith.constant 0 : index
        %get3A_1067 = tpu.vector_load %arg7[%get3A_1064, %get3A_1065, %get3A_1066] {strides = array<i32>} : memref<2x120x128xf32, #tpu.memory_space<vmem>>, vector<16xf32>,
        %mul3A_1068 = arith.mulf %get3A_89, %get3A_1067 : vector<16xf32>
        %add3A_1069 = arith.constant 104 : i32
        %add3A_1070 = arith.addi %add3A_1069, %scan3A_85 : i32
        %get3A_1071 = arith.constant 1 : i32
        %get3A_1072 = arith.index_cast %get3A_1071 : i32 to index
        %get3A_1073 = arith.index_cast %add3A_1070 : i32 to index
        %get3A_1074 = arith.constant 16 : index
        %get3A_1075 = tpu.vector_load %arg7[%get3A_1072, %get3A_1073, %get3A_1074] {strides = array<i32>} : memref<2x120x128xf32, #tpu.memory_space<vmem>>, vector<16xf32>,
        %mul3A_1076 = arith.mulf %get3A_94, %get3A_1075 : vector<16xf32>
        %add3A_1077 = arith.constant 104 : i32
        %add3A_1078 = arith.addi %add3A_1077, %scan3A_85 : i32
        %get3A_1079 = arith.constant 1 : i32
        %get3A_1080 = arith.index_cast %get3A_1079 : i32 to index
        %get3A_1081 = arith.index_cast %add3A_1078 : i32 to index
        %get3A_1082 = arith.constant 32 : index
        %get3A_1083 = tpu.vector_load %arg7[%get3A_1080, %get3A_1081, %get3A_1082] {strides = array<i32>} : memref<2x120x128xf32, #tpu.memory_space<vmem>>, vector<16xf32>,
        %mul3A_1084 = arith.mulf %get3A_99, %get3A_1083 : vector<16xf32>
        %add3A_1085 = arith.constant 104 : i32
        %add3A_1086 = arith.addi %add3A_1085, %scan3A_85 : i32
        %get3A_1087 = arith.constant 1 : i32
        %get3A_1088 = arith.index_cast %get3A_1087 : i32 to index
        %get3A_1089 = arith.index_cast %add3A_1086 : i32 to index
        %get3A_1090 = arith.constant 48 : index
        %get3A_1091 = tpu.vector_load %arg7[%get3A_1088, %get3A_1089, %get3A_1090] {strides = array<i32>} : memref<2x120x128xf32, #tpu.memory_space<vmem>>, vector<16xf32>,
        %mul3A_1092 = arith.mulf %get3A_104, %get3A_1091 : vector<16xf32>
        %add3A_1093 = arith.constant 104 : i32
        %add3A_1094 = arith.addi %add3A_1093, %scan3A_85 : i32
        %get3A_1095 = arith.constant 1 : i32
        %get3A_1096 = arith.index_cast %get3A_1095 : i32 to index
        %get3A_1097 = arith.index_cast %add3A_1094 : i32 to index
        %get3A_1098 = arith.constant 64 : index
        %get3A_1099 = tpu.vector_load %arg7[%get3A_1096, %get3A_1097, %get3A_1098] {strides = array<i32>} : memref<2x120x128xf32, #tpu.memory_space<vmem>>, vector<16xf32>,
        %mul3A_1100 = arith.mulf %get3A_109, %get3A_1099 : vector<16xf32>
        %add3A_1101 = arith.constant 104 : i32
        %add3A_1102 = arith.addi %add3A_1101, %scan3A_85 : i32
        %get3A_1103 = arith.constant 1 : i32
        %get3A_1104 = arith.index_cast %get3A_1103 : i32 to index
        %get3A_1105 = arith.index_cast %add3A_1102 : i32 to index
        %get3A_1106 = arith.constant 80 : index
        %get3A_1107 = tpu.vector_load %arg7[%get3A_1104, %get3A_1105, %get3A_1106] {strides = array<i32>} : memref<2x120x128xf32, #tpu.memory_space<vmem>>, vector<16xf32>,
        %mul3A_1108 = arith.mulf %get3A_114, %get3A_1107 : vector<16xf32>
        %add3A_1109 = arith.constant 104 : i32
        %add3A_1110 = arith.addi %add3A_1109, %scan3A_85 : i32
        %get3A_1111 = arith.constant 1 : i32
        %get3A_1112 = arith.index_cast %get3A_1111 : i32 to index
        %get3A_1113 = arith.index_cast %add3A_1110 : i32 to index
        %get3A_1114 = arith.constant 96 : index
        %get3A_1115 = tpu.vector_load %arg7[%get3A_1112, %get3A_1113, %get3A_1114] {strides = array<i32>} : memref<2x120x128xf32, #tpu.memory_space<vmem>>, vector<16xf32>,
        %mul3A_1116 = arith.mulf %get3A_119, %get3A_1115 : vector<16xf32>
        %add3A_1117 = arith.constant 104 : i32
        %add3A_1118 = arith.addi %add3A_1117, %scan3A_85 : i32
        %get3A_1119 = arith.constant 1 : i32
        %get3A_1120 = arith.index_cast %get3A_1119 : i32 to index
        %get3A_1121 = arith.index_cast %add3A_1118 : i32 to index
        %get3A_1122 = arith.constant 112 : index
        %get3A_1123 = tpu.vector_load %arg7[%get3A_1120, %get3A_1121, %get3A_1122] {strides = array<i32>} : memref<2x120x128xf32, #tpu.memory_space<vmem>>, vector<16xf32>,
        %mul3A_1124 = arith.mulf %get3A_124, %get3A_1123 : vector<16xf32>
        %add3A_1125 = arith.addf %mul3A_1068, %mul3A_1076 : vector<16xf32>
        %add3A_1126 = arith.addf %mul3A_1084, %mul3A_1092 : vector<16xf32>
        %add3A_1127 = arith.addf %mul3A_1100, %mul3A_1108 : vector<16xf32>
        %add3A_1128 = arith.addf %mul3A_1116, %mul3A_1124 : vector<16xf32>
        %add3A_1129 = arith.addf %add3A_1125, %add3A_1126 : vector<16xf32>
        %add3A_1130 = arith.addf %add3A_1127, %add3A_1128 : vector<16xf32>
        %add3A_1131 = arith.addf %add3A_1129, %add3A_1130 : vector<16xf32>
        %mul3A_1132 = arith.constant 16 : i32
        %mul3A_1133 = vector.broadcast %mul3A_1132 : i32 to vector<16xi32>
        %mul3A_1134 = arith.muli %iota3A, %mul3A_1133 : vector<16xi32>
        %add3A_1135 = arith.constant 3080 : i32
        %add3A_1136 = arith.addi %add3A_1135, %scan3A_85 : i32
        %add3A_1137 = vector.broadcast %add3A_1136 : i32 to vector<16xi32>
        %add3A_1138 = arith.addi %mul3A_1134, %add3A_1137 : vector<16xi32>
        tpu.vector_store_idx %arg8[%add3A_1138], %add3A_1131 : memref<3584xf32, #tpu.memory_space<vmem>>[vector<16xi32>], vector<16xf32>,
        %add3A_1139 = arith.constant 112 : i32
        %add3A_1140 = arith.addi %add3A_1139, %scan3A_85 : i32
        %get3A_1141 = arith.constant 1 : i32
        %get3A_1142 = arith.index_cast %get3A_1141 : i32 to index
        %get3A_1143 = arith.index_cast %add3A_1140 : i32 to index
        %get3A_1144 = arith.constant 0 : index
        %get3A_1145 = tpu.vector_load %arg7[%get3A_1142, %get3A_1143, %get3A_1144] {strides = array<i32>} : memref<2x120x128xf32, #tpu.memory_space<vmem>>, vector<16xf32>,
        %mul3A_1146 = arith.mulf %get3A_89, %get3A_1145 : vector<16xf32>
        %add3A_1147 = arith.constant 112 : i32
        %add3A_1148 = arith.addi %add3A_1147, %scan3A_85 : i32
        %get3A_1149 = arith.constant 1 : i32
        %get3A_1150 = arith.index_cast %get3A_1149 : i32 to index
        %get3A_1151 = arith.index_cast %add3A_1148 : i32 to index
        %get3A_1152 = arith.constant 16 : index
        %get3A_1153 = tpu.vector_load %arg7[%get3A_1150, %get3A_1151, %get3A_1152] {strides = array<i32>} : memref<2x120x128xf32, #tpu.memory_space<vmem>>, vector<16xf32>,
        %mul3A_1154 = arith.mulf %get3A_94, %get3A_1153 : vector<16xf32>
        %add3A_1155 = arith.constant 112 : i32
        %add3A_1156 = arith.addi %add3A_1155, %scan3A_85 : i32
        %get3A_1157 = arith.constant 1 : i32
        %get3A_1158 = arith.index_cast %get3A_1157 : i32 to index
        %get3A_1159 = arith.index_cast %add3A_1156 : i32 to index
        %get3A_1160 = arith.constant 32 : index
        %get3A_1161 = tpu.vector_load %arg7[%get3A_1158, %get3A_1159, %get3A_1160] {strides = array<i32>} : memref<2x120x128xf32, #tpu.memory_space<vmem>>, vector<16xf32>,
        %mul3A_1162 = arith.mulf %get3A_99, %get3A_1161 : vector<16xf32>
        %add3A_1163 = arith.constant 112 : i32
        %add3A_1164 = arith.addi %add3A_1163, %scan3A_85 : i32
        %get3A_1165 = arith.constant 1 : i32
        %get3A_1166 = arith.index_cast %get3A_1165 : i32 to index
        %get3A_1167 = arith.index_cast %add3A_1164 : i32 to index
        %get3A_1168 = arith.constant 48 : index
        %get3A_1169 = tpu.vector_load %arg7[%get3A_1166, %get3A_1167, %get3A_1168] {strides = array<i32>} : memref<2x120x128xf32, #tpu.memory_space<vmem>>, vector<16xf32>,
        %mul3A_1170 = arith.mulf %get3A_104, %get3A_1169 : vector<16xf32>
        %add3A_1171 = arith.constant 112 : i32
        %add3A_1172 = arith.addi %add3A_1171, %scan3A_85 : i32
        %get3A_1173 = arith.constant 1 : i32
        %get3A_1174 = arith.index_cast %get3A_1173 : i32 to index
        %get3A_1175 = arith.index_cast %add3A_1172 : i32 to index
        %get3A_1176 = arith.constant 64 : index
        %get3A_1177 = tpu.vector_load %arg7[%get3A_1174, %get3A_1175, %get3A_1176] {strides = array<i32>} : memref<2x120x128xf32, #tpu.memory_space<vmem>>, vector<16xf32>,
        %mul3A_1178 = arith.mulf %get3A_109, %get3A_1177 : vector<16xf32>
        %add3A_1179 = arith.constant 112 : i32
        %add3A_1180 = arith.addi %add3A_1179, %scan3A_85 : i32
        %get3A_1181 = arith.constant 1 : i32
        %get3A_1182 = arith.index_cast %get3A_1181 : i32 to index
        %get3A_1183 = arith.index_cast %add3A_1180 : i32 to index
        %get3A_1184 = arith.constant 80 : index
        %get3A_1185 = tpu.vector_load %arg7[%get3A_1182, %get3A_1183, %get3A_1184] {strides = array<i32>} : memref<2x120x128xf32, #tpu.memory_space<vmem>>, vector<16xf32>,
        %mul3A_1186 = arith.mulf %get3A_114, %get3A_1185 : vector<16xf32>
        %add3A_1187 = arith.constant 112 : i32
        %add3A_1188 = arith.addi %add3A_1187, %scan3A_85 : i32
        %get3A_1189 = arith.constant 1 : i32
        %get3A_1190 = arith.index_cast %get3A_1189 : i32 to index
        %get3A_1191 = arith.index_cast %add3A_1188 : i32 to index
        %get3A_1192 = arith.constant 96 : index
        %get3A_1193 = tpu.vector_load %arg7[%get3A_1190, %get3A_1191, %get3A_1192] {strides = array<i32>} : memref<2x120x128xf32, #tpu.memory_space<vmem>>, vector<16xf32>,
        %mul3A_1194 = arith.mulf %get3A_119, %get3A_1193 : vector<16xf32>
        %add3A_1195 = arith.constant 112 : i32
        %add3A_1196 = arith.addi %add3A_1195, %scan3A_85 : i32
        %get3A_1197 = arith.constant 1 : i32
        %get3A_1198 = arith.index_cast %get3A_1197 : i32 to index
        %get3A_1199 = arith.index_cast %add3A_1196 : i32 to index
        %get3A_1200 = arith.constant 112 : index
        %get3A_1201 = tpu.vector_load %arg7[%get3A_1198, %get3A_1199, %get3A_1200] {strides = array<i32>} : memref<2x120x128xf32, #tpu.memory_space<vmem>>, vector<16xf32>,
        %mul3A_1202 = arith.mulf %get3A_124, %get3A_1201 : vector<16xf32>
        %add3A_1203 = arith.addf %mul3A_1146, %mul3A_1154 : vector<16xf32>
        %add3A_1204 = arith.addf %mul3A_1162, %mul3A_1170 : vector<16xf32>
        %add3A_1205 = arith.addf %mul3A_1178, %mul3A_1186 : vector<16xf32>
        %add3A_1206 = arith.addf %mul3A_1194, %mul3A_1202 : vector<16xf32>
        %add3A_1207 = arith.addf %add3A_1203, %add3A_1204 : vector<16xf32>
        %add3A_1208 = arith.addf %add3A_1205, %add3A_1206 : vector<16xf32>
        %add3A_1209 = arith.addf %add3A_1207, %add3A_1208 : vector<16xf32>
        %mul3A_1210 = arith.constant 16 : i32
        %mul3A_1211 = vector.broadcast %mul3A_1210 : i32 to vector<16xi32>
        %mul3A_1212 = arith.muli %iota3A, %mul3A_1211 : vector<16xi32>
        %add3A_1213 = arith.constant 3336 : i32
        %add3A_1214 = arith.addi %add3A_1213, %scan3A_85 : i32
        %add3A_1215 = vector.broadcast %add3A_1214 : i32 to vector<16xi32>
        %add3A_1216 = arith.addi %mul3A_1212, %add3A_1215 : vector<16xi32>
        tpu.vector_store_idx %arg8[%add3A_1216], %add3A_1209 : memref<3584xf32, #tpu.memory_space<vmem>>[vector<16xi32>], vector<16xf32>,
      }
      %scan3A_73 = arith.constant 8 : i32
      %lt3A_74 = arith.constant 7 : i32
      %lt3A_75 = arith.cmpi slt, %scan3A_40, %lt3A_74 : i32
      %convert_element_type3A_76 = arith.extui %lt3A_75 : i1 to i32
      %cond3A_77 = arith.constant 0 : i32
      %cond3A_78 = arith.cmpi ne, %convert_element_type3A_76, %cond3A_77 : i32
      scf.if %cond3A_78 {
        %mul3A_85 = arith.constant 2 : i32
        %mul3A_86 = arith.muli %mul3A_85, %scan3A_40 : i32
        %add3A_87 = arith.constant 3 : i32
        %add3A_88 = arith.addi %mul3A_86, %add3A_87 : i32
        %mul3A_89 = arith.constant 120 : i32
        %mul3A_90 = arith.muli %add3A_88, %mul3A_89 : i32
        %dma_start3A_91 = arith.constant 1 : i32
        %dma_start3A_92 = arith.constant 0 : i32
        %dma_start3A_93 = arith.constant 0 : i32
        %dma_start3A_94 = tpu.memref_slice %arg7[%dma_start3A_91, %dma_start3A_92, %dma_start3A_93] : memref<2x120x128xf32, #tpu.memory_space<vmem>> -> memref<1x120x128xf32, #tpu.memory_space<vmem>>
        %dma_start3A_95 = tpu.memref_squeeze %dma_start3A_94 : memref<1x120x128xf32, #tpu.memory_space<vmem>> -> memref<120x128xf32, #tpu.memory_space<vmem>>
        %dma_start3A_96 = tpu.memref_slice %arg6[%mul3A_90] : memref<1920xi32, #tpu.memory_space<vmem>> -> memref<120xi32, #tpu.memory_space<vmem>>
        %dma_start3A_97 = arith.constant 0 : i32
        %dma_start3A_98 = arith.constant 0 : i32
        %dma_start3A_99 = tpu.memref_slice %arg3[%dma_start3A_97, %dma_start3A_98] : memref<100000x128xf32, #tpu.memory_space<hbm>> -> memref<100000x128xf32, #tpu.memory_space<hbm>>
        tpu.enqueue_indirect_dma source(%dma_start3A_99 : memref<100000x128xf32, #tpu.memory_space<hbm>>) target(%dma_start3A_95 : memref<120x128xf32, #tpu.memory_space<vmem>>) offsets(%dma_start3A_96 : memref<120xi32, #tpu.memory_space<vmem>>) semaphore(%arg11 : memref<!tpu.dma_semaphore, #tpu.memory_space<semaphore_mem>>)
      } else {
      }
      %scan3A_79 = arith.constant 0 : i32
      %scan3A_80 = arith.constant 0 : i32
      %scan3A_81 = arith.constant 14 : i32
      %scan3A_82 = arith.addi %scan3A_80, %scan3A_81 : i32
      %scan3A_83 = arith.constant 1 : i32
      scf.for %scan3A_85 = %scan3A_80 to %scan3A_82 step %scan3A_83  : i32 {
        %mul3A_86 = arith.constant 256 : i32
        %mul3A_87 = arith.muli %scan3A_85, %mul3A_86 : i32
        %add3A_88 = arith.constant 0 : i32
        %add3A_89 = arith.addi %mul3A_87, %add3A_88 : i32
        %get3A = arith.index_cast %add3A_89 : i32 to index
        %get3A_90 = tpu.vector_load %arg8[%get3A] {strides = array<i32>} : memref<3584xf32, #tpu.memory_space<vmem>>, vector<16xf32>,
        %mul3A_91 = arith.constant 256 : i32
        %mul3A_92 = arith.muli %scan3A_85, %mul3A_91 : i32
        %add3A_93 = arith.constant 16 : i32
        %add3A_94 = arith.addi %mul3A_92, %add3A_93 : i32
        %get3A_95 = arith.index_cast %add3A_94 : i32 to index
        %get3A_96 = tpu.vector_load %arg8[%get3A_95] {strides = array<i32>} : memref<3584xf32, #tpu.memory_space<vmem>>, vector<16xf32>,
        %mul3A_97 = arith.constant 256 : i32
        %mul3A_98 = arith.muli %scan3A_85, %mul3A_97 : i32
        %add3A_99 = arith.constant 32 : i32
        %add3A_100 = arith.addi %mul3A_98, %add3A_99 : i32
        %get3A_101 = arith.index_cast %add3A_100 : i32 to index
        %get3A_102 = tpu.vector_load %arg8[%get3A_101] {strides = array<i32>} : memref<3584xf32, #tpu.memory_space<vmem>>, vector<16xf32>,
        %mul3A_103 = arith.constant 256 : i32
        %mul3A_104 = arith.muli %scan3A_85, %mul3A_103 : i32
        %add3A_105 = arith.constant 48 : i32
        %add3A_106 = arith.addi %mul3A_104, %add3A_105 : i32
        %get3A_107 = arith.index_cast %add3A_106 : i32 to index
        %get3A_108 = tpu.vector_load %arg8[%get3A_107] {strides = array<i32>} : memref<3584xf32, #tpu.memory_space<vmem>>, vector<16xf32>,
        %mul3A_109 = arith.constant 256 : i32
        %mul3A_110 = arith.muli %scan3A_85, %mul3A_109 : i32
        %add3A_111 = arith.constant 64 : i32
        %add3A_112 = arith.addi %mul3A_110, %add3A_111 : i32
        %get3A_113 = arith.index_cast %add3A_112 : i32 to index
        %get3A_114 = tpu.vector_load %arg8[%get3A_113] {strides = array<i32>} : memref<3584xf32, #tpu.memory_space<vmem>>, vector<16xf32>,
        %mul3A_115 = arith.constant 256 : i32
        %mul3A_116 = arith.muli %scan3A_85, %mul3A_115 : i32
        %add3A_117 = arith.constant 80 : i32
        %add3A_118 = arith.addi %mul3A_116, %add3A_117 : i32
        %get3A_119 = arith.index_cast %add3A_118 : i32 to index
        %get3A_120 = tpu.vector_load %arg8[%get3A_119] {strides = array<i32>} : memref<3584xf32, #tpu.memory_space<vmem>>, vector<16xf32>,
        %mul3A_121 = arith.constant 256 : i32
        %mul3A_122 = arith.muli %scan3A_85, %mul3A_121 : i32
        %add3A_123 = arith.constant 96 : i32
        %add3A_124 = arith.addi %mul3A_122, %add3A_123 : i32
        %get3A_125 = arith.index_cast %add3A_124 : i32 to index
        %get3A_126 = tpu.vector_load %arg8[%get3A_125] {strides = array<i32>} : memref<3584xf32, #tpu.memory_space<vmem>>, vector<16xf32>,
        %mul3A_127 = arith.constant 256 : i32
        %mul3A_128 = arith.muli %scan3A_85, %mul3A_127 : i32
        %add3A_129 = arith.constant 112 : i32
        %add3A_130 = arith.addi %mul3A_128, %add3A_129 : i32
        %get3A_131 = arith.index_cast %add3A_130 : i32 to index
        %get3A_132 = tpu.vector_load %arg8[%get3A_131] {strides = array<i32>} : memref<3584xf32, #tpu.memory_space<vmem>>, vector<16xf32>,
        %mul3A_133 = arith.constant 256 : i32
        %mul3A_134 = arith.muli %scan3A_85, %mul3A_133 : i32
        %add3A_135 = arith.constant 128 : i32
        %add3A_136 = arith.addi %mul3A_134, %add3A_135 : i32
        %get3A_137 = arith.index_cast %add3A_136 : i32 to index
        %get3A_138 = tpu.vector_load %arg8[%get3A_137] {strides = array<i32>} : memref<3584xf32, #tpu.memory_space<vmem>>, vector<16xf32>,
        %mul3A_139 = arith.constant 256 : i32
        %mul3A_140 = arith.muli %scan3A_85, %mul3A_139 : i32
        %add3A_141 = arith.constant 144 : i32
        %add3A_142 = arith.addi %mul3A_140, %add3A_141 : i32
        %get3A_143 = arith.index_cast %add3A_142 : i32 to index
        %get3A_144 = tpu.vector_load %arg8[%get3A_143] {strides = array<i32>} : memref<3584xf32, #tpu.memory_space<vmem>>, vector<16xf32>,
        %mul3A_145 = arith.constant 256 : i32
        %mul3A_146 = arith.muli %scan3A_85, %mul3A_145 : i32
        %add3A_147 = arith.constant 160 : i32
        %add3A_148 = arith.addi %mul3A_146, %add3A_147 : i32
        %get3A_149 = arith.index_cast %add3A_148 : i32 to index
        %get3A_150 = tpu.vector_load %arg8[%get3A_149] {strides = array<i32>} : memref<3584xf32, #tpu.memory_space<vmem>>, vector<16xf32>,
        %mul3A_151 = arith.constant 256 : i32
        %mul3A_152 = arith.muli %scan3A_85, %mul3A_151 : i32
        %add3A_153 = arith.constant 176 : i32
        %add3A_154 = arith.addi %mul3A_152, %add3A_153 : i32
        %get3A_155 = arith.index_cast %add3A_154 : i32 to index
        %get3A_156 = tpu.vector_load %arg8[%get3A_155] {strides = array<i32>} : memref<3584xf32, #tpu.memory_space<vmem>>, vector<16xf32>,
        %mul3A_157 = arith.constant 256 : i32
        %mul3A_158 = arith.muli %scan3A_85, %mul3A_157 : i32
        %add3A_159 = arith.constant 192 : i32
        %add3A_160 = arith.addi %mul3A_158, %add3A_159 : i32
        %get3A_161 = arith.index_cast %add3A_160 : i32 to index
        %get3A_162 = tpu.vector_load %arg8[%get3A_161] {strides = array<i32>} : memref<3584xf32, #tpu.memory_space<vmem>>, vector<16xf32>,
        %mul3A_163 = arith.constant 256 : i32
        %mul3A_164 = arith.muli %scan3A_85, %mul3A_163 : i32
        %add3A_165 = arith.constant 208 : i32
        %add3A_166 = arith.addi %mul3A_164, %add3A_165 : i32
        %get3A_167 = arith.index_cast %add3A_166 : i32 to index
        %get3A_168 = tpu.vector_load %arg8[%get3A_167] {strides = array<i32>} : memref<3584xf32, #tpu.memory_space<vmem>>, vector<16xf32>,
        %mul3A_169 = arith.constant 256 : i32
        %mul3A_170 = arith.muli %scan3A_85, %mul3A_169 : i32
        %add3A_171 = arith.constant 224 : i32
        %add3A_172 = arith.addi %mul3A_170, %add3A_171 : i32
        %get3A_173 = arith.index_cast %add3A_172 : i32 to index
        %get3A_174 = tpu.vector_load %arg8[%get3A_173] {strides = array<i32>} : memref<3584xf32, #tpu.memory_space<vmem>>, vector<16xf32>,
        %mul3A_175 = arith.constant 256 : i32
        %mul3A_176 = arith.muli %scan3A_85, %mul3A_175 : i32
        %add3A_177 = arith.constant 240 : i32
        %add3A_178 = arith.addi %mul3A_176, %add3A_177 : i32
        %get3A_179 = arith.index_cast %add3A_178 : i32 to index
        %get3A_180 = tpu.vector_load %arg8[%get3A_179] {strides = array<i32>} : memref<3584xf32, #tpu.memory_space<vmem>>, vector<16xf32>,
        %add3A_181 = arith.addf %get3A_90, %get3A_96 : vector<16xf32>
        %add3A_182 = arith.addf %get3A_102, %get3A_108 : vector<16xf32>
        %add3A_183 = arith.addf %get3A_114, %get3A_120 : vector<16xf32>
        %add3A_184 = arith.addf %get3A_126, %get3A_132 : vector<16xf32>
        %add3A_185 = arith.addf %get3A_138, %get3A_144 : vector<16xf32>
        %add3A_186 = arith.addf %get3A_150, %get3A_156 : vector<16xf32>
        %add3A_187 = arith.addf %get3A_162, %get3A_168 : vector<16xf32>
        %add3A_188 = arith.addf %get3A_174, %get3A_180 : vector<16xf32>
        %add3A_189 = arith.addf %add3A_181, %add3A_182 : vector<16xf32>
        %add3A_190 = arith.addf %add3A_183, %add3A_184 : vector<16xf32>
        %add3A_191 = arith.addf %add3A_185, %add3A_186 : vector<16xf32>
        %add3A_192 = arith.addf %add3A_187, %add3A_188 : vector<16xf32>
        %add3A_193 = arith.addf %add3A_189, %add3A_190 : vector<16xf32>
        %add3A_194 = arith.addf %add3A_191, %add3A_192 : vector<16xf32>
        %add3A_195 = arith.addf %add3A_193, %add3A_194 : vector<16xf32>
        %mul3A_196 = arith.constant 16 : i32
        %mul3A_197 = arith.muli %scan3A_40, %mul3A_196 : i32
        %swap3A = arith.index_cast %scan3A_85 : i32 to index
        %swap3A_198 = arith.index_cast %mul3A_197 : i32 to index
        %swap3A_199 = tpu.vector_load %arg9[%swap3A, %swap3A_198] {strides = array<i32>} : memref<14x128xf32, #tpu.memory_space<vmem>>, vector<16xf32>,
        tpu.vector_store %arg9[%swap3A, %swap3A_198], %add3A_195 {strides = array<i32>} : memref<14x128xf32, #tpu.memory_space<vmem>>, vector<16xf32>,
      }
      %scan3A_84 = arith.constant 14 : i32
    }
    %scan3A_39 = arith.constant 8 : i32
    "tpu.region"() ({
      %run_scoped3A = tpu.sem_alloc : memref<!tpu.dma_semaphore, #tpu.memory_space<semaphore_mem>>
      %dma_start3A_40 = arith.constant 0 : i32
      %dma_start3A_41 = tpu.memref_slice %arg4[%dma_start3A_40, %mul3A_2] : memref<14x4096xf32, #tpu.memory_space<hbm>> -> memref<14x128xf32, #tpu.memory_space<hbm>>
      %dma_start3A_42 = arith.constant 0 : i32
      %dma_start3A_43 = tpu.memref_slice %arg4[%dma_start3A_42, %mul3A_2] : memref<14x4096xf32, #tpu.memory_space<hbm>> -> memref<14x128xf32, #tpu.memory_space<hbm>>
      tpu.enqueue_dma source(%arg9 : memref<14x128xf32, #tpu.memory_space<vmem>>) target(%dma_start3A_43 : memref<14x128xf32, #tpu.memory_space<hbm>>) target_semaphore(%run_scoped3A : memref<!tpu.dma_semaphore, #tpu.memory_space<semaphore_mem>>)
      %dma_wait3A = arith.constant 0 : i32
      %dma_wait3A_44 = tpu.memref_slice %arg4[%dma_wait3A, %mul3A_2] : memref<14x4096xf32, #tpu.memory_space<hbm>> -> memref<14x128xf32, #tpu.memory_space<hbm>>
      %dma_wait3A_45 = arith.constant 0 : i32
      %dma_wait3A_46 = tpu.memref_slice %arg4[%dma_wait3A_45, %mul3A_2] : memref<14x4096xf32, #tpu.memory_space<hbm>> -> memref<14x128xf32, #tpu.memory_space<hbm>>
      tpu.wait_dma2 semaphore(%run_scoped3A : memref<!tpu.dma_semaphore, #tpu.memory_space<semaphore_mem>>) src(%arg9 : memref<14x128xf32, #tpu.memory_space<vmem>>) dst(%dma_wait3A_46 : memref<14x128xf32, #tpu.memory_space<hbm>>)
      tpu.yield
    }) : () -> ()
    return
  }
}

</mosaic_0001>

<sc_bundles>
// kernel: _sc_dots.3.cloned.1.call-start
scs
__scs_entry_jumppad:
0x0: {  	(pc) =	sbr.rel $0x88, $3  }
0x1: {  	(tag) =	ssettag $0x0;
	lr =	simm.s32 $0x1  }
0x2: {  	[smem:$0x3F9F] =	sst lr;
	_ =	strace $0xD0000000  }
0x3: {  	_ = 	snop  }
0x4: {  	_ = 	snop  }
0x5: {  	_ = 	snop  }
0x6: {  	_ = 	snop  }
0x7: {  	_ = 	snop  }
__scs_overlays_trampoline_lowered:
0x8: {  	[smem:$0x3FAE] =	sst s0  }
0x9: {  	[smem:$0x3FAF] =	sst s1  }
0xa: {  	[smem:$0x3FB0] =	sst s2  }
0xb: {  	[smem:$0x3FB1] =	sst s3  }
0xc: {  	[smem:$0x3FB2] =	sst s4  }
0xd: {  	[smem:$0x3FB3] =	sst s5  }
0xe: {  	[smem:$0x3FB4] =	sst s6  }
0xf: {  	[smem:$0x3FB5] =	sst s7  }
0x10: {  	[smem:$0x3FB6] =	sst s8  }
0x11: {  	[smem:$0x3FB7] =	sst s9;
	s0 =	simm.s32 @!p0 $0x0  }
0x12: {  	s1 =	sld [smem:$0x3F9D];
	s0 =	simm.s32 @p0 $0x1  }
0x13: {  	[smem:$0x3FB8] =	sst s0;
	s0 =	simm.s32 @!p1 $0x0  }
0x14: {  	s2 =	sld [smem:$0x3F9C];
	s0 =	simm.s32 @p1 $0x1  }
0x15: {  	[smem:$0x3FB9] =	sst s0;
	s0 =	simm.s32 @!p2 $0x0  }
0x16: {  	s3 =	sld [smem:$0x3FDB];
	s0 =	simm.s32 @p2 $0x1  }
0x17: {  	s4 =	simm.s32 $0x1BF5;
	[smem:$0x3FBB] =	sst s0  }
0x18: {  	s0 =	sld [smem:$0x3F9E];
	_ =	swait.ge [sflag:s4], $0x0  }
0x19: {  	s7 =	sld [smem:$0x3F9F]  }
0x1a: {  	s8 =	sadd.s32 $0xFFFFE003, lr  }
0x1b: {  	s9 =	sadd.s32 $0xFFFFFEF7, lr;
	s5 =	simm.s32 $0xFFFFFFFF;
	p2 =	slt.u32 s8, $0xFFFFF086  }
0x1c: {  	p1 =	slt.u32 s9, $0xF7A;
	s5 =	simm.s32 @!p2 $0x0  }
0x1d: {  	s5 =	simm.s32 @p1 $0x1;
	p0 =	seq.s32 s7, s2  }
0x1e: {  	s7 =	smul.u32 @!p0 $0xF7A, s2;
	p2 =	seq.s32 @!p0 s5, $0x0  }
0x1f: {  	s9 =	smul.u32 $0xF7A, s1;
	s8 =	simm.s32 @!p0 $0x1BF5;
	p2 =	por !p2, p0  }
0x20: {  	[sflag:s8] =	ssyncset.s32 @!p0 $0xFFFFF086;
	s6 =	sadd.s32 @!p0 s3, s7;
	s7 =	simm.s32 @!p0 $0x108  }
0x21: {  	s3 =	sadd.s32 s3, s9;
	s6 =	sadd.s32 @!p0 $0x88, s6;
	s7 =	simm.s32 @p2 $0x1082  }
0x22: {  	[simem:s7], [sflag:s8] =	dma.local @!p0 [hbm:s6], $0xF7A  }
0x23: {  	s9 =	sor.u32 $0xD0000000, s2;
	s6 =	simm.s32 $0x108;
	_ =	swait.ge @!p0 [sflag:s8], $0x0  }
0x24: {  	s3 =	sadd.s32 $0x88, s3;
	s6 =	simm.s32 @!p1 $0x1082;
	[sflag:s4] =	ssyncset.s32 $0xFFFFF086  }
0x25: {  	[simem:s6], [sflag:s4] =	dma.local [hbm:s3], $0xF7A  }
0x26: {  	[smem:$0x3F9F] =	sst s1;
	(tag) =	ssettag s2;
	_ =	strace s9  }
0x27: {  	s1 =	sld [smem:$0x3FAF]  }
0x28: {  	s2 =	sld [smem:$0x3FB0]  }
0x29: {  	s4 =	sld [smem:$0x3FB2]  }
0x2a: {  	p0 =	seq.s32 s5, $0x0;
	s5 =	sld [smem:$0x3FB3]  }
0x2b: {  	s6 =	sld [smem:$0x3FB4]  }
0x2c: {  	s7 =	sld [smem:$0x3FB5]  }
0x2d: {  	s3 =	simm.s32 $0x108;
	s8 =	sld [smem:$0x3FB6]  }
0x2e: {  	s3 =	simm.s32 @!p0 $0x1082;
	s9 =	sld [smem:$0x3FB7]  }
0x2f: {  	lr =	sadd.s32 s0, s3;
	s0 =	sld [smem:$0x3FAE]  }
0x30: {  	s3 =	sld [smem:$0x3FB1]  }
0x31: {  	[smem:$0x3FBA] =	sst s10  }
0x32: {  	s10 =	sld [smem:$0x3FB8];
	_ =	sdelay $0x3  }
0x33: {  	p0 =	seq.s32 s10, $0x1;
	s10 =	sld [smem:$0x3FBA];
	_ =	sdelay $0x3  }
0x34: {  	[smem:$0x3FBA] =	sst s10  }
0x35: {  	s10 =	sld [smem:$0x3FB9];
	_ =	sdelay $0x3  }
0x36: {  	p1 =	seq.s32 s10, $0x1;
	s10 =	sld [smem:$0x3FBA];
	_ =	sdelay $0x3  }
0x37: {  	[smem:$0x3FBA] =	sst s10  }
0x38: {  	s10 =	sld [smem:$0x3FBB]  }
0x39: {  	_ = 	snop;
	(pc) =	sbr.ind lr, $3  }
0x3a: {  	_ = 	snop  }
0x3b: {  	_ = 	snop  }
0x3c: {  	p2 =	seq.s32 s10, $0x1;
	s10 =	sld [smem:$0x3FBA]  }
0x3d: {  	_ =	shalt  }
0x3e: {  	_ =	shalt  }
0x3f: {  	_ =	shalt  }
0x40: {  	_ =	shalt  }
0x41: {  	_ =	shalt  }
0x42: {  	_ =	shalt  }
0x43: {  	_ =	shalt  }
0x44: {  	_ =	shalt  }
0x45: {  	_ =	shalt  }
0x46: {  	_ =	shalt  }
0x47: {  	_ =	shalt  }
0x48: {  	_ =	shalt  }
0x49: {  	_ =	shalt  }
0x4a: {  	_ =	shalt  }
0x4b: {  	_ =	shalt  }
0x4c: {  	_ =	shalt  }
0x4d: {  	_ =	shalt  }
0x4e: {  	_ =	shalt  }
0x4f: {  	_ =	shalt  }
0x50: {  	_ =	shalt  }
0x51: {  	_ =	shalt  }
0x52: {  	_ =	shalt  }
0x53: {  	_ =	shalt  }
0x54: {  	_ =	shalt  }
0x55: {  	_ =	shalt  }
0x56: {  	_ =	shalt  }
0x57: {  	_ =	shalt  }
0x58: {  	_ =	shalt  }
0x59: {  	_ =	shalt  }
0x5a: {  	_ =	shalt  }
0x5b: {  	_ =	shalt  }
0x5c: {  	_ =	shalt  }
0x5d: {  	_ =	shalt  }
0x5e: {  	_ =	shalt  }
0x5f: {  	_ =	shalt  }
0x60: {  	_ =	shalt  }
0x61: {  	_ =	shalt  }
0x62: {  	_ =	shalt  }
0x63: {  	_ =	shalt  }
0x64: {  	_ =	shalt  }
0x65: {  	_ =	shalt  }
0x66: {  	_ =	shalt  }
0x67: {  	_ =	shalt  }
0x68: {  	_ =	shalt  }
0x69: {  	_ =	shalt  }
0x6a: {  	_ =	shalt  }
0x6b: {  	_ =	shalt  }
0x6c: {  	_ =	shalt  }
0x6d: {  	_ =	shalt  }
0x6e: {  	_ =	shalt  }
0x6f: {  	_ =	shalt  }
0x70: {  	_ =	shalt  }
0x71: {  	_ =	shalt  }
0x72: {  	_ =	shalt  }
0x73: {  	_ =	shalt  }
0x74: {  	_ =	shalt  }
0x75: {  	_ =	shalt  }
0x76: {  	_ =	shalt  }
0x77: {  	_ =	shalt  }
0x78: {  	_ =	shalt  }
0x79: {  	_ =	shalt  }
0x7a: {  	_ =	shalt  }
0x7b: {  	_ =	shalt  }
0x7c: {  	_ =	shalt  }
0x7d: {  	_ =	shalt  }
0x7e: {  	_ =	shalt  }
0x7f: {  	_ =	shalt  }
0x80: {  	_ =	shalt  }
0x81: {  	_ =	shalt  }
0x82: {  	_ =	shalt  }
0x83: {  	_ =	shalt  }
0x84: {  	_ =	shalt  }
0x85: {  	_ =	shalt  }
0x86: {  	_ =	shalt  }
0x87: {  	_ =	shalt  }
.Lfunc_end0:
.L_simem_size_0:
called_computation_lowered:
.L_overlay_start_0:
0x88: {  	s2 =	sld [smem:$0x3FD9]  }
0x89: {  	s3 =	sld [smem:$0x3FFE];
	_ =	sdelay $0x1  }
0x8a: {  	s1 =	srdreg.scid  }
0x8b: {  	s0 =	sand.u32 $0x1, s1  }
0x8c: {  	s18 =	sshll.u32 s0, $0xA;
	s2 =	sadd.s32 s3, s2  }
0x8d: {  	s2 =	sadd.s32 s2, s18  }
0x8e: {  	[smem:$0x3FC6] =	sst s2  }
0x8f: {  	_ = 	snop  }
0x90: {  	s2 =	sld [smem:$0x3FC9]  }
0x91: {  	s19 =	sld [smem:$0x3FC8]  }
0x92: {  	s4 =	sld [smem:$0x3FD0];
	(tm) =	ssettm $0x1  }
0x93: {  	s5 =	sld [smem:$0x3FFB];
	_ =	sdelay $0x3  }
0x94: {  	_ =	strace s5  }
0x95: {  	s5 =	sld [smem:$0x3FFC];
	_ =	sdelay $0x3  }
0x96: {  	_ =	strace s5  }
0x97: {  	s5 =	sld [smem:$0x3FFD];
	_ =	sdelay $0x3  }
0x98: {  	_ =	strace s5  }
0x99: {  	_ =	strace $0x8FFFFFFF  }
0x9a: {  	s20 =	sld [smem:$0x3FDB];
	_ =	sdelay $0x1  }
0x9b: {  	s6 =	simm.s32 $_scs_section_size  }
0x9c: {  	s7 =	simm.s32 $_size__tile_overlayer_lowered;
	s8 =	simm.s32 $_tile_overlayer_lowered  }
0x9d: {  	s23 =	simm.s32 $0x1BFF;
	s22 =	sshll.u32 s8, $0x1;
	s5 =	sadd.s32 s6, s20  }
0x9e: {  	s9 =	simm.s32 $0x0;
	s21 =	sshll.u32 s7, $0x1;
	s7 =	sadd.s32 s22, s5  }
0x9f: {  	[timem:s9], [sflag:s23] =	dma.local [hbm:s7], s21  }
0xa0: {  	_ =	swait.ge [sflag:s23], s21  }
0xa1: {  	s6 =	ssub.s32 $0x0, s21;
	[sflag:s23] =	ssyncset.done $0x0  }
0xa2: {  	[sflag:s23] =	ssyncadd.s32 s6;
	_ =	sdelay $0x1  }
0xa3: {  	s24 =	simm.s32 $0x1B8B  }
0xa4: {  	_ =	swait.ge [sflag:s24], $0x1  }
0xa5: {  	[sflag:s24] =	ssyncset.done $0x0  }
0xa6: {  	s25 =	simm.s32 $0x1B8E;
	[sflag:s24] =	ssyncadd.s32 $0xFFFFFFFF  }
0xa7: {  	s26 =	simm.s32 $execute0_lowered;
	[smem:$0x3FD2] =	sst s25  }
0xa8: {  	s6 =	sshll.u32 s26, $0x1;
	_ =	strace $0x80000046;
	[dreg:$0x1] =	wrdreg $0xFFFFFFFF  }
0xa9: {  	s28 =	simm.s32 $_size_execute0_lowered;
	s5 =	sadd.s32 s5, s6;
	[dreg:$0x0] =	wrdreg $0x0  }
0xaa: {  	s6 =	sshll.u32 s28, $0x1;
	[dreg:$0x2] =	wrdreg s5  }
0xab: {  	[dreg:$0x3] =	wrdreg s6  }
0xac: {  	[dreg:$0x4] =	wrdreg $0xC0  }
0xad: {  	_ =	task [dreg:s9], $0x5FFFF  }
0xae: {  	[dreg:$0x1] =	wrdreg $0xFFFFFFFF  }
0xaf: {  	[dreg:$0x0] =	wrdreg $0x60  }
0xb0: {  	[dreg:$0x2] =	wrdreg s2  }
0xb1: {  	[dreg:$0x3] =	wrdreg s19  }
0xb2: {  	[dreg:$0x4] =	wrdreg s4  }
0xb3: {  	[dreg:$0x5] =	wrdreg $0x9  }
0xb4: {  	_ =	task.clear_ibuf [dreg:s9], $0x6FFFF;
	_ =	strace $0x90000046  }
0xb5: {  	s29 =	simm.s32 $0x9;
	_ =	strace $0x80000048  }
0xb6: {  	_ =	swait.ge [sflag:s29], $0x1  }
0xb7: {  	[sflag:s29] =	ssyncadd.s32 $0xFFFFFFFF  }
0xb8: {  	_ =	strace $0x90000048  }
0xb9: {  	_ =	sfence  }
0xba: {  	s30 =	sld [smem:$0x0];
	_ =	sdelay $0x2  }
0xbb: {  	s31 =	sshll.u32 s1, $0xD;
	s1 =	sshrl.u32 s1, $0x2  }
0xbc: {  	s3 =	sand.u32 $0x4000, s31;
	s1 =	sadd.s32 s1, s30  }
0xbd: {  	s0 =	sor.u32 s3, s0;
	s1 =	sshll.u32 s1, $0x11  }
0xbe: {  	s0 =	sor.u32 s1, s0  }
0xbf: {  	s0 =	sadd.s32 $0x8F2B, s0  }
0xc0: {  	[sflag:s0] =	ssyncadd.remote.s32 $0x1  }
0xc1: {  	_ =	sfence.sel $0xFFFF  }
0xc2: {  	[dreg:$0x0] =	wrdreg $0xFFFFFFFF;
	(pc) =	sbr.abs _section_cstart, $3  }
0xc3: {  	[dreg:$0x1] =	wrdreg $0xFFFFFFFF  }
0xc4: {  	_ =	task.clear_ibuf [dreg:s9], $0x2FFFF;
	_ =	strace $0x9FFFFFFF  }
0xc5: {  	(tm) =	ssettm $0x7FFFFFFF  }
tec
execute0_lowered:
.L_overlay_start_1:
0x0: {  	(tag) =	ssettag $0x1  }
0x1: {  	s4 =	rddreg [dreg:$0x0]  }
0x2: {  	s2 =	rddreg [dreg:$0x1]  }
0x3: {  	s5 =	rddreg [dreg:$0x2]  }
0x4: {  	s3 =	srdreg.scid;
	s1 =	stileid.u32  }
0x5: {  	s0 =	rddreg [dreg:$0x3];
	s10 =	simm.s32 $0xF00;
	s11 =	simm.s32 $0x7F8  }
0x6: {  	s12 =	simm.s32 $0x4B00;
	s13 =	simm.s32 $0x1;
	s14 =	simm.s32 $0x8700  }
0x7: {  	s15 =	simm.s32 $0x2;
	s16 =	simm.s32 $0x9500;
	s17 =	simm.s32 $0x9900  }
0x8: {  	v0 =	vimm.s32 $0x76543210;
	s18 =	simm.s32 $0x0;
	s6 =	sand.u32 $0x1, s3;
	s7 =	sshll.u32 s1, $0x1  }
0x9: {  	v1 =	vimm.s32 $0x7B7A7978;
	v2 =	vimm.s32 $0x7F7E7D7C;
	s3 =	simm.s32 $0x0;
	v0 =	vunpack.c.l.s4.s8 v0;
	s8 =	ssub.s32 $0x2, s6;
	s6 =	sor.u32 s6, s7  }
0xa: {  	v1 =	vunpack.c.0.s8.s32 v1;
	v2 =	vunpack.c.0.s8.s32 v2;
	[smem:$0x7FF] =	sst s3;
	s31 =	sshrl.u32 s8, $0x1;
	s9 =	smul.u32 $0xF0, s6  }
0xb: {  	vm0 =	vcmask $0x1F10;
	_ =	strace $0x80000047;
	s6 =	sshll.u32 s6, $0x7;
	v3 =	vunpack.c.0.s8.s32 v0;
	s7 =	ssub.s32 s8, s31  }
0xc: {  	v4 =	vlaneseq.u32;
	v1 =	vsel vm0, v2, v1;
	s5 =	sadd.s32 s5, s6;
	s8 =	simm.s32 $0x780;
	s4 =	sadd.s32 s4, s9  }
0xd: {  	v0 =	vmul.u32 $0xF, v4;
	v2 =	vmul.u32 $0x10, v4;
	s6 =	smax.u32 s7, $0x1;
	s7 =	simm.s32 $0x3;
	s9 =	simm.s32 $0x78;
	v1 =	vcombine.low v3, v1  }
.LBB2_1:
0xe: {  	[tilespmem:s3], [sflag:$0x3] =	stream.linear.gather [hbm4b:s4+s3], $0x780, $0x38;
	[tilespmem:$0x9D00] =	vst v63  }
0xf: {  	_ =	swait.ge [sflag:s7], $0x780  }
0x10: {  	[sflag:s7] =	ssyncset.done $0x0  }
0x11: {  	s19 =	simm.s32 $0x0;
	s20 =	simm.s32 $0x0;
	[sflag:s7] =	ssyncadd.s32 $0xFFFFF880  }
.LBB2_2:
0x12: {  	s21 =	sshll.u32 s20, $0x4  }
0x13: {  	v3 =	vmov s21  }
0x14: {  	v3 =	vmul.u32 $0xF, v3  }
0x15: {  	s29 =	simm.s32 $0x0  }
0x16: {  	v4 =	vadd.s32 s29, v3  }
0x17: {  	v4 =	vbroadcast v4, $0x0;
	_ =	sdelay $0x1  }
0x18: {  	v4 =	vadd.s32 v0, v4;
	_ =	sdelay $0x3  }
0x19: {  	s30 =	simm.s32 $0x1  }
0x1a: {  	v6 =	vld.idx.msk [tilespmem:v4+s3+$0x0], $0xffff;
	v4 =	vadd.s32 s30, v3  }
0x1b: {  	v4 =	vbroadcast v4, $0x0  }
0x1c: {  	v7 =	vadd.s32 s19, v1  }
0x1d: {  	v4 =	vadd.s32 v0, v4;
	_ =	sdelay $0x2  }
0x1e: {  	s31 =	simm.s32 $0x2  }
0x1f: {  	s22 =	simm.s32 $0x3;
	s21 =	smov.u32 s19;
	v5 =	vadd.s32 s31, v3;
	[tilespmem:v7+s8+$0x0] =	vst.idx.msk $0xffff, v6  }
.LBB2_3:
0x20: {  	p0 =	sne.s32 s22, $0xE;
	v5 =	vbroadcast v5, $0x0;
	v6 =	vld.idx.msk [tilespmem:v4+s3+$0x0], $0xffff;
	s21 =	sadd.s32 $0x8, s21  }
0x21: {  	v7 =	vadd.s32 s21, v1  }
.Ltmp0:
0x22: {  	v4 =	vadd.s32 v0, v5;
	(pc) =	sbr.rel @p0 .LBB2_3-.Ltmp0, $2  }
0x23: {  	_ =	sdelay $0x2  }
0x24: {  	v5 =	vadd.s32 s22, v3;
	s22 =	sadd.s32 $0x1, s22;
	[tilespmem:v7+s8+$0x0] =	vst.idx.msk $0xffff, v6  }
0x25: {  	_ =	sdelay $0x2  }
0x26: {  	v3 =	vbroadcast v5, $0x0;
	s21 =	sadd.s32 $0x8, s21  }
0x27: {  	v4 =	vld.idx.msk [tilespmem:v4+s3+$0x0], $0xffff;
	v62 =	vadd.s32 s21, v1  }
0x28: {  	v3 =	vadd.s32 v0, v3;
	_ =	sdelay $0x3  }
0x29: {  	s20 =	sadd.s32 $0x1, s20;
	s21 =	sadd.s32 $0x8, s21;
	[tilespmem:v62+s8+$0x0] =	vst.idx.msk $0xffff, v4  }
0x2a: {  	p0 =	sne.s32 s20, $0x8;
	v63 =	vadd.s32 s21, v1;
	v3 =	vld.idx.msk [tilespmem:v3+s3+$0x0], $0xffff  }
.Ltmp1:
0x2b: {  	_ = 	snop;
	(pc) =	sbr.rel @p0 .LBB2_2-.Ltmp1, $2  }
0x2c: {  	_ =	sdelay $0x2  }
0x2d: {  	s19 =	sadd.s32 $0xF0, s19;
	[tilespmem:v63+s8+$0x0] =	vst.idx.msk $0xffff, v3  }
0x2e: {  	[tilespmem:s10], [sflag:$0x1] =	stream.indirect.gather [hbm4b:s2+s9], $0x80, s8, s9, $0xb8;
	[tilespmem:$0x9D00] =	vst v63  }
0x2f: {  	s19 =	simm.s32 $0x0;
	s20 =	simm.s32 $0x9500  }
0x30: {  	[tilespmem:s12], [sflag:$0x2] =	stream.indirect.gather [hbm4b:s2+s9], $0x80, s11, s9, $0xb8;
	[tilespmem:$0x9D00] =	vst v63  }
.LBB2_6:
0x31: {  	_ =	swait.ge [sflag:s13], $0x3C00  }
0x32: {  	[sflag:s13] =	ssyncset.done $0x0  }
0x33: {  	s21 =	simm.s32 $0x2B40;
	s22 =	simm.s32 $0x0;
	[sflag:s13] =	ssyncadd.s32 $0xFFFFC400  }
.LBB2_7:
0x34: {  	v3 =	vld [tilespmem:s21+$0xFFFFE3C0]  }
0x35: {  	v4 =	vld [tilespmem:s21+$0xFFFFE3D0]  }
0x36: {  	v5 =	vld [tilespmem:s21+$0xFFFFE3E0]  }
0x37: {  	v6 =	vld [tilespmem:s21+$0xFFFFE3F0]  }
0x38: {  	v7 =	vld [tilespmem:s21+$0xFFFFE400]  }
0x39: {  	v8 =	vld [tilespmem:s21+$0xFFFFE410]  }
0x3a: {  	v9 =	vld [tilespmem:s21+$0xFFFFE420]  }
0x3b: {  	v10 =	vld [tilespmem:s21+$0xFFFFE430]  }
0x3c: {  	v11 =	vld [tilespmem:s21+$0xFFFFE7C0]  }
0x3d: {  	v12 =	vld [tilespmem:s21+$0xFFFFE7D0]  }
0x3e: {  	v13 =	vld [tilespmem:s21+$0xFFFFE7E0]  }
0x3f: {  	v14 =	vld [tilespmem:s21+$0xFFFFE7F0]  }
0x40: {  	v15 =	vld [tilespmem:s21+$0xFFFFE800]  }
0x41: {  	v16 =	vld [tilespmem:s21+$0xFFFFE810]  }
0x42: {  	v17 =	vld [tilespmem:s21+$0xFFFFE820]  }
0x43: {  	v18 =	vld [tilespmem:s21+$0xFFFFE830];
	_ =	sdelay $0x1  }
0x44: {  	v11 =	vmul.f32 v11, v3;
	v12 =	vmul.f32 v12, v4  }
0x45: {  	v13 =	vmul.f32 v13, v5;
	v14 =	vmul.f32 v14, v6  }
0x46: {  	v15 =	vmul.f32 v15, v7;
	v16 =	vmul.f32 v16, v8  }
0x47: {  	v17 =	vmul.f32 v17, v9;
	v18 =	vmul.f32 v18, v10  }
0x48: {  	v11 =	vadd.f32 v12, v11;
	v45 =	vadd.f32 v14, v13  }
0x49: {  	v46 =	vadd.f32 v16, v15;
	v47 =	vadd.f32 v18, v17  }
0x4a: {  	v48 =	vor.u32 s22, v2  }
0x4b: {  	v11 =	vadd.f32 v45, v11;
	v49 =	vadd.f32 v47, v46;
	_ =	sdelay $0x1  }
0x4c: {  	v11 =	vadd.f32 v49, v11;
	_ =	sdelay $0x1  }
0x4d: {  	[tilespmem:v48+s14+$0x0] =	vst.idx.msk $0xffff, v11  }
0x4e: {  	v11 =	vld [tilespmem:s21+$0xFFFFEBC0]  }
0x4f: {  	v50 =	vld [tilespmem:s21+$0xFFFFEBD0]  }
0x50: {  	v51 =	vld [tilespmem:s21+$0xFFFFEBE0]  }
0x51: {  	v52 =	vld [tilespmem:s21+$0xFFFFEBF0]  }
0x52: {  	v15 =	vld [tilespmem:s21+$0xFFFFEC00]  }
0x53: {  	v53 =	vld [tilespmem:s21+$0xFFFFEC10]  }
0x54: {  	v54 =	vld [tilespmem:s21+$0xFFFFEC20]  }
0x55: {  	v55 =	vld [tilespmem:s21+$0xFFFFEC30];
	_ =	sdelay $0x1  }
0x56: {  	v11 =	vmul.f32 v11, v3;
	v12 =	vmul.f32 v50, v4  }
0x57: {  	v13 =	vmul.f32 v51, v5;
	v14 =	vmul.f32 v52, v6  }
0x58: {  	v15 =	vmul.f32 v15, v7;
	v16 =	vmul.f32 v53, v8  }
0x59: {  	v17 =	vmul.f32 v54, v9;
	v18 =	vmul.f32 v55, v10  }
0x5a: {  	v11 =	vadd.f32 v12, v11;
	v56 =	vadd.f32 v14, v13  }
0x5b: {  	s23 =	sadd.s32 $0x100, s22;
	v57 =	vadd.f32 v16, v15;
	v58 =	vadd.f32 v18, v17  }
0x5c: {  	v59 =	vor.u32 s23, v2  }
0x5d: {  	v11 =	vadd.f32 v56, v11;
	v60 =	vadd.f32 v58, v57;
	_ =	sdelay $0x1  }
0x5e: {  	v11 =	vadd.f32 v60, v11;
	_ =	sdelay $0x1  }
0x5f: {  	[tilespmem:v59+s14+$0x0] =	vst.idx.msk $0xffff, v11  }
0x60: {  	v11 =	vld [tilespmem:s21+$0xFFFFEFC0]  }
0x61: {  	v61 =	vld [tilespmem:s21+$0xFFFFEFD0]  }
0x62: {  	v62 =	vld [tilespmem:s21+$0xFFFFEFE0]  }
0x63: {  	v63 =	vld [tilespmem:s21+$0xFFFFEFF0]  }
0x64: {  	v15 =	vld [tilespmem:s21+$0xFFFFF000]  }
0x65: {  	v21 =	vld [tilespmem:s21+$0xFFFFF010]  }
0x66: {  	v22 =	vld [tilespmem:s21+$0xFFFFF020]  }
0x67: {  	v23 =	vld [tilespmem:s21+$0xFFFFF030];
	_ =	sdelay $0x1  }
0x68: {  	v11 =	vmul.f32 v11, v3;
	v12 =	vmul.f32 v61, v4  }
0x69: {  	v13 =	vmul.f32 v62, v5;
	v14 =	vmul.f32 v63, v6  }
0x6a: {  	v15 =	vmul.f32 v15, v7;
	v16 =	vmul.f32 v21, v8  }
0x6b: {  	v17 =	vmul.f32 v22, v9;
	v18 =	vmul.f32 v23, v10  }
0x6c: {  	v11 =	vadd.f32 v12, v11;
	v24 =	vadd.f32 v14, v13  }
0x6d: {  	s26 =	sadd.s32 $0x200, s22;
	v25 =	vadd.f32 v16, v15;
	v26 =	vadd.f32 v18, v17  }
0x6e: {  	v27 =	vor.u32 s26, v2  }
0x6f: {  	v11 =	vadd.f32 v24, v11;
	v28 =	vadd.f32 v26, v25;
	_ =	sdelay $0x1  }
0x70: {  	v11 =	vadd.f32 v28, v11;
	_ =	sdelay $0x1  }
0x71: {  	[tilespmem:v27+s14+$0x0] =	vst.idx.msk $0xffff, v11  }
0x72: {  	v11 =	vld [tilespmem:s21+$0xFFFFF3C0]  }
0x73: {  	v29 =	vld [tilespmem:s21+$0xFFFFF3D0]  }
0x74: {  	v30 =	vld [tilespmem:s21+$0xFFFFF3E0]  }
0x75: {  	v31 =	vld [tilespmem:s21+$0xFFFFF3F0]  }
0x76: {  	v15 =	vld [tilespmem:s21+$0xFFFFF400]  }
0x77: {  	v32 =	vld [tilespmem:s21+$0xFFFFF410]  }
0x78: {  	v33 =	vld [tilespmem:s21+$0xFFFFF420]  }
0x79: {  	v34 =	vld [tilespmem:s21+$0xFFFFF430];
	_ =	sdelay $0x1  }
0x7a: {  	v11 =	vmul.f32 v11, v3;
	v12 =	vmul.f32 v29, v4  }
0x7b: {  	v13 =	vmul.f32 v30, v5;
	v14 =	vmul.f32 v31, v6  }
0x7c: {  	v15 =	vmul.f32 v15, v7;
	v16 =	vmul.f32 v32, v8  }
0x7d: {  	v17 =	vmul.f32 v33, v9;
	v18 =	vmul.f32 v34, v10  }
0x7e: {  	v11 =	vadd.f32 v12, v11;
	v35 =	vadd.f32 v14, v13  }
0x7f: {  	s28 =	sadd.s32 $0x300, s22;
	v36 =	vadd.f32 v16, v15;
	v37 =	vadd.f32 v18, v17  }
0x80: {  	v38 =	vor.u32 s28, v2  }
0x81: {  	v11 =	vadd.f32 v35, v11;
	v39 =	vadd.f32 v37, v36;
	_ =	sdelay $0x1  }
0x82: {  	v11 =	vadd.f32 v39, v11;
	_ =	sdelay $0x1  }
0x83: {  	[tilespmem:v38+s14+$0x0] =	vst.idx.msk $0xffff, v11  }
0x84: {  	v11 =	vld [tilespmem:s21+$0xFFFFF7C0]  }
0x85: {  	v40 =	vld [tilespmem:s21+$0xFFFFF7D0]  }
0x86: {  	v41 =	vld [tilespmem:s21+$0xFFFFF7E0]  }
0x87: {  	v42 =	vld [tilespmem:s21+$0xFFFFF7F0]  }
0x88: {  	v15 =	vld [tilespmem:s21+$0xFFFFF800]  }
0x89: {  	v43 =	vld [tilespmem:s21+$0xFFFFF810]  }
0x8a: {  	v44 =	vld [tilespmem:s21+$0xFFFFF820]  }
0x8b: {  	v45 =	vld [tilespmem:s21+$0xFFFFF830];
	_ =	sdelay $0x1  }
0x8c: {  	v11 =	vmul.f32 v11, v3;
	v12 =	vmul.f32 v40, v4  }
0x8d: {  	v13 =	vmul.f32 v41, v5;
	v14 =	vmul.f32 v42, v6  }
0x8e: {  	v15 =	vmul.f32 v15, v7;
	v16 =	vmul.f32 v43, v8  }
0x8f: {  	v17 =	vmul.f32 v44, v9;
	v18 =	vmul.f32 v45, v10  }
0x90: {  	v11 =	vadd.f32 v12, v11;
	v46 =	vadd.f32 v14, v13  }
0x91: {  	s29 =	sadd.s32 $0x400, s22;
	v47 =	vadd.f32 v16, v15;
	v48 =	vadd.f32 v18, v17  }
0x92: {  	v49 =	vor.u32 s29, v2  }
0x93: {  	v11 =	vadd.f32 v46, v11;
	v50 =	vadd.f32 v48, v47;
	_ =	sdelay $0x1  }
0x94: {  	v11 =	vadd.f32 v50, v11;
	_ =	sdelay $0x1  }
0x95: {  	[tilespmem:v49+s14+$0x0] =	vst.idx.msk $0xffff, v11  }
0x96: {  	v11 =	vld [tilespmem:s21+$0xFFFFFBC0]  }
0x97: {  	v51 =	vld [tilespmem:s21+$0xFFFFFBD0]  }
0x98: {  	v52 =	vld [tilespmem:s21+$0xFFFFFBE0]  }
0x99: {  	v53 =	vld [tilespmem:s21+$0xFFFFFBF0]  }
0x9a: {  	v15 =	vld [tilespmem:s21+$0xFFFFFC00]  }
0x9b: {  	v54 =	vld [tilespmem:s21+$0xFFFFFC10]  }
0x9c: {  	v55 =	vld [tilespmem:s21+$0xFFFFFC20]  }
0x9d: {  	v56 =	vld [tilespmem:s21+$0xFFFFFC30];
	_ =	sdelay $0x1  }
0x9e: {  	v11 =	vmul.f32 v11, v3;
	v12 =	vmul.f32 v51, v4  }
0x9f: {  	v13 =	vmul.f32 v52, v5;
	v14 =	vmul.f32 v53, v6  }
0xa0: {  	v15 =	vmul.f32 v15, v7;
	v16 =	vmul.f32 v54, v8  }
0xa1: {  	v17 =	vmul.f32 v55, v9;
	v18 =	vmul.f32 v56, v10  }
0xa2: {  	v11 =	vadd.f32 v12, v11;
	v57 =	vadd.f32 v14, v13  }
0xa3: {  	s30 =	sadd.s32 $0x500, s22;
	v58 =	vadd.f32 v16, v15;
	v59 =	vadd.f32 v18, v17  }
0xa4: {  	v60 =	vor.u32 s30, v2  }
0xa5: {  	v11 =	vadd.f32 v57, v11;
	v61 =	vadd.f32 v59, v58;
	_ =	sdelay $0x1  }
0xa6: {  	v11 =	vadd.f32 v61, v11;
	_ =	sdelay $0x1  }
0xa7: {  	[tilespmem:v60+s14+$0x0] =	vst.idx.msk $0xffff, v11  }
0xa8: {  	v11 =	vld [tilespmem:s21+$0xFFFFFFC0]  }
0xa9: {  	v62 =	vld [tilespmem:s21+$0xFFFFFFD0]  }
0xaa: {  	v63 =	vld [tilespmem:s21+$0xFFFFFFE0]  }
0xab: {  	v21 =	vld [tilespmem:s21+$0xFFFFFFF0]  }
0xac: {  	v15 =	vld [tilespmem:s21+$0x0]  }
0xad: {  	v22 =	vld [tilespmem:s21+$0x10]  }
0xae: {  	v23 =	vld [tilespmem:s21+$0x20]  }
0xaf: {  	v24 =	vld [tilespmem:s21+$0x30];
	_ =	sdelay $0x1  }
0xb0: {  	v11 =	vmul.f32 v11, v3;
	v12 =	vmul.f32 v62, v4  }
0xb1: {  	v13 =	vmul.f32 v63, v5;
	v14 =	vmul.f32 v21, v6  }
0xb2: {  	v15 =	vmul.f32 v15, v7;
	v16 =	vmul.f32 v22, v8  }
0xb3: {  	v17 =	vmul.f32 v23, v9;
	v18 =	vmul.f32 v24, v10  }
0xb4: {  	v11 =	vadd.f32 v12, v11;
	v25 =	vadd.f32 v14, v13  }
0xb5: {  	s31 =	sadd.s32 $0x600, s22;
	v26 =	vadd.f32 v16, v15;
	v27 =	vadd.f32 v18, v17  }
0xb6: {  	v28 =	vor.u32 s31, v2  }
0xb7: {  	v11 =	vadd.f32 v25, v11;
	v29 =	vadd.f32 v27, v26;
	_ =	sdelay $0x1  }
0xb8: {  	v11 =	vadd.f32 v29, v11;
	_ =	sdelay $0x1  }
0xb9: {  	[tilespmem:v28+s14+$0x0] =	vst.idx.msk $0xffff, v11  }
0xba: {  	v11 =	vld [tilespmem:s21+$0x3C0]  }
0xbb: {  	v30 =	vld [tilespmem:s21+$0x3D0]  }
0xbc: {  	v31 =	vld [tilespmem:s21+$0x3E0]  }
0xbd: {  	v32 =	vld [tilespmem:s21+$0x3F0]  }
0xbe: {  	v15 =	vld [tilespmem:s21+$0x400]  }
0xbf: {  	v33 =	vld [tilespmem:s21+$0x410]  }
0xc0: {  	v34 =	vld [tilespmem:s21+$0x420]  }
0xc1: {  	v35 =	vld [tilespmem:s21+$0x430];
	_ =	sdelay $0x1  }
0xc2: {  	v11 =	vmul.f32 v11, v3;
	v12 =	vmul.f32 v30, v4  }
0xc3: {  	v13 =	vmul.f32 v31, v5;
	v14 =	vmul.f32 v32, v6  }
0xc4: {  	v15 =	vmul.f32 v15, v7;
	v16 =	vmul.f32 v33, v8  }
0xc5: {  	v17 =	vmul.f32 v34, v9;
	v18 =	vmul.f32 v35, v10  }
0xc6: {  	v11 =	vadd.f32 v12, v11;
	v36 =	vadd.f32 v14, v13  }
0xc7: {  	s24 =	sadd.s32 $0x700, s22;
	v37 =	vadd.f32 v16, v15;
	v38 =	vadd.f32 v18, v17  }
0xc8: {  	v39 =	vor.u32 s24, v2  }
0xc9: {  	v11 =	vadd.f32 v36, v11;
	v40 =	vadd.f32 v38, v37;
	_ =	sdelay $0x1  }
0xca: {  	v11 =	vadd.f32 v40, v11;
	_ =	sdelay $0x1  }
0xcb: {  	[tilespmem:v39+s14+$0x0] =	vst.idx.msk $0xffff, v11  }
0xcc: {  	v11 =	vld [tilespmem:s21+$0x7C0]  }
0xcd: {  	v41 =	vld [tilespmem:s21+$0x7D0]  }
0xce: {  	v42 =	vld [tilespmem:s21+$0x7E0]  }
0xcf: {  	v43 =	vld [tilespmem:s21+$0x7F0]  }
0xd0: {  	v15 =	vld [tilespmem:s21+$0x800]  }
0xd1: {  	v44 =	vld [tilespmem:s21+$0x810]  }
0xd2: {  	v45 =	vld [tilespmem:s21+$0x820]  }
0xd3: {  	v46 =	vld [tilespmem:s21+$0x830];
	_ =	sdelay $0x1  }
0xd4: {  	v11 =	vmul.f32 v11, v3;
	v12 =	vmul.f32 v41, v4  }
0xd5: {  	v13 =	vmul.f32 v42, v5;
	v14 =	vmul.f32 v43, v6  }
0xd6: {  	v15 =	vmul.f32 v15, v7;
	v16 =	vmul.f32 v44, v8  }
0xd7: {  	v17 =	vmul.f32 v45, v9;
	v18 =	vmul.f32 v46, v10  }
0xd8: {  	v11 =	vadd.f32 v12, v11;
	v47 =	vadd.f32 v14, v13  }
0xd9: {  	s25 =	sadd.s32 $0x800, s22;
	v48 =	vadd.f32 v16, v15;
	v49 =	vadd.f32 v18, v17  }
0xda: {  	v50 =	vor.u32 s25, v2  }
0xdb: {  	v11 =	vadd.f32 v47, v11;
	v51 =	vadd.f32 v49, v48;
	_ =	sdelay $0x1  }
0xdc: {  	v11 =	vadd.f32 v51, v11;
	_ =	sdelay $0x1  }
0xdd: {  	[tilespmem:v50+s14+$0x0] =	vst.idx.msk $0xffff, v11  }
0xde: {  	v11 =	vld [tilespmem:s21+$0xBC0]  }
0xdf: {  	v52 =	vld [tilespmem:s21+$0xBD0]  }
0xe0: {  	v53 =	vld [tilespmem:s21+$0xBE0]  }
0xe1: {  	v54 =	vld [tilespmem:s21+$0xBF0]  }
0xe2: {  	v15 =	vld [tilespmem:s21+$0xC00]  }
0xe3: {  	v55 =	vld [tilespmem:s21+$0xC10]  }
0xe4: {  	v56 =	vld [tilespmem:s21+$0xC20]  }
0xe5: {  	v57 =	vld [tilespmem:s21+$0xC30];
	_ =	sdelay $0x1  }
0xe6: {  	v11 =	vmul.f32 v11, v3;
	v12 =	vmul.f32 v52, v4  }
0xe7: {  	v13 =	vmul.f32 v53, v5;
	v14 =	vmul.f32 v54, v6  }
0xe8: {  	v15 =	vmul.f32 v15, v7;
	v16 =	vmul.f32 v55, v8  }
0xe9: {  	v17 =	vmul.f32 v56, v9;
	v18 =	vmul.f32 v57, v10  }
0xea: {  	v11 =	vadd.f32 v12, v11;
	v58 =	vadd.f32 v14, v13  }
0xeb: {  	s26 =	sadd.s32 $0x900, s22;
	v59 =	vadd.f32 v16, v15;
	v60 =	vadd.f32 v18, v17  }
0xec: {  	v61 =	vor.u32 s26, v2  }
0xed: {  	v11 =	vadd.f32 v58, v11;
	v62 =	vadd.f32 v60, v59;
	_ =	sdelay $0x1  }
0xee: {  	v11 =	vadd.f32 v62, v11;
	_ =	sdelay $0x1  }
0xef: {  	[tilespmem:v61+s14+$0x0] =	vst.idx.msk $0xffff, v11  }
0xf0: {  	v11 =	vld [tilespmem:s21+$0xFC0]  }
0xf1: {  	v63 =	vld [tilespmem:s21+$0xFD0]  }
0xf2: {  	v21 =	vld [tilespmem:s21+$0xFE0]  }
0xf3: {  	v22 =	vld [tilespmem:s21+$0xFF0]  }
0xf4: {  	v15 =	vld [tilespmem:s21+$0x1000]  }
0xf5: {  	v23 =	vld [tilespmem:s21+$0x1010]  }
0xf6: {  	v24 =	vld [tilespmem:s21+$0x1020]  }
0xf7: {  	v25 =	vld [tilespmem:s21+$0x1030];
	_ =	sdelay $0x1  }
0xf8: {  	v11 =	vmul.f32 v11, v3;
	v12 =	vmul.f32 v63, v4  }
0xf9: {  	v13 =	vmul.f32 v21, v5;
	v14 =	vmul.f32 v22, v6  }
0xfa: {  	v15 =	vmul.f32 v15, v7;
	v16 =	vmul.f32 v23, v8  }
0xfb: {  	v17 =	vmul.f32 v24, v9;
	v18 =	vmul.f32 v25, v10  }
0xfc: {  	v11 =	vadd.f32 v12, v11;
	v26 =	vadd.f32 v14, v13  }
0xfd: {  	s28 =	sadd.s32 $0xA00, s22;
	v27 =	vadd.f32 v16, v15;
	v28 =	vadd.f32 v18, v17  }
0xfe: {  	v29 =	vor.u32 s28, v2  }
0xff: {  	v11 =	vadd.f32 v26, v11;
	v30 =	vadd.f32 v28, v27;
	_ =	sdelay $0x1  }
0x100: {  	v11 =	vadd.f32 v30, v11;
	_ =	sdelay $0x1  }
0x101: {  	[tilespmem:v29+s14+$0x0] =	vst.idx.msk $0xffff, v11  }
0x102: {  	v11 =	vld [tilespmem:s21+$0x13C0]  }
0x103: {  	v31 =	vld [tilespmem:s21+$0x13D0]  }
0x104: {  	v32 =	vld [tilespmem:s21+$0x13E0]  }
0x105: {  	v33 =	vld [tilespmem:s21+$0x13F0]  }
0x106: {  	v15 =	vld [tilespmem:s21+$0x1400]  }
0x107: {  	v34 =	vld [tilespmem:s21+$0x1410]  }
0x108: {  	v35 =	vld [tilespmem:s21+$0x1420]  }
0x109: {  	v36 =	vld [tilespmem:s21+$0x1430];
	_ =	sdelay $0x1  }
0x10a: {  	v11 =	vmul.f32 v11, v3;
	v12 =	vmul.f32 v31, v4  }
0x10b: {  	v13 =	vmul.f32 v32, v5;
	v14 =	vmul.f32 v33, v6  }
0x10c: {  	v15 =	vmul.f32 v15, v7;
	v16 =	vmul.f32 v34, v8  }
0x10d: {  	v17 =	vmul.f32 v35, v9;
	v18 =	vmul.f32 v36, v10  }
0x10e: {  	v11 =	vadd.f32 v12, v11;
	v37 =	vadd.f32 v14, v13  }
0x10f: {  	s29 =	sadd.s32 $0xB00, s22;
	v38 =	vadd.f32 v16, v15;
	v39 =	vadd.f32 v18, v17  }
0x110: {  	v40 =	vor.u32 s29, v2  }
0x111: {  	v11 =	vadd.f32 v37, v11;
	v41 =	vadd.f32 v39, v38;
	_ =	sdelay $0x1  }
0x112: {  	v11 =	vadd.f32 v41, v11;
	_ =	sdelay $0x1  }
0x113: {  	[tilespmem:v40+s14+$0x0] =	vst.idx.msk $0xffff, v11  }
0x114: {  	v11 =	vld [tilespmem:s21+$0x17C0]  }
0x115: {  	v42 =	vld [tilespmem:s21+$0x17D0]  }
0x116: {  	v43 =	vld [tilespmem:s21+$0x17E0]  }
0x117: {  	v44 =	vld [tilespmem:s21+$0x17F0]  }
0x118: {  	v15 =	vld [tilespmem:s21+$0x1800]  }
0x119: {  	v45 =	vld [tilespmem:s21+$0x1810]  }
0x11a: {  	v46 =	vld [tilespmem:s21+$0x1820]  }
0x11b: {  	v47 =	vld [tilespmem:s21+$0x1830];
	_ =	sdelay $0x1  }
0x11c: {  	v11 =	vmul.f32 v11, v3;
	v12 =	vmul.f32 v42, v4  }
0x11d: {  	v13 =	vmul.f32 v43, v5;
	v14 =	vmul.f32 v44, v6  }
0x11e: {  	v15 =	vmul.f32 v15, v7;
	v16 =	vmul.f32 v45, v8  }
0x11f: {  	v17 =	vmul.f32 v46, v9;
	v18 =	vmul.f32 v47, v10  }
0x120: {  	v11 =	vadd.f32 v12, v11;
	v48 =	vadd.f32 v14, v13  }
0x121: {  	s30 =	sadd.s32 $0xC00, s22;
	v49 =	vadd.f32 v16, v15;
	v50 =	vadd.f32 v18, v17  }
0x122: {  	v51 =	vor.u32 s30, v2  }
0x123: {  	v11 =	vadd.f32 v48, v11;
	v52 =	vadd.f32 v50, v49;
	_ =	sdelay $0x1  }
0x124: {  	v11 =	vadd.f32 v52, v11;
	_ =	sdelay $0x1  }
0x125: {  	[tilespmem:v51+s14+$0x0] =	vst.idx.msk $0xffff, v11  }
0x126: {  	v11 =	vld [tilespmem:s21+$0x1BC0]  }
0x127: {  	v53 =	vld [tilespmem:s21+$0x1BD0]  }
0x128: {  	v54 =	vld [tilespmem:s21+$0x1BE0]  }
0x129: {  	v55 =	vld [tilespmem:s21+$0x1BF0]  }
0x12a: {  	v15 =	vld [tilespmem:s21+$0x1C00]  }
0x12b: {  	v56 =	vld [tilespmem:s21+$0x1C10]  }
0x12c: {  	v57 =	vld [tilespmem:s21+$0x1C20]  }
0x12d: {  	v58 =	vld [tilespmem:s21+$0x1C30];
	_ =	sdelay $0x1  }
0x12e: {  	v3 =	vmul.f32 v11, v3;
	v4 =	vmul.f32 v53, v4  }
0x12f: {  	v5 =	vmul.f32 v54, v5;
	v6 =	vmul.f32 v55, v6  }
0x130: {  	v7 =	vmul.f32 v15, v7;
	v8 =	vmul.f32 v56, v8  }
0x131: {  	v9 =	vmul.f32 v57, v9;
	v10 =	vmul.f32 v58, v10  }
0x132: {  	v3 =	vadd.f32 v4, v3;
	v59 =	vadd.f32 v6, v5  }
0x133: {  	s31 =	sadd.s32 $0xD00, s22;
	v60 =	vadd.f32 v8, v7;
	v61 =	vadd.f32 v10, v9  }
0x134: {  	p0 =	sne.s32 s22, $0x7;
	v62 =	vor.u32 s31, v2  }
.Ltmp2:
0x135: {  	v3 =	vadd.f32 v59, v3;
	v63 =	vadd.f32 v61, v60;
	(pc) =	sbr.rel @p0 .LBB2_7-.Ltmp2, $3  }
0x136: {  	_ = 	snop  }
0x137: {  	v3 =	vadd.f32 v63, v3;
	_ =	sdelay $0x1  }
0x138: {  	s22 =	sadd.s32 $0x1, s22;
	s21 =	sadd.s32 $0x80, s21;
	[tilespmem:v62+s14+$0x0] =	vst.idx.msk $0xffff, v3  }
0x139: {  	p0 =	seq.s32 s19, $0x7  }
0x13a: {  	s21 =	smul.u32 @!p0 $0x3C0, s19;
	_ =	sdelay $0x1  }
0x13b: {  	s21 =	sshra.s32 @!p0 s21, $0x2  }
0x13c: {  	s23 =	simm.s32 @!p0 $0x78;
	s24 =	simm.s32 @!p0 $0xF00;
	s22 =	sadd.s32 @!p0 $0x870, s21  }
0x13d: {  	[tilespmem:s24], [sflag:$0x1] =	stream.indirect.gather @!p0 [hbm4b:s2+s23], $0x80, s22, s23, $0xb8;
	[tilespmem:$0x9D00] =	vst v63  }
0x13e: {  	_ =	swait.ge [sflag:s15], $0x3C00  }
0x13f: {  	[sflag:s15] =	ssyncset.done $0x0  }
0x140: {  	s22 =	simm.s32 $0x0;
	s23 =	simm.s32 $0x708;
	[sflag:s15] =	ssyncadd.s32 $0xFFFFC400  }
.LBB2_9:
0x141: {  	s24 =	sshra.s32 s22, $0x2  }
0x142: {  	v3 =	vld [tilespmem:s24+$0x4B00]  }
0x143: {  	v4 =	vld [tilespmem:s24+$0x4B10]  }
0x144: {  	v5 =	vld [tilespmem:s24+$0x4B20]  }
0x145: {  	v6 =	vld [tilespmem:s24+$0x4B30]  }
0x146: {  	v7 =	vld [tilespmem:s24+$0x4B40]  }
0x147: {  	v8 =	vld [tilespmem:s24+$0x4B50]  }
0x148: {  	v9 =	vld [tilespmem:s24+$0x4B60]  }
0x149: {  	v10 =	vld [tilespmem:s24+$0x4B70]  }
0x14a: {  	v11 =	vld [tilespmem:s24+$0x4F00]  }
0x14b: {  	v12 =	vld [tilespmem:s24+$0x4F10]  }
0x14c: {  	v13 =	vld [tilespmem:s24+$0x4F20]  }
0x14d: {  	v14 =	vld [tilespmem:s24+$0x4F30]  }
0x14e: {  	v15 =	vld [tilespmem:s24+$0x4F40]  }
0x14f: {  	v16 =	vld [tilespmem:s24+$0x4F50]  }
0x150: {  	v17 =	vld [tilespmem:s24+$0x4F60]  }
0x151: {  	v18 =	vld [tilespmem:s24+$0x4F70];
	_ =	sdelay $0x1  }
0x152: {  	v11 =	vmul.f32 v11, v3;
	v12 =	vmul.f32 v12, v4  }
0x153: {  	v13 =	vmul.f32 v13, v5;
	v14 =	vmul.f32 v14, v6  }
0x154: {  	v15 =	vmul.f32 v15, v7;
	v16 =	vmul.f32 v16, v8  }
0x155: {  	v17 =	vmul.f32 v17, v9;
	v18 =	vmul.f32 v18, v10  }
0x156: {  	v11 =	vadd.f32 v12, v11;
	v45 =	vadd.f32 v14, v13  }
0x157: {  	s25 =	sadd.s32 $0xFFFFF900, s23;
	v46 =	vadd.f32 v16, v15;
	v47 =	vadd.f32 v18, v17  }
0x158: {  	v48 =	vor.u32 s25, v2  }
0x159: {  	v11 =	vadd.f32 v45, v11;
	v49 =	vadd.f32 v47, v46;
	_ =	sdelay $0x1  }
0x15a: {  	v11 =	vadd.f32 v49, v11;
	_ =	sdelay $0x1  }
0x15b: {  	[tilespmem:v48+s14+$0x0] =	vst.idx.msk $0xffff, v11  }
0x15c: {  	v11 =	vld [tilespmem:s24+$0x5300]  }
0x15d: {  	v50 =	vld [tilespmem:s24+$0x5310]  }
0x15e: {  	v51 =	vld [tilespmem:s24+$0x5320]  }
0x15f: {  	v52 =	vld [tilespmem:s24+$0x5330]  }
0x160: {  	v15 =	vld [tilespmem:s24+$0x5340]  }
0x161: {  	v53 =	vld [tilespmem:s24+$0x5350]  }
0x162: {  	v54 =	vld [tilespmem:s24+$0x5360]  }
0x163: {  	v55 =	vld [tilespmem:s24+$0x5370];
	_ =	sdelay $0x1  }
0x164: {  	v11 =	vmul.f32 v11, v3;
	v12 =	vmul.f32 v50, v4  }
0x165: {  	v13 =	vmul.f32 v51, v5;
	v14 =	vmul.f32 v52, v6  }
0x166: {  	v15 =	vmul.f32 v15, v7;
	v16 =	vmul.f32 v53, v8  }
0x167: {  	v17 =	vmul.f32 v54, v9;
	v18 =	vmul.f32 v55, v10  }
0x168: {  	v11 =	vadd.f32 v12, v11;
	v56 =	vadd.f32 v14, v13  }
0x169: {  	s30 =	sadd.s32 $0xFFFFFA00, s23;
	v57 =	vadd.f32 v16, v15;
	v58 =	vadd.f32 v18, v17  }
0x16a: {  	v59 =	vor.u32 s30, v2  }
0x16b: {  	v11 =	vadd.f32 v56, v11;
	v60 =	vadd.f32 v58, v57;
	_ =	sdelay $0x1  }
0x16c: {  	v11 =	vadd.f32 v60, v11;
	_ =	sdelay $0x1  }
0x16d: {  	[tilespmem:v59+s14+$0x0] =	vst.idx.msk $0xffff, v11  }
0x16e: {  	v11 =	vld [tilespmem:s24+$0x5700]  }
0x16f: {  	v61 =	vld [tilespmem:s24+$0x5710]  }
0x170: {  	v62 =	vld [tilespmem:s24+$0x5720]  }
0x171: {  	v63 =	vld [tilespmem:s24+$0x5730]  }
0x172: {  	v15 =	vld [tilespmem:s24+$0x5740]  }
0x173: {  	v21 =	vld [tilespmem:s24+$0x5750]  }
0x174: {  	v22 =	vld [tilespmem:s24+$0x5760]  }
0x175: {  	v23 =	vld [tilespmem:s24+$0x5770];
	_ =	sdelay $0x1  }
0x176: {  	v11 =	vmul.f32 v11, v3;
	v12 =	vmul.f32 v61, v4  }
0x177: {  	v13 =	vmul.f32 v62, v5;
	v14 =	vmul.f32 v63, v6  }
0x178: {  	v15 =	vmul.f32 v15, v7;
	v16 =	vmul.f32 v21, v8  }
0x179: {  	v17 =	vmul.f32 v22, v9;
	v18 =	vmul.f32 v23, v10  }
0x17a: {  	v11 =	vadd.f32 v12, v11;
	v24 =	vadd.f32 v14, v13  }
0x17b: {  	s31 =	sadd.s32 $0xFFFFFB00, s23;
	v25 =	vadd.f32 v16, v15;
	v26 =	vadd.f32 v18, v17  }
0x17c: {  	v27 =	vor.u32 s31, v2  }
0x17d: {  	v11 =	vadd.f32 v24, v11;
	v28 =	vadd.f32 v26, v25;
	_ =	sdelay $0x1  }
0x17e: {  	v11 =	vadd.f32 v28, v11;
	_ =	sdelay $0x1  }
0x17f: {  	[tilespmem:v27+s14+$0x0] =	vst.idx.msk $0xffff, v11  }
0x180: {  	v11 =	vld [tilespmem:s24+$0x5B00]  }
0x181: {  	v29 =	vld [tilespmem:s24+$0x5B10]  }
0x182: {  	v30 =	vld [tilespmem:s24+$0x5B20]  }
0x183: {  	v31 =	vld [tilespmem:s24+$0x5B30]  }
0x184: {  	v15 =	vld [tilespmem:s24+$0x5B40]  }
0x185: {  	v32 =	vld [tilespmem:s24+$0x5B50]  }
0x186: {  	v33 =	vld [tilespmem:s24+$0x5B60]  }
0x187: {  	v34 =	vld [tilespmem:s24+$0x5B70];
	_ =	sdelay $0x1  }
0x188: {  	v11 =	vmul.f32 v11, v3;
	v12 =	vmul.f32 v29, v4  }
0x189: {  	v13 =	vmul.f32 v30, v5;
	v14 =	vmul.f32 v31, v6  }
0x18a: {  	v15 =	vmul.f32 v15, v7;
	v16 =	vmul.f32 v32, v8  }
0x18b: {  	v17 =	vmul.f32 v33, v9;
	v18 =	vmul.f32 v34, v10  }
0x18c: {  	v11 =	vadd.f32 v12, v11;
	v35 =	vadd.f32 v14, v13  }
0x18d: {  	s26 =	sadd.s32 $0xFFFFFC00, s23;
	v36 =	vadd.f32 v16, v15;
	v37 =	vadd.f32 v18, v17  }
0x18e: {  	v38 =	vor.u32 s26, v2  }
0x18f: {  	v11 =	vadd.f32 v35, v11;
	v39 =	vadd.f32 v37, v36;
	_ =	sdelay $0x1  }
0x190: {  	v11 =	vadd.f32 v39, v11;
	_ =	sdelay $0x1  }
0x191: {  	[tilespmem:v38+s14+$0x0] =	vst.idx.msk $0xffff, v11  }
0x192: {  	v11 =	vld [tilespmem:s24+$0x5F00]  }
0x193: {  	v40 =	vld [tilespmem:s24+$0x5F10]  }
0x194: {  	v41 =	vld [tilespmem:s24+$0x5F20]  }
0x195: {  	v42 =	vld [tilespmem:s24+$0x5F30]  }
0x196: {  	v15 =	vld [tilespmem:s24+$0x5F40]  }
0x197: {  	v43 =	vld [tilespmem:s24+$0x5F50]  }
0x198: {  	v44 =	vld [tilespmem:s24+$0x5F60]  }
0x199: {  	v45 =	vld [tilespmem:s24+$0x5F70];
	_ =	sdelay $0x1  }
0x19a: {  	v11 =	vmul.f32 v11, v3;
	v12 =	vmul.f32 v40, v4  }
0x19b: {  	v13 =	vmul.f32 v41, v5;
	v14 =	vmul.f32 v42, v6  }
0x19c: {  	v15 =	vmul.f32 v15, v7;
	v16 =	vmul.f32 v43, v8  }
0x19d: {  	v17 =	vmul.f32 v44, v9;
	v18 =	vmul.f32 v45, v10  }
0x19e: {  	v11 =	vadd.f32 v12, v11;
	v46 =	vadd.f32 v14, v13  }
0x19f: {  	s28 =	sadd.s32 $0xFFFFFD00, s23;
	v47 =	vadd.f32 v16, v15;
	v48 =	vadd.f32 v18, v17  }
0x1a0: {  	v49 =	vor.u32 s28, v2  }
0x1a1: {  	v11 =	vadd.f32 v46, v11;
	v50 =	vadd.f32 v48, v47;
	_ =	sdelay $0x1  }
0x1a2: {  	v11 =	vadd.f32 v50, v11;
	_ =	sdelay $0x1  }
0x1a3: {  	[tilespmem:v49+s14+$0x0] =	vst.idx.msk $0xffff, v11  }
0x1a4: {  	v11 =	vld [tilespmem:s24+$0x6300]  }
0x1a5: {  	v51 =	vld [tilespmem:s24+$0x6310]  }
0x1a6: {  	v52 =	vld [tilespmem:s24+$0x6320]  }
0x1a7: {  	v53 =	vld [tilespmem:s24+$0x6330]  }
0x1a8: {  	v15 =	vld [tilespmem:s24+$0x6340]  }
0x1a9: {  	v54 =	vld [tilespmem:s24+$0x6350]  }
0x1aa: {  	v55 =	vld [tilespmem:s24+$0x6360]  }
0x1ab: {  	v56 =	vld [tilespmem:s24+$0x6370];
	_ =	sdelay $0x1  }
0x1ac: {  	v11 =	vmul.f32 v11, v3;
	v12 =	vmul.f32 v51, v4  }
0x1ad: {  	v13 =	vmul.f32 v52, v5;
	v14 =	vmul.f32 v53, v6  }
0x1ae: {  	v15 =	vmul.f32 v15, v7;
	v16 =	vmul.f32 v54, v8  }
0x1af: {  	v17 =	vmul.f32 v55, v9;
	v18 =	vmul.f32 v56, v10  }
0x1b0: {  	v11 =	vadd.f32 v12, v11;
	v57 =	vadd.f32 v14, v13  }
0x1b1: {  	s29 =	sadd.s32 $0xFFFFFE00, s23;
	v58 =	vadd.f32 v16, v15;
	v59 =	vadd.f32 v18, v17  }
0x1b2: {  	v60 =	vor.u32 s29, v2  }
0x1b3: {  	v11 =	vadd.f32 v57, v11;
	v61 =	vadd.f32 v59, v58;
	_ =	sdelay $0x1  }
0x1b4: {  	v11 =	vadd.f32 v61, v11;
	_ =	sdelay $0x1  }
0x1b5: {  	[tilespmem:v60+s14+$0x0] =	vst.idx.msk $0xffff, v11  }
0x1b6: {  	v11 =	vld [tilespmem:s24+$0x6700]  }
0x1b7: {  	v62 =	vld [tilespmem:s24+$0x6710]  }
0x1b8: {  	v63 =	vld [tilespmem:s24+$0x6720]  }
0x1b9: {  	v21 =	vld [tilespmem:s24+$0x6730]  }
0x1ba: {  	v15 =	vld [tilespmem:s24+$0x6740]  }
0x1bb: {  	v22 =	vld [tilespmem:s24+$0x6750]  }
0x1bc: {  	v23 =	vld [tilespmem:s24+$0x6760]  }
0x1bd: {  	v24 =	vld [tilespmem:s24+$0x6770];
	_ =	sdelay $0x1  }
0x1be: {  	v11 =	vmul.f32 v11, v3;
	v12 =	vmul.f32 v62, v4  }
0x1bf: {  	v13 =	vmul.f32 v63, v5;
	v14 =	vmul.f32 v21, v6  }
0x1c0: {  	v15 =	vmul.f32 v15, v7;
	v16 =	vmul.f32 v22, v8  }
0x1c1: {  	v17 =	vmul.f32 v23, v9;
	v18 =	vmul.f32 v24, v10  }
0x1c2: {  	v11 =	vadd.f32 v12, v11;
	v25 =	vadd.f32 v14, v13  }
0x1c3: {  	s30 =	sadd.s32 $0xFFFFFF00, s23;
	v26 =	vadd.f32 v16, v15;
	v27 =	vadd.f32 v18, v17  }
0x1c4: {  	v28 =	vor.u32 s30, v2  }
0x1c5: {  	v11 =	vadd.f32 v25, v11;
	v29 =	vadd.f32 v27, v26;
	_ =	sdelay $0x1  }
0x1c6: {  	v11 =	vadd.f32 v29, v11;
	_ =	sdelay $0x1  }
0x1c7: {  	[tilespmem:v28+s14+$0x0] =	vst.idx.msk $0xffff, v11  }
0x1c8: {  	v11 =	vld [tilespmem:s24+$0x6B00]  }
0x1c9: {  	v30 =	vld [tilespmem:s24+$0x6B10]  }
0x1ca: {  	v31 =	vld [tilespmem:s24+$0x6B20]  }
0x1cb: {  	v32 =	vld [tilespmem:s24+$0x6B30]  }
0x1cc: {  	v15 =	vld [tilespmem:s24+$0x6B40]  }
0x1cd: {  	v33 =	vld [tilespmem:s24+$0x6B50]  }
0x1ce: {  	v34 =	vld [tilespmem:s24+$0x6B60]  }
0x1cf: {  	v35 =	vld [tilespmem:s24+$0x6B70];
	_ =	sdelay $0x1  }
0x1d0: {  	v11 =	vmul.f32 v11, v3;
	v12 =	vmul.f32 v30, v4  }
0x1d1: {  	v13 =	vmul.f32 v31, v5;
	v14 =	vmul.f32 v32, v6  }
0x1d2: {  	v15 =	vmul.f32 v15, v7;
	v16 =	vmul.f32 v33, v8  }
0x1d3: {  	v17 =	vmul.f32 v34, v9;
	v18 =	vmul.f32 v35, v10  }
0x1d4: {  	v11 =	vadd.f32 v12, v11;
	v36 =	vadd.f32 v14, v13  }
0x1d5: {  	v37 =	vadd.f32 v16, v15;
	v38 =	vadd.f32 v18, v17  }
0x1d6: {  	v39 =	vor.u32 s23, v2  }
0x1d7: {  	v11 =	vadd.f32 v36, v11;
	v40 =	vadd.f32 v38, v37;
	_ =	sdelay $0x1  }
0x1d8: {  	v11 =	vadd.f32 v40, v11;
	_ =	sdelay $0x1  }
0x1d9: {  	[tilespmem:v39+s14+$0x0] =	vst.idx.msk $0xffff, v11  }
0x1da: {  	v11 =	vld [tilespmem:s24+$0x6F00]  }
0x1db: {  	v41 =	vld [tilespmem:s24+$0x6F10]  }
0x1dc: {  	v42 =	vld [tilespmem:s24+$0x6F20]  }
0x1dd: {  	v43 =	vld [tilespmem:s24+$0x6F30]  }
0x1de: {  	v15 =	vld [tilespmem:s24+$0x6F40]  }
0x1df: {  	v44 =	vld [tilespmem:s24+$0x6F50]  }
0x1e0: {  	v45 =	vld [tilespmem:s24+$0x6F60]  }
0x1e1: {  	v46 =	vld [tilespmem:s24+$0x6F70];
	_ =	sdelay $0x1  }
0x1e2: {  	v11 =	vmul.f32 v11, v3;
	v12 =	vmul.f32 v41, v4  }
0x1e3: {  	v13 =	vmul.f32 v42, v5;
	v14 =	vmul.f32 v43, v6  }
0x1e4: {  	v15 =	vmul.f32 v15, v7;
	v16 =	vmul.f32 v44, v8  }
0x1e5: {  	v17 =	vmul.f32 v45, v9;
	v18 =	vmul.f32 v46, v10  }
0x1e6: {  	v11 =	vadd.f32 v12, v11;
	v47 =	vadd.f32 v14, v13  }
0x1e7: {  	s31 =	sadd.s32 $0x100, s23;
	v48 =	vadd.f32 v16, v15;
	v49 =	vadd.f32 v18, v17  }
0x1e8: {  	v50 =	vor.u32 s31, v2  }
0x1e9: {  	v11 =	vadd.f32 v47, v11;
	v51 =	vadd.f32 v49, v48;
	_ =	sdelay $0x1  }
0x1ea: {  	v11 =	vadd.f32 v51, v11;
	_ =	sdelay $0x1  }
0x1eb: {  	[tilespmem:v50+s14+$0x0] =	vst.idx.msk $0xffff, v11  }
0x1ec: {  	v11 =	vld [tilespmem:s24+$0x7300]  }
0x1ed: {  	v52 =	vld [tilespmem:s24+$0x7310]  }
0x1ee: {  	v53 =	vld [tilespmem:s24+$0x7320]  }
0x1ef: {  	v54 =	vld [tilespmem:s24+$0x7330]  }
0x1f0: {  	v15 =	vld [tilespmem:s24+$0x7340]  }
0x1f1: {  	v55 =	vld [tilespmem:s24+$0x7350]  }
0x1f2: {  	v56 =	vld [tilespmem:s24+$0x7360]  }
0x1f3: {  	v57 =	vld [tilespmem:s24+$0x7370];
	_ =	sdelay $0x1  }
0x1f4: {  	v11 =	vmul.f32 v11, v3;
	v12 =	vmul.f32 v52, v4  }
0x1f5: {  	v13 =	vmul.f32 v53, v5;
	v14 =	vmul.f32 v54, v6  }
0x1f6: {  	v15 =	vmul.f32 v15, v7;
	v16 =	vmul.f32 v55, v8  }
0x1f7: {  	v17 =	vmul.f32 v56, v9;
	v18 =	vmul.f32 v57, v10  }
0x1f8: {  	v11 =	vadd.f32 v12, v11;
	v58 =	vadd.f32 v14, v13  }
0x1f9: {  	s26 =	sadd.s32 $0x200, s23;
	v59 =	vadd.f32 v16, v15;
	v60 =	vadd.f32 v18, v17  }
0x1fa: {  	v61 =	vor.u32 s26, v2  }
0x1fb: {  	v11 =	vadd.f32 v58, v11;
	v62 =	vadd.f32 v60, v59;
	_ =	sdelay $0x1  }
0x1fc: {  	v11 =	vadd.f32 v62, v11;
	_ =	sdelay $0x1  }
0x1fd: {  	[tilespmem:v61+s14+$0x0] =	vst.idx.msk $0xffff, v11  }
0x1fe: {  	v11 =	vld [tilespmem:s24+$0x7700]  }
0x1ff: {  	v63 =	vld [tilespmem:s24+$0x7710]  }
0x200: {  	v21 =	vld [tilespmem:s24+$0x7720]  }
0x201: {  	v22 =	vld [tilespmem:s24+$0x7730]  }
0x202: {  	v15 =	vld [tilespmem:s24+$0x7740]  }
0x203: {  	v23 =	vld [tilespmem:s24+$0x7750]  }
0x204: {  	v24 =	vld [tilespmem:s24+$0x7760]  }
0x205: {  	v25 =	vld [tilespmem:s24+$0x7770];
	_ =	sdelay $0x1  }
0x206: {  	v11 =	vmul.f32 v11, v3;
	v12 =	vmul.f32 v63, v4  }
0x207: {  	v13 =	vmul.f32 v21, v5;
	v14 =	vmul.f32 v22, v6  }
0x208: {  	v15 =	vmul.f32 v15, v7;
	v16 =	vmul.f32 v23, v8  }
0x209: {  	v17 =	vmul.f32 v24, v9;
	v18 =	vmul.f32 v25, v10  }
0x20a: {  	v11 =	vadd.f32 v12, v11;
	v26 =	vadd.f32 v14, v13  }
0x20b: {  	s28 =	sadd.s32 $0x300, s23;
	v27 =	vadd.f32 v16, v15;
	v28 =	vadd.f32 v18, v17  }
0x20c: {  	v29 =	vor.u32 s28, v2  }
0x20d: {  	v11 =	vadd.f32 v26, v11;
	v30 =	vadd.f32 v28, v27;
	_ =	sdelay $0x1  }
0x20e: {  	v11 =	vadd.f32 v30, v11;
	_ =	sdelay $0x1  }
0x20f: {  	[tilespmem:v29+s14+$0x0] =	vst.idx.msk $0xffff, v11  }
0x210: {  	v11 =	vld [tilespmem:s24+$0x7B00]  }
0x211: {  	v31 =	vld [tilespmem:s24+$0x7B10]  }
0x212: {  	v32 =	vld [tilespmem:s24+$0x7B20]  }
0x213: {  	v33 =	vld [tilespmem:s24+$0x7B30]  }
0x214: {  	v15 =	vld [tilespmem:s24+$0x7B40]  }
0x215: {  	v34 =	vld [tilespmem:s24+$0x7B50]  }
0x216: {  	v35 =	vld [tilespmem:s24+$0x7B60]  }
0x217: {  	v36 =	vld [tilespmem:s24+$0x7B70];
	_ =	sdelay $0x1  }
0x218: {  	v11 =	vmul.f32 v11, v3;
	v12 =	vmul.f32 v31, v4  }
0x219: {  	v13 =	vmul.f32 v32, v5;
	v14 =	vmul.f32 v33, v6  }
0x21a: {  	v15 =	vmul.f32 v15, v7;
	v16 =	vmul.f32 v34, v8  }
0x21b: {  	v17 =	vmul.f32 v35, v9;
	v18 =	vmul.f32 v36, v10  }
0x21c: {  	v11 =	vadd.f32 v12, v11;
	v37 =	vadd.f32 v14, v13  }
0x21d: {  	s29 =	sadd.s32 $0x400, s23;
	v38 =	vadd.f32 v16, v15;
	v39 =	vadd.f32 v18, v17  }
0x21e: {  	v40 =	vor.u32 s29, v2  }
0x21f: {  	v11 =	vadd.f32 v37, v11;
	v41 =	vadd.f32 v39, v38;
	_ =	sdelay $0x1  }
0x220: {  	v11 =	vadd.f32 v41, v11;
	_ =	sdelay $0x1  }
0x221: {  	[tilespmem:v40+s14+$0x0] =	vst.idx.msk $0xffff, v11  }
0x222: {  	v11 =	vld [tilespmem:s24+$0x7F00]  }
0x223: {  	v42 =	vld [tilespmem:s24+$0x7F10]  }
0x224: {  	v43 =	vld [tilespmem:s24+$0x7F20]  }
0x225: {  	v44 =	vld [tilespmem:s24+$0x7F30]  }
0x226: {  	v15 =	vld [tilespmem:s24+$0x7F40]  }
0x227: {  	v45 =	vld [tilespmem:s24+$0x7F50]  }
0x228: {  	v46 =	vld [tilespmem:s24+$0x7F60]  }
0x229: {  	v47 =	vld [tilespmem:s24+$0x7F70];
	_ =	sdelay $0x1  }
0x22a: {  	v11 =	vmul.f32 v11, v3;
	v12 =	vmul.f32 v42, v4  }
0x22b: {  	v13 =	vmul.f32 v43, v5;
	v14 =	vmul.f32 v44, v6  }
0x22c: {  	v15 =	vmul.f32 v15, v7;
	v16 =	vmul.f32 v45, v8  }
0x22d: {  	v17 =	vmul.f32 v46, v9;
	v18 =	vmul.f32 v47, v10  }
0x22e: {  	v11 =	vadd.f32 v12, v11;
	v48 =	vadd.f32 v14, v13  }
0x22f: {  	s30 =	sadd.s32 $0x500, s23;
	v49 =	vadd.f32 v16, v15;
	v50 =	vadd.f32 v18, v17  }
0x230: {  	v51 =	vor.u32 s30, v2  }
0x231: {  	v11 =	vadd.f32 v48, v11;
	v52 =	vadd.f32 v50, v49;
	_ =	sdelay $0x1  }
0x232: {  	v11 =	vadd.f32 v52, v11;
	_ =	sdelay $0x1  }
0x233: {  	[tilespmem:v51+s14+$0x0] =	vst.idx.msk $0xffff, v11  }
0x234: {  	v11 =	vld [tilespmem:s24+$0x8300]  }
0x235: {  	v53 =	vld [tilespmem:s24+$0x8310]  }
0x236: {  	v54 =	vld [tilespmem:s24+$0x8320]  }
0x237: {  	v55 =	vld [tilespmem:s24+$0x8330]  }
0x238: {  	v15 =	vld [tilespmem:s24+$0x8340]  }
0x239: {  	v56 =	vld [tilespmem:s24+$0x8350]  }
0x23a: {  	v57 =	vld [tilespmem:s24+$0x8360]  }
0x23b: {  	v58 =	vld [tilespmem:s24+$0x8370];
	_ =	sdelay $0x1  }
0x23c: {  	v3 =	vmul.f32 v11, v3;
	v4 =	vmul.f32 v53, v4  }
0x23d: {  	v5 =	vmul.f32 v54, v5;
	v6 =	vmul.f32 v55, v6  }
0x23e: {  	v7 =	vmul.f32 v15, v7;
	v8 =	vmul.f32 v56, v8  }
0x23f: {  	v9 =	vmul.f32 v57, v9;
	v10 =	vmul.f32 v58, v10  }
0x240: {  	v3 =	vadd.f32 v4, v3;
	v59 =	vadd.f32 v6, v5  }
0x241: {  	s31 =	sadd.s32 $0x600, s23;
	v60 =	vadd.f32 v8, v7;
	v61 =	vadd.f32 v10, v9  }
0x242: {  	p1 =	sne.s32 s22, $0xE00;
	v62 =	vor.u32 s31, v2  }
.Ltmp3:
0x243: {  	v3 =	vadd.f32 v59, v3;
	v63 =	vadd.f32 v61, v60;
	(pc) =	sbr.rel @p1 .LBB2_9-.Ltmp3, $3  }
0x244: {  	_ = 	snop  }
0x245: {  	v3 =	vadd.f32 v63, v3;
	_ =	sdelay $0x1  }
0x246: {  	s22 =	sadd.s32 $0x200, s22;
	s23 =	sadd.s32 $0x1, s23;
	[tilespmem:v62+s14+$0x0] =	vst.idx.msk $0xffff, v3  }
0x247: {  	s21 =	sadd.s32 @!p0 $0x8E8, s21;
	s22 =	simm.s32 @!p0 $0x78;
	s23 =	simm.s32 @!p0 $0x4B00  }
0x248: {  	[tilespmem:s23], [sflag:$0x2] =	stream.indirect.gather @!p0 [hbm4b:s2+s22], $0x80, s21, s22, $0xb8;
	[tilespmem:$0x9D00] =	vst v63  }
0x249: {  	s22 =	simm.s32 $0x8780  }
0x24a: {  	v4 =	vld [tilespmem:s22+$0xFFFFFF90]  }
0x24b: {  	v5 =	vld [tilespmem:s22+$0xFFFFFF80]  }
0x24c: {  	v6 =	vld [tilespmem:s22+$0xFFFFFFA0]  }
0x24d: {  	v7 =	vld [tilespmem:s22+$0xFFFFFFB0]  }
0x24e: {  	v8 =	vld [tilespmem:s22+$0xFFFFFFC0]  }
0x24f: {  	v9 =	vld [tilespmem:s22+$0xFFFFFFD0]  }
0x250: {  	v10 =	vld [tilespmem:s22+$0xFFFFFFE0]  }
0x251: {  	v11 =	vld [tilespmem:s22+$0xFFFFFFF0]  }
0x252: {  	v12 =	vld [tilespmem:s22+$0x0]  }
0x253: {  	v13 =	vld [tilespmem:s22+$0x10]  }
0x254: {  	v14 =	vld [tilespmem:s22+$0x20]  }
0x255: {  	v15 =	vld [tilespmem:s22+$0x30]  }
0x256: {  	v16 =	vld [tilespmem:s22+$0x40]  }
0x257: {  	v17 =	vld [tilespmem:s22+$0x50]  }
0x258: {  	v18 =	vld [tilespmem:s22+$0x60]  }
0x259: {  	v3 =	vmov s20;
	s21 =	simm.s32 $0x0;
	s23 =	simm.s32 $0x200;
	v19 =	vld [tilespmem:s22+$0x70]  }
.LBB2_11:
0x25a: {  	p0 =	sne.s32 s23, $0x1A00  }
0x25b: {  	v4 =	vadd.f32 v4, v5;
	v5 =	vadd.f32 v7, v6  }
0x25c: {  	v6 =	vadd.f32 v9, v8;
	v7 =	vadd.f32 v11, v10  }
0x25d: {  	v8 =	vadd.f32 v13, v12;
	v9 =	vadd.f32 v15, v14  }
0x25e: {  	v10 =	vadd.f32 v17, v16;
	v11 =	vadd.f32 v19, v18  }
0x25f: {  	v4 =	vadd.f32 v5, v4;
	v5 =	vadd.f32 v7, v6  }
0x260: {  	v6 =	vadd.f32 v9, v8;
	v7 =	vadd.f32 v11, v10;
	_ =	sdelay $0x1  }
0x261: {  	v4 =	vadd.f32 v5, v4;
	v5 =	vadd.f32 v7, v6;
	_ =	sdelay $0x1  }
0x262: {  	v4 =	vadd.f32 v5, v4  }
0x263: {  	s24 =	sshra.s32 s21, $0x2;
	s21 =	smov.u32 s23  }
0x264: {  	s22 =	sadd.s32 $0x100, s22;
	[tilespmem:v3+s24+$0x0 ss:$0x1] =	vst.idx.msk $0xffff, v4  }
0x265: {  	v4 =	vld [tilespmem:s22+$0xFFFFFF90]  }
0x266: {  	v5 =	vld [tilespmem:s22+$0xFFFFFF80]  }
0x267: {  	v6 =	vld [tilespmem:s22+$0xFFFFFFA0]  }
0x268: {  	v7 =	vld [tilespmem:s22+$0xFFFFFFB0]  }
0x269: {  	v8 =	vld [tilespmem:s22+$0xFFFFFFC0]  }
0x26a: {  	v9 =	vld [tilespmem:s22+$0xFFFFFFD0]  }
0x26b: {  	v10 =	vld [tilespmem:s22+$0xFFFFFFE0]  }
0x26c: {  	v11 =	vld [tilespmem:s22+$0xFFFFFFF0]  }
0x26d: {  	v12 =	vld [tilespmem:s22+$0x0]  }
0x26e: {  	v13 =	vld [tilespmem:s22+$0x10]  }
0x26f: {  	v14 =	vld [tilespmem:s22+$0x20]  }
.Ltmp4:
0x270: {  	v15 =	vld [tilespmem:s22+$0x30];
	(pc) =	sbr.rel @p0 .LBB2_11-.Ltmp4, $4  }
0x271: {  	v16 =	vld [tilespmem:s22+$0x40]  }
0x272: {  	v17 =	vld [tilespmem:s22+$0x50]  }
0x273: {  	v18 =	vld [tilespmem:s22+$0x60]  }
0x274: {  	s23 =	sadd.s32 $0x200, s23;
	v19 =	vld [tilespmem:s22+$0x70]  }
0x275: {  	_ = 	snop  }
0x276: {  	v4 =	vadd.f32 v4, v5;
	v53 =	vadd.f32 v7, v6  }
0x277: {  	v54 =	vadd.f32 v9, v8;
	v55 =	vadd.f32 v11, v10  }
0x278: {  	v56 =	vadd.f32 v13, v12;
	v57 =	vadd.f32 v15, v14  }
0x279: {  	v58 =	vadd.f32 v17, v16;
	v59 =	vadd.f32 v19, v18  }
0x27a: {  	v4 =	vadd.f32 v53, v4;
	v60 =	vadd.f32 v55, v54  }
0x27b: {  	s19 =	sadd.s32 $0x1, s19;
	v61 =	vadd.f32 v57, v56;
	v62 =	vadd.f32 v59, v58  }
0x27c: {  	p0 =	sne.s32 s19, $0x8  }
.Ltmp5:
0x27d: {  	v4 =	vadd.f32 v60, v4;
	v63 =	vadd.f32 v62, v61;
	(pc) =	sbr.rel @p0 .LBB2_6-.Ltmp5, $4  }
0x27e: {  	_ = 	snop  }
0x27f: {  	v4 =	vadd.f32 v63, v4  }
0x280: {  	s21 =	sshra.s32 s21, $0x2  }
0x281: {  	s20 =	sadd.s32 $0x10, s20;
	[tilespmem:v3+s21+$0x0 ss:$0x1] =	vst.idx.msk $0xffff, v4  }
0x282: {  	[hbm4b:s5+s3] =	stream.linear.scatter [tilespmem:s16], [sflag:$0x3], $0x400, $0x38;
	[tilespmem:$0x9D00] =	vst v63  }
0x283: {  	s18 =	sadd.s32 $0x1, s18  }
0x284: {  	p0 =	sne.s32 s18, s6  }
.Ltmp6:
0x285: {  	s19 =	sadd.s32 $0x1000, s5;
	(pc) =	sbr.rel @p0 .LBB2_1-.Ltmp6, $4  }
0x286: {  	[hbm4b:s19+s3] =	stream.linear.scatter [tilespmem:s17], [sflag:$0x3], $0x300, $0x38;
	[tilespmem:$0x9D00] =	vst v63  }
0x287: {  	_ =	swait.ge [sflag:s7], $0x700  }
0x288: {  	[sflag:s7] =	ssyncset.done $0x0  }
0x289: {  	[sflag:s7] =	ssyncadd.s32 $0xFFFFF900  }
0x28a: {  	_ =	sfence.sel $0x180000  }
0x28b: {  	[bflag:$0x0] =	sbarrier.arrive $0xFFFF  }
0x28c: {  	p0 =	sne.s32 s1, $0x0;
	_ =	strace $0x90000047  }
0x28d: {  	s0 =	sadd.s32 @!p0 $0x100000, s0;
	[bflag:$0x2] =	sbarrier.arrive $0xFFFF  }
0x28e: {  	[sflag:s0] =	ssyncadd.tile.s32 @!p0 $0x1;
	_ =	shalt  }
.Lfunc_end2:
_tile_overlayer_lowered:
.L_overlay_start_2:
0x28f: {  	(tag) =	ssettag $0x2  }
0x290: {  	s0 =	rddreg [dreg:$0x0];
	s2 =	stileid.u32  }
0x291: {  	s1 =	rddreg [dreg:$0x1];
	p0 =	sne.s32 s2, $0x0  }
0x292: {  	s3 =	rddreg [dreg:$0x2];
	[bflag:$0x3] =	sbarrier.arrive $0xFFFF;
	s2 =	simm.s32 @!p0 $0x1C03  }
0x293: {  	[timem:s3], [sflag:s2] =	dma.local @!p0 [hbm:s0], s1  }
0x294: {  	s0 =	simm.s32 @!p0 $0x3  }
0x295: {  	_ =	swait.ge @!p0 [sflag:s0], s1  }
0x296: {  	s1 =	ssub.s32 @!p0 $0x0, s1;
	[sflag:s0] =	ssyncset.done @!p0 $0x0  }
0x297: {  	[sflag:s0] =	ssyncadd.s32 @!p0 s1  }
0x298: {  	[bflag:$0x3] =	sbarrier.arrive $0xFFFF  }
0x299: {  	_ =	shalt  }

</sc_bundles>
